<compile_context>
chip_gen: v7x
topology: tpu7x:2x2x1
jax: 0.10.2.dev20260603
libtpu: 0.0.44.dev20260713+nightly
codegen_flags: <defaults>
</compile_context>

<pallas_src>
import functools

import jax
import jax.numpy as jnp
from jax import lax
from jax.experimental import pallas as pl
from jax.experimental.pallas import tpu as pltpu
from jax.experimental.pallas import tpu_sc as plsc

N_NODES = 10000
D = 128
N_REL = 8
E = 320000
R_CAT = N_REL + 1

NC, NS = 2, 16
NW = NC * NS
EPW = E // NW
CHUNK = 125
NCH = EPW // CHUNK
NROW = 2
NIDX = 4
UNROLL = 4
ROWS_PT = 624
ROWS_TAIL = N_NODES - NS * ROWS_PT

_MESH = plsc.VectorSubcoreMesh(core_axis_name="c", subcore_axis_name="s")


def _mm_body(x_ref, w_ref, root_ref, o_ref):
    r = pl.program_id(0)

    @pl.when(r < R_CAT - 1)
    def _rel():
        o_ref[0] = jnp.dot(x_ref[...], w_ref[0],
                           preferred_element_type=jnp.float32)

    @pl.when(r == R_CAT - 1)
    def _root():
        o_ref[0] = jnp.dot(x_ref[...], root_ref[...],
                           preferred_element_type=jnp.float32)


def _tc_matmul(x, w, root):
    return pl.pallas_call(
        _mm_body,
        grid=(R_CAT,),
        in_specs=[
            pl.BlockSpec((N_NODES, D), lambda r: (0, 0)),
            pl.BlockSpec((1, D, D), lambda r: (jnp.minimum(r, N_REL - 1), 0, 0)),
            pl.BlockSpec((D, D), lambda r: (0, 0)),
        ],
        out_specs=pl.BlockSpec((1, N_NODES, D), lambda r: (r, 0, 0)),
        out_shape=jax.ShapeDtypeStruct((R_CAT, N_NODES, D), jnp.float32),
    )(x, w, root)


def _sc_body(hall, gidx_hbm, dst_hbm, zeros_hbm, out_hbm,
             ig_v, id_v, rows_v, agg_sp, igsems, idsems, gsems, ssems):
    c = lax.axis_index("c")
    s = lax.axis_index("s")
    wid = s * NC + c

    xr_base = (R_CAT - 1) * N_NODES

    @pl.when(c == 0)
    def _init_xr():
        pltpu.sync_copy(hall.at[pl.ds(xr_base + s * ROWS_PT, ROWS_PT)],
                        agg_sp.at[pl.ds(s * ROWS_PT, ROWS_PT)])

        @pl.when(s == 0)
        def _tail():
            pltpu.sync_copy(hall.at[pl.ds(xr_base + NS * ROWS_PT, ROWS_TAIL)],
                            agg_sp.at[pl.ds(NS * ROWS_PT, ROWS_TAIL)])

    @pl.when(c != 0)
    def _init_zero():
        pltpu.sync_copy(zeros_hbm.at[pl.ds(s * ROWS_PT, ROWS_PT)],
                        agg_sp.at[pl.ds(s * ROWS_PT, ROWS_PT)])

        @pl.when(s == 0)
        def _tail():
            pltpu.sync_copy(zeros_hbm.at[pl.ds(NS * ROWS_PT, ROWS_TAIL)],
                            agg_sp.at[pl.ds(NS * ROWS_PT, ROWS_TAIL)])

    plsc.subcore_barrier()

    def _idx_start(j, q):
        pltpu.async_copy(gidx_hbm.at[wid, j], ig_v.at[q], igsems[q])
        pltpu.async_copy(dst_hbm.at[wid, j], id_v.at[q], idsems[q])

    def _idx_wait(j, q):
        pltpu.make_async_copy(gidx_hbm.at[wid, j], ig_v.at[q],
                              igsems[q]).wait()
        pltpu.make_async_copy(dst_hbm.at[wid, j], id_v.at[q],
                              idsems[q]).wait()

    def _start_gather(q, b):
        pltpu.async_copy(hall.at[ig_v.at[q, 0]], rows_v.at[b], gsems[b])

    def _wait_gather(q, b):
        pltpu.make_async_copy(hall.at[ig_v.at[q, 0]], rows_v.at[b],
                              gsems[b]).wait()

    def _start_scatter(q, b):
        pltpu.async_copy(rows_v.at[b], agg_sp.at[id_v.at[q, 0]],
                         ssems[b], add=True)

    def _wait_scatter(q, b):
        pltpu.make_async_copy(rows_v.at[b], agg_sp.at[id_v.at[q, 0]],
                              ssems[b]).wait()

    for q in range(NIDX - 1):
        _idx_start(q, q)
    _idx_wait(0, 0)
    _start_gather(0, 0)

    def step(i, carry):
        for k in range(UNROLL):
            j = i * UNROLL + k

            @pl.when(j >= 1)
            def _free_prev():
                _wait_scatter((k - 1) % NIDX, (k - 1) % NROW)

            @pl.when(j + 3 < NCH)
            def _prefetch():
                _idx_start(j + 3, (k + 3) % NIDX)

            @pl.when(j + 1 < NCH)
            def _lookahead():
                _idx_wait(j + 1, (k + 1) % NIDX)
                _start_gather((k + 1) % NIDX, (k + 1) % NROW)

            _wait_gather(k % NIDX, k % NROW)
            _start_scatter(k % NIDX, k % NROW)
        return carry

    lax.fori_loop(0, NCH // UNROLL, step, 0)
    _wait_scatter((NCH - 1) % NIDX, (NCH - 1) % NROW)
    plsc.subcore_barrier()
    pltpu.sync_copy(agg_sp.at[pl.ds(s * ROWS_PT, ROWS_PT)],
                    out_hbm.at[c, pl.ds(s * ROWS_PT, ROWS_PT)])

    @pl.when(s == 0)
    def _write_tail():
        pltpu.sync_copy(agg_sp.at[pl.ds(NS * ROWS_PT, ROWS_TAIL)],
                        out_hbm.at[c, pl.ds(NS * ROWS_PT, ROWS_TAIL)])


_sc_aggregate = functools.partial(
    pl.kernel,
    out_type=jax.ShapeDtypeStruct((NC, N_NODES, D), jnp.float32),
    mesh=_MESH,
    scratch_types=[
        pltpu.VMEM((NIDX, 1, CHUNK), jnp.int32),
        pltpu.VMEM((NIDX, 1, CHUNK), jnp.int32),
        pltpu.VMEM((NROW, CHUNK, D), jnp.float32),
        pltpu.VMEM_SHARED((N_NODES, D), jnp.float32),
        [pltpu.SemaphoreType.DMA] * NIDX,
        [pltpu.SemaphoreType.DMA] * NIDX,
        [pltpu.SemaphoreType.DMA] * NROW,
        [pltpu.SemaphoreType.DMA] * NROW,
    ],
)(_sc_body)


def _comb_mm_body(p_ref, b_ref, w_ref, root_ref, o_ref, h_scr):
    r = pl.program_id(0)

    @pl.when(r == 0)
    def _():
        h_scr[...] = jnp.maximum(
            p_ref[0] + p_ref[1] + b_ref[0][None, :], 0.0)

    @pl.when(r < R_CAT - 1)
    def _rel():
        o_ref[0] = jnp.dot(h_scr[...], w_ref[0],
                           preferred_element_type=jnp.float32)

    @pl.when(r == R_CAT - 1)
    def _root():
        o_ref[0] = jnp.dot(h_scr[...], root_ref[...],
                           preferred_element_type=jnp.float32)


def _tc_combine_matmul(p, b, w, root):
    return pl.pallas_call(
        _comb_mm_body,
        grid=(R_CAT,),
        in_specs=[
            pl.BlockSpec((NC, N_NODES, D), lambda r: (0, 0, 0)),
            pl.BlockSpec((1, D), lambda r: (0, 0)),
            pl.BlockSpec((1, D, D), lambda r: (jnp.minimum(r, N_REL - 1), 0, 0)),
            pl.BlockSpec((D, D), lambda r: (0, 0)),
        ],
        out_specs=pl.BlockSpec((1, N_NODES, D), lambda r: (r, 0, 0)),
        out_shape=jax.ShapeDtypeStruct((R_CAT, N_NODES, D), jnp.float32),
        scratch_shapes=[pltpu.VMEM((N_NODES, D), jnp.float32)],
    )(p, b, w, root)


def _combine_body(p_ref, b_ref, o_ref):
    o_ref[...] = jax.nn.sigmoid(p_ref[0] + p_ref[1] + b_ref[0][None, :])


def _tc_combine(p, b):
    return pl.pallas_call(
        _combine_body,
        grid=(1,),
        in_specs=[
            pl.BlockSpec((NC, N_NODES, D), lambda i: (0, 0, 0)),
            pl.BlockSpec((1, D), lambda i: (0, 0)),
        ],
        out_specs=pl.BlockSpec((N_NODES, D), lambda i: (0, 0)),
        out_shape=jax.ShapeDtypeStruct((N_NODES, D), jnp.float32),
    )(p, b)


def kernel(x, edge_index, edge_type, W1, root1, b1, W2, root2, b2):
    src = edge_index[0].astype(jnp.int32)
    dst = edge_index[1].astype(jnp.int32)
    et = edge_type.astype(jnp.int32)
    gidx = (et * N_NODES + src).reshape(NW, NCH, 1, CHUNK)
    dsti = dst.reshape(NW, NCH, 1, CHUNK)
    zeros = jnp.zeros((N_NODES, D), jnp.float32)
    hall1 = _tc_matmul(x, W1, root1)
    p1 = _sc_aggregate(hall1.reshape(R_CAT * N_NODES, D), gidx, dsti, zeros)
    hall2 = _tc_combine_matmul(p1, b1.reshape(1, D), W2, root2)
    p2 = _sc_aggregate(hall2.reshape(R_CAT * N_NODES, D), gidx, dsti, zeros)
    return _tc_combine(p2, b2.reshape(1, D))

# --- scband reference (transcript-rebuilt; emitter-appended) ---
"""Pipeline reference for scband-rgcn-70660801954147 (READ-ONLY COPY).

The authoritative reference and input builder live on the scoring server;
editing this copy changes nothing except your own understanding.
"""

import jax, jax.numpy as jnp
import numpy as np

N_NODES = 10000
N_EDGES = 320000
D_FEAT = 128
D_HID = 128
N_REL = 8


def setup_inputs(seed: int = 0) -> dict:
    key = jax.random.key(seed)
    ks = jax.random.split(key, 10)
    x = jax.random.normal(ks[0], (N_NODES, D_FEAT), dtype=jnp.float32)
    edge_index = jax.random.randint(ks[1], (2, N_EDGES), 0, N_NODES, dtype=jnp.int64)
    edge_type = jax.random.randint(ks[2], (N_EDGES,), 0, N_REL, dtype=jnp.int64)
    s1 = 1.0 / np.sqrt(D_FEAT)
    s2 = 1.0 / np.sqrt(D_HID)
    W1 = jax.random.normal(ks[3], (N_REL, D_FEAT, D_HID), dtype=jnp.float32) * s1
    root1 = jax.random.normal(ks[4], (D_FEAT, D_HID), dtype=jnp.float32) * s1
    b1 = jnp.zeros((D_HID,), dtype=jnp.float32)
    W2 = jax.random.normal(ks[5], (N_REL, D_HID, D_FEAT), dtype=jnp.float32) * s2
    root2 = jax.random.normal(ks[6], (D_HID, D_FEAT), dtype=jnp.float32) * s2
    b2 = jnp.zeros((D_FEAT,), dtype=jnp.float32)
    return {"x": x, "edge_index": edge_index, "edge_type": edge_type,
            "W1": W1, "root1": root1, "b1": b1,
            "W2": W2, "root2": root2, "b2": b2}


def _rgcn_layer(x, src, dst, edge_type, W, root, b):
    # Per-relation linear transform of all nodes: [R, N, H]
    h_all = jnp.einsum('nd,rdh->rnh', x, W)
    # Gather per-edge message by (relation, source node)
    msgs = h_all[edge_type, src]  # [E, H]
    # aggr='add': scatter-add into destination nodes
    agg = jax.ops.segment_sum(msgs, dst, num_segments=x.shape[0])
    # root_weight=True, bias=True
    return agg + x @ root + b


def reference(x, edge_index, edge_type, W1, root1, b1, W2, root2, b2):
    src = edge_index[0]
    dst = edge_index[1]
    h = jax.nn.relu(_rgcn_layer(x, src, dst, edge_type, W1, root1, b1))
    out = jax.nn.sigmoid(_rgcn_layer(h, src, dst, edge_type, W2, root2, b2))
    return out

if __name__ == "__main__":
    import jax
    _d = setup_inputs()
    print(jax.jit(kernel)(*tuple(_d.values())))

</pallas_src>

<mosaic_0001>
#map = affine_map<(d0, d1) -> (0, 0)>
#map1 = affine_map<(d0, d1) -> (0, 0, 0, 0)>
#map2 = affine_map<(d0, d1) -> (0, 0, 0)>
module attributes {stable_mosaic.version = 14 : i64} {
  func.func @_sc_body(%arg0: i32, %arg1: i32, %arg2: memref<90000x128xf32, #tpu.memory_space<hbm>>, %arg3: memref<32x80x1x125xi32, #tpu.memory_space<hbm>>, %arg4: memref<32x80x1x125xi32, #tpu.memory_space<hbm>>, %arg5: memref<10000x128xf32, #tpu.memory_space<hbm>>, %arg6: memref<2x10000x128xf32, #tpu.memory_space<hbm>>, %arg7: memref<4x1x125xi32, #tpu.memory_space<vmem>>, %arg8: memref<4x1x125xi32, #tpu.memory_space<vmem>>, %arg9: memref<2x125x128xf32, #tpu.memory_space<vmem>>, %arg10: memref<10000x128xf32, #tpu.memory_space<vmem_shared>>, %arg11: memref<!tpu.dma_semaphore, #tpu.memory_space<semaphore_mem>>, %arg12: memref<!tpu.dma_semaphore, #tpu.memory_space<semaphore_mem>>, %arg13: memref<!tpu.dma_semaphore, #tpu.memory_space<semaphore_mem>>, %arg14: memref<!tpu.dma_semaphore, #tpu.memory_space<semaphore_mem>>, %arg15: memref<!tpu.dma_semaphore, #tpu.memory_space<semaphore_mem>>, %arg16: memref<!tpu.dma_semaphore, #tpu.memory_space<semaphore_mem>>, %arg17: memref<!tpu.dma_semaphore, #tpu.memory_space<semaphore_mem>>, %arg18: memref<!tpu.dma_semaphore, #tpu.memory_space<semaphore_mem>>, %arg19: memref<!tpu.dma_semaphore, #tpu.memory_space<semaphore_mem>>, %arg20: memref<!tpu.dma_semaphore, #tpu.memory_space<semaphore_mem>>, %arg21: memref<!tpu.dma_semaphore, #tpu.memory_space<semaphore_mem>>, %arg22: memref<!tpu.dma_semaphore, #tpu.memory_space<semaphore_mem>>) attributes {dimension_semantics = [#tpu.dimension_semantics<core_parallel>, #tpu.dimension_semantics<subcore_parallel>], iteration_bounds = array<i64: 2, 16>, scalar_prefetch = 0 : i64, scratch_operands = 16 : i64, tpu.core_type = #tpu.core_type<sc_vector_subcore>, window_params = [{transform_indices = #map}, {transform_indices = #map1}, {transform_indices = #map1}, {transform_indices = #map}, {transform_indices = #map2}]} {
    %mul3A = arith.constant 2 : i32
    %mul3A_0 = arith.muli %arg1, %mul3A : i32
    %add3A = arith.addi %mul3A_0, %arg0 : i32
    %eq3A = arith.constant 0 : i32
    %eq3A_1 = arith.cmpi eq, %arg0, %eq3A : i32
    %convert_element_type3A = arith.extui %eq3A_1 : i1 to i32
    %cond3A = arith.constant 0 : i32
    %cond3A_2 = arith.cmpi ne, %convert_element_type3A, %cond3A : i32
    scf.if %cond3A_2 {
      %mul3A_190 = arith.constant 624 : i32
      %mul3A_191 = arith.muli %arg1, %mul3A_190 : i32
      %add3A_192 = arith.constant 80000 : i32
      %add3A_193 = arith.addi %add3A_192, %mul3A_191 : i32
      %mul3A_194 = arith.constant 624 : i32
      %mul3A_195 = arith.muli %arg1, %mul3A_194 : i32
      "tpu.region"() ({
        %run_scoped3A = tpu.sem_alloc : memref<!tpu.dma_semaphore, #tpu.memory_space<semaphore_mem>>
        %dma_start3A_201 = arith.constant 0 : i32
        %dma_start3A_202 = tpu.memref_slice %arg10[%mul3A_195, %dma_start3A_201] : memref<10000x128xf32, #tpu.memory_space<vmem_shared>> -> memref<624x128xf32, #tpu.memory_space<vmem_shared>>
        %dma_start3A_203 = arith.constant 0 : i32
        %dma_start3A_204 = tpu.memref_slice %arg2[%add3A_193, %dma_start3A_203] : memref<90000x128xf32, #tpu.memory_space<hbm>> -> memref<624x128xf32, #tpu.memory_space<hbm>>
        tpu.enqueue_dma source(%dma_start3A_204 : memref<624x128xf32, #tpu.memory_space<hbm>>) target(%dma_start3A_202 : memref<624x128xf32, #tpu.memory_space<vmem_shared>>) target_semaphore(%run_scoped3A : memref<!tpu.dma_semaphore, #tpu.memory_space<semaphore_mem>>)
        %dma_wait3A_205 = arith.constant 0 : i32
        %dma_wait3A_206 = tpu.memref_slice %arg10[%mul3A_195, %dma_wait3A_205] : memref<10000x128xf32, #tpu.memory_space<vmem_shared>> -> memref<624x128xf32, #tpu.memory_space<vmem_shared>>
        %dma_wait3A_207 = arith.constant 0 : i32
        %dma_wait3A_208 = tpu.memref_slice %arg2[%add3A_193, %dma_wait3A_207] : memref<90000x128xf32, #tpu.memory_space<hbm>> -> memref<624x128xf32, #tpu.memory_space<hbm>>
        tpu.wait_dma2 semaphore(%run_scoped3A : memref<!tpu.dma_semaphore, #tpu.memory_space<semaphore_mem>>) src(%dma_wait3A_208 : memref<624x128xf32, #tpu.memory_space<hbm>>) dst(%dma_wait3A_206 : memref<624x128xf32, #tpu.memory_space<vmem_shared>>)
        tpu.yield
      }) : () -> ()
      %eq3A_196 = arith.constant 0 : i32
      %eq3A_197 = arith.cmpi eq, %arg1, %eq3A_196 : i32
      %convert_element_type3A_198 = arith.extui %eq3A_197 : i1 to i32
      %cond3A_199 = arith.constant 0 : i32
      %cond3A_200 = arith.cmpi ne, %convert_element_type3A_198, %cond3A_199 : i32
      scf.if %cond3A_200 {
        "tpu.region"() ({
          %run_scoped3A = tpu.sem_alloc : memref<!tpu.dma_semaphore, #tpu.memory_space<semaphore_mem>>
          %dma_start3A_201 = arith.constant 9984 : i32
          %dma_start3A_202 = arith.constant 0 : i32
          %dma_start3A_203 = tpu.memref_slice %arg10[%dma_start3A_201, %dma_start3A_202] : memref<10000x128xf32, #tpu.memory_space<vmem_shared>> -> memref<16x128xf32, #tpu.memory_space<vmem_shared>>
          %dma_start3A_204 = arith.constant 89984 : i32
          %dma_start3A_205 = arith.constant 0 : i32
          %dma_start3A_206 = tpu.memref_slice %arg2[%dma_start3A_204, %dma_start3A_205] : memref<90000x128xf32, #tpu.memory_space<hbm>> -> memref<16x128xf32, #tpu.memory_space<hbm>>
          tpu.enqueue_dma source(%dma_start3A_206 : memref<16x128xf32, #tpu.memory_space<hbm>>) target(%dma_start3A_203 : memref<16x128xf32, #tpu.memory_space<vmem_shared>>) target_semaphore(%run_scoped3A : memref<!tpu.dma_semaphore, #tpu.memory_space<semaphore_mem>>)
          %dma_wait3A_207 = arith.constant 9984 : i32
          %dma_wait3A_208 = arith.constant 0 : i32
          %dma_wait3A_209 = tpu.memref_slice %arg10[%dma_wait3A_207, %dma_wait3A_208] : memref<10000x128xf32, #tpu.memory_space<vmem_shared>> -> memref<16x128xf32, #tpu.memory_space<vmem_shared>>
          %dma_wait3A_210 = arith.constant 89984 : i32
          %dma_wait3A_211 = arith.constant 0 : i32
          %dma_wait3A_212 = tpu.memref_slice %arg2[%dma_wait3A_210, %dma_wait3A_211] : memref<90000x128xf32, #tpu.memory_space<hbm>> -> memref<16x128xf32, #tpu.memory_space<hbm>>
          tpu.wait_dma2 semaphore(%run_scoped3A : memref<!tpu.dma_semaphore, #tpu.memory_space<semaphore_mem>>) src(%dma_wait3A_212 : memref<16x128xf32, #tpu.memory_space<hbm>>) dst(%dma_wait3A_209 : memref<16x128xf32, #tpu.memory_space<vmem_shared>>)
          tpu.yield
        }) : () -> ()
      } else {
      }
    } else {
    }
    %ne3A = arith.constant 0 : i32
    %ne3A_3 = arith.cmpi ne, %arg0, %ne3A : i32
    %convert_element_type3A_4 = arith.extui %ne3A_3 : i1 to i32
    %cond3A_5 = arith.constant 0 : i32
    %cond3A_6 = arith.cmpi ne, %convert_element_type3A_4, %cond3A_5 : i32
    scf.if %cond3A_6 {
      %mul3A_190 = arith.constant 624 : i32
      %mul3A_191 = arith.muli %arg1, %mul3A_190 : i32
      %mul3A_192 = arith.constant 624 : i32
      %mul3A_193 = arith.muli %arg1, %mul3A_192 : i32
      "tpu.region"() ({
        %run_scoped3A = tpu.sem_alloc : memref<!tpu.dma_semaphore, #tpu.memory_space<semaphore_mem>>
        %dma_start3A_199 = arith.constant 0 : i32
        %dma_start3A_200 = tpu.memref_slice %arg10[%mul3A_193, %dma_start3A_199] : memref<10000x128xf32, #tpu.memory_space<vmem_shared>> -> memref<624x128xf32, #tpu.memory_space<vmem_shared>>
        %dma_start3A_201 = arith.constant 0 : i32
        %dma_start3A_202 = tpu.memref_slice %arg5[%mul3A_191, %dma_start3A_201] : memref<10000x128xf32, #tpu.memory_space<hbm>> -> memref<624x128xf32, #tpu.memory_space<hbm>>
        tpu.enqueue_dma source(%dma_start3A_202 : memref<624x128xf32, #tpu.memory_space<hbm>>) target(%dma_start3A_200 : memref<624x128xf32, #tpu.memory_space<vmem_shared>>) target_semaphore(%run_scoped3A : memref<!tpu.dma_semaphore, #tpu.memory_space<semaphore_mem>>)
        %dma_wait3A_203 = arith.constant 0 : i32
        %dma_wait3A_204 = tpu.memref_slice %arg10[%mul3A_193, %dma_wait3A_203] : memref<10000x128xf32, #tpu.memory_space<vmem_shared>> -> memref<624x128xf32, #tpu.memory_space<vmem_shared>>
        %dma_wait3A_205 = arith.constant 0 : i32
        %dma_wait3A_206 = tpu.memref_slice %arg5[%mul3A_191, %dma_wait3A_205] : memref<10000x128xf32, #tpu.memory_space<hbm>> -> memref<624x128xf32, #tpu.memory_space<hbm>>
        tpu.wait_dma2 semaphore(%run_scoped3A : memref<!tpu.dma_semaphore, #tpu.memory_space<semaphore_mem>>) src(%dma_wait3A_206 : memref<624x128xf32, #tpu.memory_space<hbm>>) dst(%dma_wait3A_204 : memref<624x128xf32, #tpu.memory_space<vmem_shared>>)
        tpu.yield
      }) : () -> ()
      %eq3A_194 = arith.constant 0 : i32
      %eq3A_195 = arith.cmpi eq, %arg1, %eq3A_194 : i32
      %convert_element_type3A_196 = arith.extui %eq3A_195 : i1 to i32
      %cond3A_197 = arith.constant 0 : i32
      %cond3A_198 = arith.cmpi ne, %convert_element_type3A_196, %cond3A_197 : i32
      scf.if %cond3A_198 {
        "tpu.region"() ({
          %run_scoped3A = tpu.sem_alloc : memref<!tpu.dma_semaphore, #tpu.memory_space<semaphore_mem>>
          %dma_start3A_199 = arith.constant 9984 : i32
          %dma_start3A_200 = arith.constant 0 : i32
          %dma_start3A_201 = tpu.memref_slice %arg10[%dma_start3A_199, %dma_start3A_200] : memref<10000x128xf32, #tpu.memory_space<vmem_shared>> -> memref<16x128xf32, #tpu.memory_space<vmem_shared>>
          %dma_start3A_202 = arith.constant 9984 : i32
          %dma_start3A_203 = arith.constant 0 : i32
          %dma_start3A_204 = tpu.memref_slice %arg5[%dma_start3A_202, %dma_start3A_203] : memref<10000x128xf32, #tpu.memory_space<hbm>> -> memref<16x128xf32, #tpu.memory_space<hbm>>
          tpu.enqueue_dma source(%dma_start3A_204 : memref<16x128xf32, #tpu.memory_space<hbm>>) target(%dma_start3A_201 : memref<16x128xf32, #tpu.memory_space<vmem_shared>>) target_semaphore(%run_scoped3A : memref<!tpu.dma_semaphore, #tpu.memory_space<semaphore_mem>>)
          %dma_wait3A_205 = arith.constant 9984 : i32
          %dma_wait3A_206 = arith.constant 0 : i32
          %dma_wait3A_207 = tpu.memref_slice %arg10[%dma_wait3A_205, %dma_wait3A_206] : memref<10000x128xf32, #tpu.memory_space<vmem_shared>> -> memref<16x128xf32, #tpu.memory_space<vmem_shared>>
          %dma_wait3A_208 = arith.constant 9984 : i32
          %dma_wait3A_209 = arith.constant 0 : i32
          %dma_wait3A_210 = tpu.memref_slice %arg5[%dma_wait3A_208, %dma_wait3A_209] : memref<10000x128xf32, #tpu.memory_space<hbm>> -> memref<16x128xf32, #tpu.memory_space<hbm>>
          tpu.wait_dma2 semaphore(%run_scoped3A : memref<!tpu.dma_semaphore, #tpu.memory_space<semaphore_mem>>) src(%dma_wait3A_210 : memref<16x128xf32, #tpu.memory_space<hbm>>) dst(%dma_wait3A_207 : memref<16x128xf32, #tpu.memory_space<vmem_shared>>)
          tpu.yield
        }) : () -> ()
      } else {
      }
    } else {
    }
    %barrier3A = arith.constant 0 : index
    tpu.barrier barrier_id(%barrier3A)
    %dma_start3A = arith.constant 0 : i32
    %dma_start3A_7 = arith.constant 0 : i32
    %dma_start3A_8 = arith.constant 0 : i32
    %dma_start3A_9 = arith.constant 0 : i32
    %dma_start3A_10 = tpu.memref_slice %arg7[%dma_start3A_7, %dma_start3A_8, %dma_start3A_9] : memref<4x1x125xi32, #tpu.memory_space<vmem>> -> memref<1x1x125xi32, #tpu.memory_space<vmem>>
    %dma_start3A_11 = tpu.memref_squeeze %dma_start3A_10 : memref<1x1x125xi32, #tpu.memory_space<vmem>> -> memref<1x125xi32, #tpu.memory_space<vmem>>
    %dma_start3A_12 = arith.constant 0 : i32
    %dma_start3A_13 = arith.constant 0 : i32
    %dma_start3A_14 = tpu.memref_slice %arg3[%add3A, %dma_start3A, %dma_start3A_12, %dma_start3A_13] : memref<32x80x1x125xi32, #tpu.memory_space<hbm>> -> memref<1x1x1x125xi32, #tpu.memory_space<hbm>>
    %dma_start3A_15 = tpu.memref_squeeze %dma_start3A_14 : memref<1x1x1x125xi32, #tpu.memory_space<hbm>> -> memref<1x125xi32, #tpu.memory_space<hbm>>
    %dma_start3A_16 = arith.constant 0 : i32
    %dma_start3A_17 = arith.constant 0 : i32
    %dma_start3A_18 = tpu.memref_slice %arg7[%dma_start3A_7, %dma_start3A_16, %dma_start3A_17] : memref<4x1x125xi32, #tpu.memory_space<vmem>> -> memref<1x1x125xi32, #tpu.memory_space<vmem>>
    %dma_start3A_19 = tpu.memref_squeeze %dma_start3A_18 : memref<1x1x125xi32, #tpu.memory_space<vmem>> -> memref<1x125xi32, #tpu.memory_space<vmem>>
    %dma_start3A_20 = arith.constant 0 : i32
    %dma_start3A_21 = arith.constant 0 : i32
    %dma_start3A_22 = tpu.memref_slice %arg3[%add3A, %dma_start3A, %dma_start3A_20, %dma_start3A_21] : memref<32x80x1x125xi32, #tpu.memory_space<hbm>> -> memref<1x1x1x125xi32, #tpu.memory_space<hbm>>
    %dma_start3A_23 = tpu.memref_squeeze %dma_start3A_22 : memref<1x1x1x125xi32, #tpu.memory_space<hbm>> -> memref<1x125xi32, #tpu.memory_space<hbm>>
    tpu.enqueue_dma source(%dma_start3A_23 : memref<1x125xi32, #tpu.memory_space<hbm>>) target(%dma_start3A_19 : memref<1x125xi32, #tpu.memory_space<vmem>>) target_semaphore(%arg11 : memref<!tpu.dma_semaphore, #tpu.memory_space<semaphore_mem>>)
    %dma_start3A_24 = arith.constant 0 : i32
    %dma_start3A_25 = arith.constant 0 : i32
    %dma_start3A_26 = arith.constant 0 : i32
    %dma_start3A_27 = arith.constant 0 : i32
    %dma_start3A_28 = tpu.memref_slice %arg8[%dma_start3A_25, %dma_start3A_26, %dma_start3A_27] : memref<4x1x125xi32, #tpu.memory_space<vmem>> -> memref<1x1x125xi32, #tpu.memory_space<vmem>>
    %dma_start3A_29 = tpu.memref_squeeze %dma_start3A_28 : memref<1x1x125xi32, #tpu.memory_space<vmem>> -> memref<1x125xi32, #tpu.memory_space<vmem>>
    %dma_start3A_30 = arith.constant 0 : i32
    %dma_start3A_31 = arith.constant 0 : i32
    %dma_start3A_32 = tpu.memref_slice %arg4[%add3A, %dma_start3A_24, %dma_start3A_30, %dma_start3A_31] : memref<32x80x1x125xi32, #tpu.memory_space<hbm>> -> memref<1x1x1x125xi32, #tpu.memory_space<hbm>>
    %dma_start3A_33 = tpu.memref_squeeze %dma_start3A_32 : memref<1x1x1x125xi32, #tpu.memory_space<hbm>> -> memref<1x125xi32, #tpu.memory_space<hbm>>
    %dma_start3A_34 = arith.constant 0 : i32
    %dma_start3A_35 = arith.constant 0 : i32
    %dma_start3A_36 = tpu.memref_slice %arg8[%dma_start3A_25, %dma_start3A_34, %dma_start3A_35] : memref<4x1x125xi32, #tpu.memory_space<vmem>> -> memref<1x1x125xi32, #tpu.memory_space<vmem>>
    %dma_start3A_37 = tpu.memref_squeeze %dma_start3A_36 : memref<1x1x125xi32, #tpu.memory_space<vmem>> -> memref<1x125xi32, #tpu.memory_space<vmem>>
    %dma_start3A_38 = arith.constant 0 : i32
    %dma_start3A_39 = arith.constant 0 : i32
    %dma_start3A_40 = tpu.memref_slice %arg4[%add3A, %dma_start3A_24, %dma_start3A_38, %dma_start3A_39] : memref<32x80x1x125xi32, #tpu.memory_space<hbm>> -> memref<1x1x1x125xi32, #tpu.memory_space<hbm>>
    %dma_start3A_41 = tpu.memref_squeeze %dma_start3A_40 : memref<1x1x1x125xi32, #tpu.memory_space<hbm>> -> memref<1x125xi32, #tpu.memory_space<hbm>>
    tpu.enqueue_dma source(%dma_start3A_41 : memref<1x125xi32, #tpu.memory_space<hbm>>) target(%dma_start3A_37 : memref<1x125xi32, #tpu.memory_space<vmem>>) target_semaphore(%arg15 : memref<!tpu.dma_semaphore, #tpu.memory_space<semaphore_mem>>)
    %dma_start3A_42 = arith.constant 1 : i32
    %dma_start3A_43 = arith.constant 1 : i32
    %dma_start3A_44 = arith.constant 0 : i32
    %dma_start3A_45 = arith.constant 0 : i32
    %dma_start3A_46 = tpu.memref_slice %arg7[%dma_start3A_43, %dma_start3A_44, %dma_start3A_45] : memref<4x1x125xi32, #tpu.memory_space<vmem>> -> memref<1x1x125xi32, #tpu.memory_space<vmem>>
    %dma_start3A_47 = tpu.memref_squeeze %dma_start3A_46 : memref<1x1x125xi32, #tpu.memory_space<vmem>> -> memref<1x125xi32, #tpu.memory_space<vmem>>
    %dma_start3A_48 = arith.constant 0 : i32
    %dma_start3A_49 = arith.constant 0 : i32
    %dma_start3A_50 = tpu.memref_slice %arg3[%add3A, %dma_start3A_42, %dma_start3A_48, %dma_start3A_49] : memref<32x80x1x125xi32, #tpu.memory_space<hbm>> -> memref<1x1x1x125xi32, #tpu.memory_space<hbm>>
    %dma_start3A_51 = tpu.memref_squeeze %dma_start3A_50 : memref<1x1x1x125xi32, #tpu.memory_space<hbm>> -> memref<1x125xi32, #tpu.memory_space<hbm>>
    %dma_start3A_52 = arith.constant 0 : i32
    %dma_start3A_53 = arith.constant 0 : i32
    %dma_start3A_54 = tpu.memref_slice %arg7[%dma_start3A_43, %dma_start3A_52, %dma_start3A_53] : memref<4x1x125xi32, #tpu.memory_space<vmem>> -> memref<1x1x125xi32, #tpu.memory_space<vmem>>
    %dma_start3A_55 = tpu.memref_squeeze %dma_start3A_54 : memref<1x1x125xi32, #tpu.memory_space<vmem>> -> memref<1x125xi32, #tpu.memory_space<vmem>>
    %dma_start3A_56 = arith.constant 0 : i32
    %dma_start3A_57 = arith.constant 0 : i32
    %dma_start3A_58 = tpu.memref_slice %arg3[%add3A, %dma_start3A_42, %dma_start3A_56, %dma_start3A_57] : memref<32x80x1x125xi32, #tpu.memory_space<hbm>> -> memref<1x1x1x125xi32, #tpu.memory_space<hbm>>
    %dma_start3A_59 = tpu.memref_squeeze %dma_start3A_58 : memref<1x1x1x125xi32, #tpu.memory_space<hbm>> -> memref<1x125xi32, #tpu.memory_space<hbm>>
    tpu.enqueue_dma source(%dma_start3A_59 : memref<1x125xi32, #tpu.memory_space<hbm>>) target(%dma_start3A_55 : memref<1x125xi32, #tpu.memory_space<vmem>>) target_semaphore(%arg12 : memref<!tpu.dma_semaphore, #tpu.memory_space<semaphore_mem>>)
    %dma_start3A_60 = arith.constant 1 : i32
    %dma_start3A_61 = arith.constant 1 : i32
    %dma_start3A_62 = arith.constant 0 : i32
    %dma_start3A_63 = arith.constant 0 : i32
    %dma_start3A_64 = tpu.memref_slice %arg8[%dma_start3A_61, %dma_start3A_62, %dma_start3A_63] : memref<4x1x125xi32, #tpu.memory_space<vmem>> -> memref<1x1x125xi32, #tpu.memory_space<vmem>>
    %dma_start3A_65 = tpu.memref_squeeze %dma_start3A_64 : memref<1x1x125xi32, #tpu.memory_space<vmem>> -> memref<1x125xi32, #tpu.memory_space<vmem>>
    %dma_start3A_66 = arith.constant 0 : i32
    %dma_start3A_67 = arith.constant 0 : i32
    %dma_start3A_68 = tpu.memref_slice %arg4[%add3A, %dma_start3A_60, %dma_start3A_66, %dma_start3A_67] : memref<32x80x1x125xi32, #tpu.memory_space<hbm>> -> memref<1x1x1x125xi32, #tpu.memory_space<hbm>>
    %dma_start3A_69 = tpu.memref_squeeze %dma_start3A_68 : memref<1x1x1x125xi32, #tpu.memory_space<hbm>> -> memref<1x125xi32, #tpu.memory_space<hbm>>
    %dma_start3A_70 = arith.constant 0 : i32
    %dma_start3A_71 = arith.constant 0 : i32
    %dma_start3A_72 = tpu.memref_slice %arg8[%dma_start3A_61, %dma_start3A_70, %dma_start3A_71] : memref<4x1x125xi32, #tpu.memory_space<vmem>> -> memref<1x1x125xi32, #tpu.memory_space<vmem>>
    %dma_start3A_73 = tpu.memref_squeeze %dma_start3A_72 : memref<1x1x125xi32, #tpu.memory_space<vmem>> -> memref<1x125xi32, #tpu.memory_space<vmem>>
    %dma_start3A_74 = arith.constant 0 : i32
    %dma_start3A_75 = arith.constant 0 : i32
    %dma_start3A_76 = tpu.memref_slice %arg4[%add3A, %dma_start3A_60, %dma_start3A_74, %dma_start3A_75] : memref<32x80x1x125xi32, #tpu.memory_space<hbm>> -> memref<1x1x1x125xi32, #tpu.memory_space<hbm>>
    %dma_start3A_77 = tpu.memref_squeeze %dma_start3A_76 : memref<1x1x1x125xi32, #tpu.memory_space<hbm>> -> memref<1x125xi32, #tpu.memory_space<hbm>>
    tpu.enqueue_dma source(%dma_start3A_77 : memref<1x125xi32, #tpu.memory_space<hbm>>) target(%dma_start3A_73 : memref<1x125xi32, #tpu.memory_space<vmem>>) target_semaphore(%arg16 : memref<!tpu.dma_semaphore, #tpu.memory_space<semaphore_mem>>)
    %dma_start3A_78 = arith.constant 2 : i32
    %dma_start3A_79 = arith.constant 2 : i32
    %dma_start3A_80 = arith.constant 0 : i32
    %dma_start3A_81 = arith.constant 0 : i32
    %dma_start3A_82 = tpu.memref_slice %arg7[%dma_start3A_79, %dma_start3A_80, %dma_start3A_81] : memref<4x1x125xi32, #tpu.memory_space<vmem>> -> memref<1x1x125xi32, #tpu.memory_space<vmem>>
    %dma_start3A_83 = tpu.memref_squeeze %dma_start3A_82 : memref<1x1x125xi32, #tpu.memory_space<vmem>> -> memref<1x125xi32, #tpu.memory_space<vmem>>
    %dma_start3A_84 = arith.constant 0 : i32
    %dma_start3A_85 = arith.constant 0 : i32
    %dma_start3A_86 = tpu.memref_slice %arg3[%add3A, %dma_start3A_78, %dma_start3A_84, %dma_start3A_85] : memref<32x80x1x125xi32, #tpu.memory_space<hbm>> -> memref<1x1x1x125xi32, #tpu.memory_space<hbm>>
    %dma_start3A_87 = tpu.memref_squeeze %dma_start3A_86 : memref<1x1x1x125xi32, #tpu.memory_space<hbm>> -> memref<1x125xi32, #tpu.memory_space<hbm>>
    %dma_start3A_88 = arith.constant 0 : i32
    %dma_start3A_89 = arith.constant 0 : i32
    %dma_start3A_90 = tpu.memref_slice %arg7[%dma_start3A_79, %dma_start3A_88, %dma_start3A_89] : memref<4x1x125xi32, #tpu.memory_space<vmem>> -> memref<1x1x125xi32, #tpu.memory_space<vmem>>
    %dma_start3A_91 = tpu.memref_squeeze %dma_start3A_90 : memref<1x1x125xi32, #tpu.memory_space<vmem>> -> memref<1x125xi32, #tpu.memory_space<vmem>>
    %dma_start3A_92 = arith.constant 0 : i32
    %dma_start3A_93 = arith.constant 0 : i32
    %dma_start3A_94 = tpu.memref_slice %arg3[%add3A, %dma_start3A_78, %dma_start3A_92, %dma_start3A_93] : memref<32x80x1x125xi32, #tpu.memory_space<hbm>> -> memref<1x1x1x125xi32, #tpu.memory_space<hbm>>
    %dma_start3A_95 = tpu.memref_squeeze %dma_start3A_94 : memref<1x1x1x125xi32, #tpu.memory_space<hbm>> -> memref<1x125xi32, #tpu.memory_space<hbm>>
    tpu.enqueue_dma source(%dma_start3A_95 : memref<1x125xi32, #tpu.memory_space<hbm>>) target(%dma_start3A_91 : memref<1x125xi32, #tpu.memory_space<vmem>>) target_semaphore(%arg13 : memref<!tpu.dma_semaphore, #tpu.memory_space<semaphore_mem>>)
    %dma_start3A_96 = arith.constant 2 : i32
    %dma_start3A_97 = arith.constant 2 : i32
    %dma_start3A_98 = arith.constant 0 : i32
    %dma_start3A_99 = arith.constant 0 : i32
    %dma_start3A_100 = tpu.memref_slice %arg8[%dma_start3A_97, %dma_start3A_98, %dma_start3A_99] : memref<4x1x125xi32, #tpu.memory_space<vmem>> -> memref<1x1x125xi32, #tpu.memory_space<vmem>>
    %dma_start3A_101 = tpu.memref_squeeze %dma_start3A_100 : memref<1x1x125xi32, #tpu.memory_space<vmem>> -> memref<1x125xi32, #tpu.memory_space<vmem>>
    %dma_start3A_102 = arith.constant 0 : i32
    %dma_start3A_103 = arith.constant 0 : i32
    %dma_start3A_104 = tpu.memref_slice %arg4[%add3A, %dma_start3A_96, %dma_start3A_102, %dma_start3A_103] : memref<32x80x1x125xi32, #tpu.memory_space<hbm>> -> memref<1x1x1x125xi32, #tpu.memory_space<hbm>>
    %dma_start3A_105 = tpu.memref_squeeze %dma_start3A_104 : memref<1x1x1x125xi32, #tpu.memory_space<hbm>> -> memref<1x125xi32, #tpu.memory_space<hbm>>
    %dma_start3A_106 = arith.constant 0 : i32
    %dma_start3A_107 = arith.constant 0 : i32
    %dma_start3A_108 = tpu.memref_slice %arg8[%dma_start3A_97, %dma_start3A_106, %dma_start3A_107] : memref<4x1x125xi32, #tpu.memory_space<vmem>> -> memref<1x1x125xi32, #tpu.memory_space<vmem>>
    %dma_start3A_109 = tpu.memref_squeeze %dma_start3A_108 : memref<1x1x125xi32, #tpu.memory_space<vmem>> -> memref<1x125xi32, #tpu.memory_space<vmem>>
    %dma_start3A_110 = arith.constant 0 : i32
    %dma_start3A_111 = arith.constant 0 : i32
    %dma_start3A_112 = tpu.memref_slice %arg4[%add3A, %dma_start3A_96, %dma_start3A_110, %dma_start3A_111] : memref<32x80x1x125xi32, #tpu.memory_space<hbm>> -> memref<1x1x1x125xi32, #tpu.memory_space<hbm>>
    %dma_start3A_113 = tpu.memref_squeeze %dma_start3A_112 : memref<1x1x1x125xi32, #tpu.memory_space<hbm>> -> memref<1x125xi32, #tpu.memory_space<hbm>>
    tpu.enqueue_dma source(%dma_start3A_113 : memref<1x125xi32, #tpu.memory_space<hbm>>) target(%dma_start3A_109 : memref<1x125xi32, #tpu.memory_space<vmem>>) target_semaphore(%arg17 : memref<!tpu.dma_semaphore, #tpu.memory_space<semaphore_mem>>)
    %dma_wait3A = arith.constant 0 : i32
    %dma_wait3A_114 = arith.constant 0 : i32
    %dma_wait3A_115 = arith.constant 0 : i32
    %dma_wait3A_116 = arith.constant 0 : i32
    %dma_wait3A_117 = tpu.memref_slice %arg7[%dma_wait3A_114, %dma_wait3A_115, %dma_wait3A_116] : memref<4x1x125xi32, #tpu.memory_space<vmem>> -> memref<1x1x125xi32, #tpu.memory_space<vmem>>
    %dma_wait3A_118 = tpu.memref_squeeze %dma_wait3A_117 : memref<1x1x125xi32, #tpu.memory_space<vmem>> -> memref<1x125xi32, #tpu.memory_space<vmem>>
    %dma_wait3A_119 = arith.constant 0 : i32
    %dma_wait3A_120 = arith.constant 0 : i32
    %dma_wait3A_121 = tpu.memref_slice %arg3[%add3A, %dma_wait3A, %dma_wait3A_119, %dma_wait3A_120] : memref<32x80x1x125xi32, #tpu.memory_space<hbm>> -> memref<1x1x1x125xi32, #tpu.memory_space<hbm>>
    %dma_wait3A_122 = tpu.memref_squeeze %dma_wait3A_121 : memref<1x1x1x125xi32, #tpu.memory_space<hbm>> -> memref<1x125xi32, #tpu.memory_space<hbm>>
    %dma_wait3A_123 = arith.constant 0 : i32
    %dma_wait3A_124 = arith.constant 0 : i32
    %dma_wait3A_125 = tpu.memref_slice %arg7[%dma_wait3A_114, %dma_wait3A_123, %dma_wait3A_124] : memref<4x1x125xi32, #tpu.memory_space<vmem>> -> memref<1x1x125xi32, #tpu.memory_space<vmem>>
    %dma_wait3A_126 = tpu.memref_squeeze %dma_wait3A_125 : memref<1x1x125xi32, #tpu.memory_space<vmem>> -> memref<1x125xi32, #tpu.memory_space<vmem>>
    %dma_wait3A_127 = arith.constant 0 : i32
    %dma_wait3A_128 = arith.constant 0 : i32
    %dma_wait3A_129 = tpu.memref_slice %arg3[%add3A, %dma_wait3A, %dma_wait3A_127, %dma_wait3A_128] : memref<32x80x1x125xi32, #tpu.memory_space<hbm>> -> memref<1x1x1x125xi32, #tpu.memory_space<hbm>>
    %dma_wait3A_130 = tpu.memref_squeeze %dma_wait3A_129 : memref<1x1x1x125xi32, #tpu.memory_space<hbm>> -> memref<1x125xi32, #tpu.memory_space<hbm>>
    tpu.wait_dma2 semaphore(%arg11 : memref<!tpu.dma_semaphore, #tpu.memory_space<semaphore_mem>>) src(%dma_wait3A_130 : memref<1x125xi32, #tpu.memory_space<hbm>>) dst(%dma_wait3A_126 : memref<1x125xi32, #tpu.memory_space<vmem>>)
    %dma_wait3A_131 = arith.constant 0 : i32
    %dma_wait3A_132 = arith.constant 0 : i32
    %dma_wait3A_133 = arith.constant 0 : i32
    %dma_wait3A_134 = arith.constant 0 : i32
    %dma_wait3A_135 = tpu.memref_slice %arg8[%dma_wait3A_132, %dma_wait3A_133, %dma_wait3A_134] : memref<4x1x125xi32, #tpu.memory_space<vmem>> -> memref<1x1x125xi32, #tpu.memory_space<vmem>>
    %dma_wait3A_136 = tpu.memref_squeeze %dma_wait3A_135 : memref<1x1x125xi32, #tpu.memory_space<vmem>> -> memref<1x125xi32, #tpu.memory_space<vmem>>
    %dma_wait3A_137 = arith.constant 0 : i32
    %dma_wait3A_138 = arith.constant 0 : i32
    %dma_wait3A_139 = tpu.memref_slice %arg4[%add3A, %dma_wait3A_131, %dma_wait3A_137, %dma_wait3A_138] : memref<32x80x1x125xi32, #tpu.memory_space<hbm>> -> memref<1x1x1x125xi32, #tpu.memory_space<hbm>>
    %dma_wait3A_140 = tpu.memref_squeeze %dma_wait3A_139 : memref<1x1x1x125xi32, #tpu.memory_space<hbm>> -> memref<1x125xi32, #tpu.memory_space<hbm>>
    %dma_wait3A_141 = arith.constant 0 : i32
    %dma_wait3A_142 = arith.constant 0 : i32
    %dma_wait3A_143 = tpu.memref_slice %arg8[%dma_wait3A_132, %dma_wait3A_141, %dma_wait3A_142] : memref<4x1x125xi32, #tpu.memory_space<vmem>> -> memref<1x1x125xi32, #tpu.memory_space<vmem>>
    %dma_wait3A_144 = tpu.memref_squeeze %dma_wait3A_143 : memref<1x1x125xi32, #tpu.memory_space<vmem>> -> memref<1x125xi32, #tpu.memory_space<vmem>>
    %dma_wait3A_145 = arith.constant 0 : i32
    %dma_wait3A_146 = arith.constant 0 : i32
    %dma_wait3A_147 = tpu.memref_slice %arg4[%add3A, %dma_wait3A_131, %dma_wait3A_145, %dma_wait3A_146] : memref<32x80x1x125xi32, #tpu.memory_space<hbm>> -> memref<1x1x1x125xi32, #tpu.memory_space<hbm>>
    %dma_wait3A_148 = tpu.memref_squeeze %dma_wait3A_147 : memref<1x1x1x125xi32, #tpu.memory_space<hbm>> -> memref<1x125xi32, #tpu.memory_space<hbm>>
    tpu.wait_dma2 semaphore(%arg15 : memref<!tpu.dma_semaphore, #tpu.memory_space<semaphore_mem>>) src(%dma_wait3A_148 : memref<1x125xi32, #tpu.memory_space<hbm>>) dst(%dma_wait3A_144 : memref<1x125xi32, #tpu.memory_space<vmem>>)
    %dma_start3A_149 = arith.constant 0 : i32
    %dma_start3A_150 = arith.constant 0 : i32
    %dma_start3A_151 = arith.constant 0 : i32
    %dma_start3A_152 = arith.constant 0 : i32
    %dma_start3A_153 = arith.constant 0 : i32
    %dma_start3A_154 = tpu.memref_slice %arg9[%dma_start3A_151, %dma_start3A_152, %dma_start3A_153] : memref<2x125x128xf32, #tpu.memory_space<vmem>> -> memref<1x125x128xf32, #tpu.memory_space<vmem>>
    %dma_start3A_155 = tpu.memref_squeeze %dma_start3A_154 : memref<1x125x128xf32, #tpu.memory_space<vmem>> -> memref<125x128xf32, #tpu.memory_space<vmem>>
    %dma_start3A_156 = arith.constant 0 : i32
    %dma_start3A_157 = tpu.memref_slice %arg7[%dma_start3A_149, %dma_start3A_150, %dma_start3A_156] : memref<4x1x125xi32, #tpu.memory_space<vmem>> -> memref<1x1x125xi32, #tpu.memory_space<vmem>>
    %dma_start3A_158 = tpu.memref_squeeze %dma_start3A_157 : memref<1x1x125xi32, #tpu.memory_space<vmem>> -> memref<125xi32, #tpu.memory_space<vmem>>
    %dma_start3A_159 = arith.constant 0 : i32
    %dma_start3A_160 = arith.constant 0 : i32
    %dma_start3A_161 = tpu.memref_slice %arg2[%dma_start3A_159, %dma_start3A_160] : memref<90000x128xf32, #tpu.memory_space<hbm>> -> memref<90000x128xf32, #tpu.memory_space<hbm>>
    tpu.enqueue_indirect_dma source(%dma_start3A_161 : memref<90000x128xf32, #tpu.memory_space<hbm>>) target(%dma_start3A_155 : memref<125x128xf32, #tpu.memory_space<vmem>>) offsets(%dma_start3A_158 : memref<125xi32, #tpu.memory_space<vmem>>) semaphore(%arg19 : memref<!tpu.dma_semaphore, #tpu.memory_space<semaphore_mem>>)
    %scan3A = arith.constant 0 : i32
    %scan3A_162 = arith.constant 0 : i32
    %scan3A_163 = arith.constant 20 : i32
    %scan3A_164 = arith.addi %scan3A_162, %scan3A_163 : i32
    %scan3A_165 = arith.constant 1 : i32
    scf.for %scan3A_190 = %scan3A_162 to %scan3A_164 step %scan3A_165  : i32 {
      %mul3A_191 = arith.constant 4 : i32
      %mul3A_192 = arith.muli %scan3A_190, %mul3A_191 : i32
      %add3A_193 = arith.constant 0 : i32
      %add3A_194 = arith.addi %mul3A_192, %add3A_193 : i32
      %ge3A = arith.constant 1 : i32
      %ge3A_195 = arith.cmpi sge, %add3A_194, %ge3A : i32
      %convert_element_type3A_196 = arith.extui %ge3A_195 : i1 to i32
      %cond3A_197 = arith.constant 0 : i32
      %cond3A_198 = arith.cmpi ne, %convert_element_type3A_196, %cond3A_197 : i32
      scf.if %cond3A_198 {
        %dma_wait3A_385 = arith.constant 1 : i32
        %dma_wait3A_386 = arith.constant 3 : i32
        %dma_wait3A_387 = arith.constant 0 : i32
        %dma_wait3A_388 = arith.constant 0 : i32
        %dma_wait3A_389 = arith.constant 0 : i32
        %dma_wait3A_390 = tpu.memref_slice %arg9[%dma_wait3A_385, %dma_wait3A_388, %dma_wait3A_389] : memref<2x125x128xf32, #tpu.memory_space<vmem>> -> memref<1x125x128xf32, #tpu.memory_space<vmem>>
        %dma_wait3A_391 = tpu.memref_squeeze %dma_wait3A_390 : memref<1x125x128xf32, #tpu.memory_space<vmem>> -> memref<125x128xf32, #tpu.memory_space<vmem>>
        %dma_wait3A_392 = arith.constant 0 : i32
        %dma_wait3A_393 = tpu.memref_slice %arg8[%dma_wait3A_386, %dma_wait3A_387, %dma_wait3A_392] : memref<4x1x125xi32, #tpu.memory_space<vmem>> -> memref<1x1x125xi32, #tpu.memory_space<vmem>>
        %dma_wait3A_394 = tpu.memref_squeeze %dma_wait3A_393 : memref<1x1x125xi32, #tpu.memory_space<vmem>> -> memref<125xi32, #tpu.memory_space<vmem>>
        %dma_wait3A_395 = arith.constant 0 : i32
        %dma_wait3A_396 = arith.constant 0 : i32
        %dma_wait3A_397 = tpu.memref_slice %arg10[%dma_wait3A_395, %dma_wait3A_396] : memref<10000x128xf32, #tpu.memory_space<vmem_shared>> -> memref<10000x128xf32, #tpu.memory_space<vmem_shared>>
        tpu.wait_indirect_dma semaphore(%arg22 : memref<!tpu.dma_semaphore, #tpu.memory_space<semaphore_mem>>) src(%dma_wait3A_391 : memref<125x128xf32, #tpu.memory_space<vmem>>) dst(%dma_wait3A_397 : memref<10000x128xf32, #tpu.memory_space<vmem_shared>>)
      } else {
      }
      %add3A_199 = arith.constant 3 : i32
      %add3A_200 = arith.addi %add3A_194, %add3A_199 : i32
      %lt3A = arith.constant 80 : i32
      %lt3A_201 = arith.cmpi slt, %add3A_200, %lt3A : i32
      %convert_element_type3A_202 = arith.extui %lt3A_201 : i1 to i32
      %cond3A_203 = arith.constant 0 : i32
      %cond3A_204 = arith.cmpi ne, %convert_element_type3A_202, %cond3A_203 : i32
      scf.if %cond3A_204 {
        %add3A_385 = arith.constant 3 : i32
        %add3A_386 = arith.addi %add3A_194, %add3A_385 : i32
        %dma_start3A_387 = arith.constant 3 : i32
        %dma_start3A_388 = arith.constant 0 : i32
        %dma_start3A_389 = arith.constant 0 : i32
        %dma_start3A_390 = tpu.memref_slice %arg7[%dma_start3A_387, %dma_start3A_388, %dma_start3A_389] : memref<4x1x125xi32, #tpu.memory_space<vmem>> -> memref<1x1x125xi32, #tpu.memory_space<vmem>>
        %dma_start3A_391 = tpu.memref_squeeze %dma_start3A_390 : memref<1x1x125xi32, #tpu.memory_space<vmem>> -> memref<1x125xi32, #tpu.memory_space<vmem>>
        %dma_start3A_392 = arith.constant 0 : i32
        %dma_start3A_393 = arith.constant 0 : i32
        %dma_start3A_394 = tpu.memref_slice %arg3[%add3A, %add3A_386, %dma_start3A_392, %dma_start3A_393] : memref<32x80x1x125xi32, #tpu.memory_space<hbm>> -> memref<1x1x1x125xi32, #tpu.memory_space<hbm>>
        %dma_start3A_395 = tpu.memref_squeeze %dma_start3A_394 : memref<1x1x1x125xi32, #tpu.memory_space<hbm>> -> memref<1x125xi32, #tpu.memory_space<hbm>>
        %dma_start3A_396 = arith.constant 0 : i32
        %dma_start3A_397 = arith.constant 0 : i32
        %dma_start3A_398 = tpu.memref_slice %arg7[%dma_start3A_387, %dma_start3A_396, %dma_start3A_397] : memref<4x1x125xi32, #tpu.memory_space<vmem>> -> memref<1x1x125xi32, #tpu.memory_space<vmem>>
        %dma_start3A_399 = tpu.memref_squeeze %dma_start3A_398 : memref<1x1x125xi32, #tpu.memory_space<vmem>> -> memref<1x125xi32, #tpu.memory_space<vmem>>
        %dma_start3A_400 = arith.constant 0 : i32
        %dma_start3A_401 = arith.constant 0 : i32
        %dma_start3A_402 = tpu.memref_slice %arg3[%add3A, %add3A_386, %dma_start3A_400, %dma_start3A_401] : memref<32x80x1x125xi32, #tpu.memory_space<hbm>> -> memref<1x1x1x125xi32, #tpu.memory_space<hbm>>
        %dma_start3A_403 = tpu.memref_squeeze %dma_start3A_402 : memref<1x1x1x125xi32, #tpu.memory_space<hbm>> -> memref<1x125xi32, #tpu.memory_space<hbm>>
        tpu.enqueue_dma source(%dma_start3A_403 : memref<1x125xi32, #tpu.memory_space<hbm>>) target(%dma_start3A_399 : memref<1x125xi32, #tpu.memory_space<vmem>>) target_semaphore(%arg14 : memref<!tpu.dma_semaphore, #tpu.memory_space<semaphore_mem>>)
        %dma_start3A_404 = arith.constant 3 : i32
        %dma_start3A_405 = arith.constant 0 : i32
        %dma_start3A_406 = arith.constant 0 : i32
        %dma_start3A_407 = tpu.memref_slice %arg8[%dma_start3A_404, %dma_start3A_405, %dma_start3A_406] : memref<4x1x125xi32, #tpu.memory_space<vmem>> -> memref<1x1x125xi32, #tpu.memory_space<vmem>>
        %dma_start3A_408 = tpu.memref_squeeze %dma_start3A_407 : memref<1x1x125xi32, #tpu.memory_space<vmem>> -> memref<1x125xi32, #tpu.memory_space<vmem>>
        %dma_start3A_409 = arith.constant 0 : i32
        %dma_start3A_410 = arith.constant 0 : i32
        %dma_start3A_411 = tpu.memref_slice %arg4[%add3A, %add3A_386, %dma_start3A_409, %dma_start3A_410] : memref<32x80x1x125xi32, #tpu.memory_space<hbm>> -> memref<1x1x1x125xi32, #tpu.memory_space<hbm>>
        %dma_start3A_412 = tpu.memref_squeeze %dma_start3A_411 : memref<1x1x1x125xi32, #tpu.memory_space<hbm>> -> memref<1x125xi32, #tpu.memory_space<hbm>>
        %dma_start3A_413 = arith.constant 0 : i32
        %dma_start3A_414 = arith.constant 0 : i32
        %dma_start3A_415 = tpu.memref_slice %arg8[%dma_start3A_404, %dma_start3A_413, %dma_start3A_414] : memref<4x1x125xi32, #tpu.memory_space<vmem>> -> memref<1x1x125xi32, #tpu.memory_space<vmem>>
        %dma_start3A_416 = tpu.memref_squeeze %dma_start3A_415 : memref<1x1x125xi32, #tpu.memory_space<vmem>> -> memref<1x125xi32, #tpu.memory_space<vmem>>
        %dma_start3A_417 = arith.constant 0 : i32
        %dma_start3A_418 = arith.constant 0 : i32
        %dma_start3A_419 = tpu.memref_slice %arg4[%add3A, %add3A_386, %dma_start3A_417, %dma_start3A_418] : memref<32x80x1x125xi32, #tpu.memory_space<hbm>> -> memref<1x1x1x125xi32, #tpu.memory_space<hbm>>
        %dma_start3A_420 = tpu.memref_squeeze %dma_start3A_419 : memref<1x1x1x125xi32, #tpu.memory_space<hbm>> -> memref<1x125xi32, #tpu.memory_space<hbm>>
        tpu.enqueue_dma source(%dma_start3A_420 : memref<1x125xi32, #tpu.memory_space<hbm>>) target(%dma_start3A_416 : memref<1x125xi32, #tpu.memory_space<vmem>>) target_semaphore(%arg18 : memref<!tpu.dma_semaphore, #tpu.memory_space<semaphore_mem>>)
      } else {
      }
      %add3A_205 = arith.constant 1 : i32
      %add3A_206 = arith.addi %add3A_194, %add3A_205 : i32
      %lt3A_207 = arith.constant 80 : i32
      %lt3A_208 = arith.cmpi slt, %add3A_206, %lt3A_207 : i32
      %convert_element_type3A_209 = arith.extui %lt3A_208 : i1 to i32
      %cond3A_210 = arith.constant 0 : i32
      %cond3A_211 = arith.cmpi ne, %convert_element_type3A_209, %cond3A_210 : i32
      scf.if %cond3A_211 {
        %add3A_385 = arith.constant 1 : i32
        %add3A_386 = arith.addi %add3A_194, %add3A_385 : i32
        %dma_wait3A_387 = arith.constant 1 : i32
        %dma_wait3A_388 = arith.constant 0 : i32
        %dma_wait3A_389 = arith.constant 0 : i32
        %dma_wait3A_390 = tpu.memref_slice %arg7[%dma_wait3A_387, %dma_wait3A_388, %dma_wait3A_389] : memref<4x1x125xi32, #tpu.memory_space<vmem>> -> memref<1x1x125xi32, #tpu.memory_space<vmem>>
        %dma_wait3A_391 = tpu.memref_squeeze %dma_wait3A_390 : memref<1x1x125xi32, #tpu.memory_space<vmem>> -> memref<1x125xi32, #tpu.memory_space<vmem>>
        %dma_wait3A_392 = arith.constant 0 : i32
        %dma_wait3A_393 = arith.constant 0 : i32
        %dma_wait3A_394 = tpu.memref_slice %arg3[%add3A, %add3A_386, %dma_wait3A_392, %dma_wait3A_393] : memref<32x80x1x125xi32, #tpu.memory_space<hbm>> -> memref<1x1x1x125xi32, #tpu.memory_space<hbm>>
        %dma_wait3A_395 = tpu.memref_squeeze %dma_wait3A_394 : memref<1x1x1x125xi32, #tpu.memory_space<hbm>> -> memref<1x125xi32, #tpu.memory_space<hbm>>
        %dma_wait3A_396 = arith.constant 0 : i32
        %dma_wait3A_397 = arith.constant 0 : i32
        %dma_wait3A_398 = tpu.memref_slice %arg7[%dma_wait3A_387, %dma_wait3A_396, %dma_wait3A_397] : memref<4x1x125xi32, #tpu.memory_space<vmem>> -> memref<1x1x125xi32, #tpu.memory_space<vmem>>
        %dma_wait3A_399 = tpu.memref_squeeze %dma_wait3A_398 : memref<1x1x125xi32, #tpu.memory_space<vmem>> -> memref<1x125xi32, #tpu.memory_space<vmem>>
        %dma_wait3A_400 = arith.constant 0 : i32
        %dma_wait3A_401 = arith.constant 0 : i32
        %dma_wait3A_402 = tpu.memref_slice %arg3[%add3A, %add3A_386, %dma_wait3A_400, %dma_wait3A_401] : memref<32x80x1x125xi32, #tpu.memory_space<hbm>> -> memref<1x1x1x125xi32, #tpu.memory_space<hbm>>
        %dma_wait3A_403 = tpu.memref_squeeze %dma_wait3A_402 : memref<1x1x1x125xi32, #tpu.memory_space<hbm>> -> memref<1x125xi32, #tpu.memory_space<hbm>>
        tpu.wait_dma2 semaphore(%arg12 : memref<!tpu.dma_semaphore, #tpu.memory_space<semaphore_mem>>) src(%dma_wait3A_403 : memref<1x125xi32, #tpu.memory_space<hbm>>) dst(%dma_wait3A_399 : memref<1x125xi32, #tpu.memory_space<vmem>>)
        %dma_wait3A_404 = arith.constant 1 : i32
        %dma_wait3A_405 = arith.constant 0 : i32
        %dma_wait3A_406 = arith.constant 0 : i32
        %dma_wait3A_407 = tpu.memref_slice %arg8[%dma_wait3A_404, %dma_wait3A_405, %dma_wait3A_406] : memref<4x1x125xi32, #tpu.memory_space<vmem>> -> memref<1x1x125xi32, #tpu.memory_space<vmem>>
        %dma_wait3A_408 = tpu.memref_squeeze %dma_wait3A_407 : memref<1x1x125xi32, #tpu.memory_space<vmem>> -> memref<1x125xi32, #tpu.memory_space<vmem>>
        %dma_wait3A_409 = arith.constant 0 : i32
        %dma_wait3A_410 = arith.constant 0 : i32
        %dma_wait3A_411 = tpu.memref_slice %arg4[%add3A, %add3A_386, %dma_wait3A_409, %dma_wait3A_410] : memref<32x80x1x125xi32, #tpu.memory_space<hbm>> -> memref<1x1x1x125xi32, #tpu.memory_space<hbm>>
        %dma_wait3A_412 = tpu.memref_squeeze %dma_wait3A_411 : memref<1x1x1x125xi32, #tpu.memory_space<hbm>> -> memref<1x125xi32, #tpu.memory_space<hbm>>
        %dma_wait3A_413 = arith.constant 0 : i32
        %dma_wait3A_414 = arith.constant 0 : i32
        %dma_wait3A_415 = tpu.memref_slice %arg8[%dma_wait3A_404, %dma_wait3A_413, %dma_wait3A_414] : memref<4x1x125xi32, #tpu.memory_space<vmem>> -> memref<1x1x125xi32, #tpu.memory_space<vmem>>
        %dma_wait3A_416 = tpu.memref_squeeze %dma_wait3A_415 : memref<1x1x125xi32, #tpu.memory_space<vmem>> -> memref<1x125xi32, #tpu.memory_space<vmem>>
        %dma_wait3A_417 = arith.constant 0 : i32
        %dma_wait3A_418 = arith.constant 0 : i32
        %dma_wait3A_419 = tpu.memref_slice %arg4[%add3A, %add3A_386, %dma_wait3A_417, %dma_wait3A_418] : memref<32x80x1x125xi32, #tpu.memory_space<hbm>> -> memref<1x1x1x125xi32, #tpu.memory_space<hbm>>
        %dma_wait3A_420 = tpu.memref_squeeze %dma_wait3A_419 : memref<1x1x1x125xi32, #tpu.memory_space<hbm>> -> memref<1x125xi32, #tpu.memory_space<hbm>>
        tpu.wait_dma2 semaphore(%arg16 : memref<!tpu.dma_semaphore, #tpu.memory_space<semaphore_mem>>) src(%dma_wait3A_420 : memref<1x125xi32, #tpu.memory_space<hbm>>) dst(%dma_wait3A_416 : memref<1x125xi32, #tpu.memory_space<vmem>>)
        %dma_start3A_421 = arith.constant 1 : i32
        %dma_start3A_422 = arith.constant 0 : i32
        %dma_start3A_423 = arith.constant 1 : i32
        %dma_start3A_424 = arith.constant 0 : i32
        %dma_start3A_425 = arith.constant 0 : i32
        %dma_start3A_426 = tpu.memref_slice %arg9[%dma_start3A_423, %dma_start3A_424, %dma_start3A_425] : memref<2x125x128xf32, #tpu.memory_space<vmem>> -> memref<1x125x128xf32, #tpu.memory_space<vmem>>
        %dma_start3A_427 = tpu.memref_squeeze %dma_start3A_426 : memref<1x125x128xf32, #tpu.memory_space<vmem>> -> memref<125x128xf32, #tpu.memory_space<vmem>>
        %dma_start3A_428 = arith.constant 0 : i32
        %dma_start3A_429 = tpu.memref_slice %arg7[%dma_start3A_421, %dma_start3A_422, %dma_start3A_428] : memref<4x1x125xi32, #tpu.memory_space<vmem>> -> memref<1x1x125xi32, #tpu.memory_space<vmem>>
        %dma_start3A_430 = tpu.memref_squeeze %dma_start3A_429 : memref<1x1x125xi32, #tpu.memory_space<vmem>> -> memref<125xi32, #tpu.memory_space<vmem>>
        %dma_start3A_431 = arith.constant 0 : i32
        %dma_start3A_432 = arith.constant 0 : i32
        %dma_start3A_433 = tpu.memref_slice %arg2[%dma_start3A_431, %dma_start3A_432] : memref<90000x128xf32, #tpu.memory_space<hbm>> -> memref<90000x128xf32, #tpu.memory_space<hbm>>
        tpu.enqueue_indirect_dma source(%dma_start3A_433 : memref<90000x128xf32, #tpu.memory_space<hbm>>) target(%dma_start3A_427 : memref<125x128xf32, #tpu.memory_space<vmem>>) offsets(%dma_start3A_430 : memref<125xi32, #tpu.memory_space<vmem>>) semaphore(%arg20 : memref<!tpu.dma_semaphore, #tpu.memory_space<semaphore_mem>>)
      } else {
      }
      %dma_wait3A_212 = arith.constant 0 : i32
      %dma_wait3A_213 = arith.constant 0 : i32
      %dma_wait3A_214 = arith.constant 0 : i32
      %dma_wait3A_215 = arith.constant 0 : i32
      %dma_wait3A_216 = arith.constant 0 : i32
      %dma_wait3A_217 = tpu.memref_slice %arg9[%dma_wait3A_214, %dma_wait3A_215, %dma_wait3A_216] : memref<2x125x128xf32, #tpu.memory_space<vmem>> -> memref<1x125x128xf32, #tpu.memory_space<vmem>>
      %dma_wait3A_218 = tpu.memref_squeeze %dma_wait3A_217 : memref<1x125x128xf32, #tpu.memory_space<vmem>> -> memref<125x128xf32, #tpu.memory_space<vmem>>
      %dma_wait3A_219 = arith.constant 0 : i32
      %dma_wait3A_220 = tpu.memref_slice %arg7[%dma_wait3A_212, %dma_wait3A_213, %dma_wait3A_219] : memref<4x1x125xi32, #tpu.memory_space<vmem>> -> memref<1x1x125xi32, #tpu.memory_space<vmem>>
      %dma_wait3A_221 = tpu.memref_squeeze %dma_wait3A_220 : memref<1x1x125xi32, #tpu.memory_space<vmem>> -> memref<125xi32, #tpu.memory_space<vmem>>
      %dma_wait3A_222 = arith.constant 0 : i32
      %dma_wait3A_223 = arith.constant 0 : i32
      %dma_wait3A_224 = tpu.memref_slice %arg2[%dma_wait3A_222, %dma_wait3A_223] : memref<90000x128xf32, #tpu.memory_space<hbm>> -> memref<90000x128xf32, #tpu.memory_space<hbm>>
      tpu.wait_indirect_dma semaphore(%arg19 : memref<!tpu.dma_semaphore, #tpu.memory_space<semaphore_mem>>) src(%dma_wait3A_224 : memref<90000x128xf32, #tpu.memory_space<hbm>>) dst(%dma_wait3A_218 : memref<125x128xf32, #tpu.memory_space<vmem>>)
      %dma_start3A_225 = arith.constant 0 : i32
      %dma_start3A_226 = arith.constant 0 : i32
      %dma_start3A_227 = arith.constant 0 : i32
      %dma_start3A_228 = arith.constant 0 : i32
      %dma_start3A_229 = arith.constant 0 : i32
      %dma_start3A_230 = tpu.memref_slice %arg9[%dma_start3A_225, %dma_start3A_228, %dma_start3A_229] : memref<2x125x128xf32, #tpu.memory_space<vmem>> -> memref<1x125x128xf32, #tpu.memory_space<vmem>>
      %dma_start3A_231 = tpu.memref_squeeze %dma_start3A_230 : memref<1x125x128xf32, #tpu.memory_space<vmem>> -> memref<125x128xf32, #tpu.memory_space<vmem>>
      %dma_start3A_232 = arith.constant 0 : i32
      %dma_start3A_233 = tpu.memref_slice %arg8[%dma_start3A_226, %dma_start3A_227, %dma_start3A_232] : memref<4x1x125xi32, #tpu.memory_space<vmem>> -> memref<1x1x125xi32, #tpu.memory_space<vmem>>
      %dma_start3A_234 = tpu.memref_squeeze %dma_start3A_233 : memref<1x1x125xi32, #tpu.memory_space<vmem>> -> memref<125xi32, #tpu.memory_space<vmem>>
      %dma_start3A_235 = arith.constant 0 : i32
      %dma_start3A_236 = arith.constant 0 : i32
      %dma_start3A_237 = tpu.memref_slice %arg10[%dma_start3A_235, %dma_start3A_236] : memref<10000x128xf32, #tpu.memory_space<vmem_shared>> -> memref<10000x128xf32, #tpu.memory_space<vmem_shared>>
      tpu.enqueue_indirect_dma source(%dma_start3A_231 : memref<125x128xf32, #tpu.memory_space<vmem>>) target(%dma_start3A_237 : memref<10000x128xf32, #tpu.memory_space<vmem_shared>>) offsets(%dma_start3A_234 : memref<125xi32, #tpu.memory_space<vmem>>) semaphore(%arg21 : memref<!tpu.dma_semaphore, #tpu.memory_space<semaphore_mem>>) {add = true}
      %mul3A_238 = arith.constant 4 : i32
      %mul3A_239 = arith.muli %scan3A_190, %mul3A_238 : i32
      %add3A_240 = arith.constant 1 : i32
      %add3A_241 = arith.addi %mul3A_239, %add3A_240 : i32
      %ge3A_242 = arith.constant 1 : i32
      %ge3A_243 = arith.cmpi sge, %add3A_241, %ge3A_242 : i32
      %convert_element_type3A_244 = arith.extui %ge3A_243 : i1 to i32
      %cond3A_245 = arith.constant 0 : i32
      %cond3A_246 = arith.cmpi ne, %convert_element_type3A_244, %cond3A_245 : i32
      scf.if %cond3A_246 {
        %dma_wait3A_385 = arith.constant 0 : i32
        %dma_wait3A_386 = arith.constant 0 : i32
        %dma_wait3A_387 = arith.constant 0 : i32
        %dma_wait3A_388 = arith.constant 0 : i32
        %dma_wait3A_389 = arith.constant 0 : i32
        %dma_wait3A_390 = tpu.memref_slice %arg9[%dma_wait3A_385, %dma_wait3A_388, %dma_wait3A_389] : memref<2x125x128xf32, #tpu.memory_space<vmem>> -> memref<1x125x128xf32, #tpu.memory_space<vmem>>
        %dma_wait3A_391 = tpu.memref_squeeze %dma_wait3A_390 : memref<1x125x128xf32, #tpu.memory_space<vmem>> -> memref<125x128xf32, #tpu.memory_space<vmem>>
        %dma_wait3A_392 = arith.constant 0 : i32
        %dma_wait3A_393 = tpu.memref_slice %arg8[%dma_wait3A_386, %dma_wait3A_387, %dma_wait3A_392] : memref<4x1x125xi32, #tpu.memory_space<vmem>> -> memref<1x1x125xi32, #tpu.memory_space<vmem>>
        %dma_wait3A_394 = tpu.memref_squeeze %dma_wait3A_393 : memref<1x1x125xi32, #tpu.memory_space<vmem>> -> memref<125xi32, #tpu.memory_space<vmem>>
        %dma_wait3A_395 = arith.constant 0 : i32
        %dma_wait3A_396 = arith.constant 0 : i32
        %dma_wait3A_397 = tpu.memref_slice %arg10[%dma_wait3A_395, %dma_wait3A_396] : memref<10000x128xf32, #tpu.memory_space<vmem_shared>> -> memref<10000x128xf32, #tpu.memory_space<vmem_shared>>
        tpu.wait_indirect_dma semaphore(%arg21 : memref<!tpu.dma_semaphore, #tpu.memory_space<semaphore_mem>>) src(%dma_wait3A_391 : memref<125x128xf32, #tpu.memory_space<vmem>>) dst(%dma_wait3A_397 : memref<10000x128xf32, #tpu.memory_space<vmem_shared>>)
      } else {
      }
      %add3A_247 = arith.constant 3 : i32
      %add3A_248 = arith.addi %add3A_241, %add3A_247 : i32
      %lt3A_249 = arith.constant 80 : i32
      %lt3A_250 = arith.cmpi slt, %add3A_248, %lt3A_249 : i32
      %convert_element_type3A_251 = arith.extui %lt3A_250 : i1 to i32
      %cond3A_252 = arith.constant 0 : i32
      %cond3A_253 = arith.cmpi ne, %convert_element_type3A_251, %cond3A_252 : i32
      scf.if %cond3A_253 {
        %add3A_385 = arith.constant 3 : i32
        %add3A_386 = arith.addi %add3A_241, %add3A_385 : i32
        %dma_start3A_387 = arith.constant 0 : i32
        %dma_start3A_388 = arith.constant 0 : i32
        %dma_start3A_389 = arith.constant 0 : i32
        %dma_start3A_390 = tpu.memref_slice %arg7[%dma_start3A_387, %dma_start3A_388, %dma_start3A_389] : memref<4x1x125xi32, #tpu.memory_space<vmem>> -> memref<1x1x125xi32, #tpu.memory_space<vmem>>
        %dma_start3A_391 = tpu.memref_squeeze %dma_start3A_390 : memref<1x1x125xi32, #tpu.memory_space<vmem>> -> memref<1x125xi32, #tpu.memory_space<vmem>>
        %dma_start3A_392 = arith.constant 0 : i32
        %dma_start3A_393 = arith.constant 0 : i32
        %dma_start3A_394 = tpu.memref_slice %arg3[%add3A, %add3A_386, %dma_start3A_392, %dma_start3A_393] : memref<32x80x1x125xi32, #tpu.memory_space<hbm>> -> memref<1x1x1x125xi32, #tpu.memory_space<hbm>>
        %dma_start3A_395 = tpu.memref_squeeze %dma_start3A_394 : memref<1x1x1x125xi32, #tpu.memory_space<hbm>> -> memref<1x125xi32, #tpu.memory_space<hbm>>
        %dma_start3A_396 = arith.constant 0 : i32
        %dma_start3A_397 = arith.constant 0 : i32
        %dma_start3A_398 = tpu.memref_slice %arg7[%dma_start3A_387, %dma_start3A_396, %dma_start3A_397] : memref<4x1x125xi32, #tpu.memory_space<vmem>> -> memref<1x1x125xi32, #tpu.memory_space<vmem>>
        %dma_start3A_399 = tpu.memref_squeeze %dma_start3A_398 : memref<1x1x125xi32, #tpu.memory_space<vmem>> -> memref<1x125xi32, #tpu.memory_space<vmem>>
        %dma_start3A_400 = arith.constant 0 : i32
        %dma_start3A_401 = arith.constant 0 : i32
        %dma_start3A_402 = tpu.memref_slice %arg3[%add3A, %add3A_386, %dma_start3A_400, %dma_start3A_401] : memref<32x80x1x125xi32, #tpu.memory_space<hbm>> -> memref<1x1x1x125xi32, #tpu.memory_space<hbm>>
        %dma_start3A_403 = tpu.memref_squeeze %dma_start3A_402 : memref<1x1x1x125xi32, #tpu.memory_space<hbm>> -> memref<1x125xi32, #tpu.memory_space<hbm>>
        tpu.enqueue_dma source(%dma_start3A_403 : memref<1x125xi32, #tpu.memory_space<hbm>>) target(%dma_start3A_399 : memref<1x125xi32, #tpu.memory_space<vmem>>) target_semaphore(%arg11 : memref<!tpu.dma_semaphore, #tpu.memory_space<semaphore_mem>>)
        %dma_start3A_404 = arith.constant 0 : i32
        %dma_start3A_405 = arith.constant 0 : i32
        %dma_start3A_406 = arith.constant 0 : i32
        %dma_start3A_407 = tpu.memref_slice %arg8[%dma_start3A_404, %dma_start3A_405, %dma_start3A_406] : memref<4x1x125xi32, #tpu.memory_space<vmem>> -> memref<1x1x125xi32, #tpu.memory_space<vmem>>
        %dma_start3A_408 = tpu.memref_squeeze %dma_start3A_407 : memref<1x1x125xi32, #tpu.memory_space<vmem>> -> memref<1x125xi32, #tpu.memory_space<vmem>>
        %dma_start3A_409 = arith.constant 0 : i32
        %dma_start3A_410 = arith.constant 0 : i32
        %dma_start3A_411 = tpu.memref_slice %arg4[%add3A, %add3A_386, %dma_start3A_409, %dma_start3A_410] : memref<32x80x1x125xi32, #tpu.memory_space<hbm>> -> memref<1x1x1x125xi32, #tpu.memory_space<hbm>>
        %dma_start3A_412 = tpu.memref_squeeze %dma_start3A_411 : memref<1x1x1x125xi32, #tpu.memory_space<hbm>> -> memref<1x125xi32, #tpu.memory_space<hbm>>
        %dma_start3A_413 = arith.constant 0 : i32
        %dma_start3A_414 = arith.constant 0 : i32
        %dma_start3A_415 = tpu.memref_slice %arg8[%dma_start3A_404, %dma_start3A_413, %dma_start3A_414] : memref<4x1x125xi32, #tpu.memory_space<vmem>> -> memref<1x1x125xi32, #tpu.memory_space<vmem>>
        %dma_start3A_416 = tpu.memref_squeeze %dma_start3A_415 : memref<1x1x125xi32, #tpu.memory_space<vmem>> -> memref<1x125xi32, #tpu.memory_space<vmem>>
        %dma_start3A_417 = arith.constant 0 : i32
        %dma_start3A_418 = arith.constant 0 : i32
        %dma_start3A_419 = tpu.memref_slice %arg4[%add3A, %add3A_386, %dma_start3A_417, %dma_start3A_418] : memref<32x80x1x125xi32, #tpu.memory_space<hbm>> -> memref<1x1x1x125xi32, #tpu.memory_space<hbm>>
        %dma_start3A_420 = tpu.memref_squeeze %dma_start3A_419 : memref<1x1x1x125xi32, #tpu.memory_space<hbm>> -> memref<1x125xi32, #tpu.memory_space<hbm>>
        tpu.enqueue_dma source(%dma_start3A_420 : memref<1x125xi32, #tpu.memory_space<hbm>>) target(%dma_start3A_416 : memref<1x125xi32, #tpu.memory_space<vmem>>) target_semaphore(%arg15 : memref<!tpu.dma_semaphore, #tpu.memory_space<semaphore_mem>>)
      } else {
      }
      %add3A_254 = arith.constant 1 : i32
      %add3A_255 = arith.addi %add3A_241, %add3A_254 : i32
      %lt3A_256 = arith.constant 80 : i32
      %lt3A_257 = arith.cmpi slt, %add3A_255, %lt3A_256 : i32
      %convert_element_type3A_258 = arith.extui %lt3A_257 : i1 to i32
      %cond3A_259 = arith.constant 0 : i32
      %cond3A_260 = arith.cmpi ne, %convert_element_type3A_258, %cond3A_259 : i32
      scf.if %cond3A_260 {
        %add3A_385 = arith.constant 1 : i32
        %add3A_386 = arith.addi %add3A_241, %add3A_385 : i32
        %dma_wait3A_387 = arith.constant 2 : i32
        %dma_wait3A_388 = arith.constant 0 : i32
        %dma_wait3A_389 = arith.constant 0 : i32
        %dma_wait3A_390 = tpu.memref_slice %arg7[%dma_wait3A_387, %dma_wait3A_388, %dma_wait3A_389] : memref<4x1x125xi32, #tpu.memory_space<vmem>> -> memref<1x1x125xi32, #tpu.memory_space<vmem>>
        %dma_wait3A_391 = tpu.memref_squeeze %dma_wait3A_390 : memref<1x1x125xi32, #tpu.memory_space<vmem>> -> memref<1x125xi32, #tpu.memory_space<vmem>>
        %dma_wait3A_392 = arith.constant 0 : i32
        %dma_wait3A_393 = arith.constant 0 : i32
        %dma_wait3A_394 = tpu.memref_slice %arg3[%add3A, %add3A_386, %dma_wait3A_392, %dma_wait3A_393] : memref<32x80x1x125xi32, #tpu.memory_space<hbm>> -> memref<1x1x1x125xi32, #tpu.memory_space<hbm>>
        %dma_wait3A_395 = tpu.memref_squeeze %dma_wait3A_394 : memref<1x1x1x125xi32, #tpu.memory_space<hbm>> -> memref<1x125xi32, #tpu.memory_space<hbm>>
        %dma_wait3A_396 = arith.constant 0 : i32
        %dma_wait3A_397 = arith.constant 0 : i32
        %dma_wait3A_398 = tpu.memref_slice %arg7[%dma_wait3A_387, %dma_wait3A_396, %dma_wait3A_397] : memref<4x1x125xi32, #tpu.memory_space<vmem>> -> memref<1x1x125xi32, #tpu.memory_space<vmem>>
        %dma_wait3A_399 = tpu.memref_squeeze %dma_wait3A_398 : memref<1x1x125xi32, #tpu.memory_space<vmem>> -> memref<1x125xi32, #tpu.memory_space<vmem>>
        %dma_wait3A_400 = arith.constant 0 : i32
        %dma_wait3A_401 = arith.constant 0 : i32
        %dma_wait3A_402 = tpu.memref_slice %arg3[%add3A, %add3A_386, %dma_wait3A_400, %dma_wait3A_401] : memref<32x80x1x125xi32, #tpu.memory_space<hbm>> -> memref<1x1x1x125xi32, #tpu.memory_space<hbm>>
        %dma_wait3A_403 = tpu.memref_squeeze %dma_wait3A_402 : memref<1x1x1x125xi32, #tpu.memory_space<hbm>> -> memref<1x125xi32, #tpu.memory_space<hbm>>
        tpu.wait_dma2 semaphore(%arg13 : memref<!tpu.dma_semaphore, #tpu.memory_space<semaphore_mem>>) src(%dma_wait3A_403 : memref<1x125xi32, #tpu.memory_space<hbm>>) dst(%dma_wait3A_399 : memref<1x125xi32, #tpu.memory_space<vmem>>)
        %dma_wait3A_404 = arith.constant 2 : i32
        %dma_wait3A_405 = arith.constant 0 : i32
        %dma_wait3A_406 = arith.constant 0 : i32
        %dma_wait3A_407 = tpu.memref_slice %arg8[%dma_wait3A_404, %dma_wait3A_405, %dma_wait3A_406] : memref<4x1x125xi32, #tpu.memory_space<vmem>> -> memref<1x1x125xi32, #tpu.memory_space<vmem>>
        %dma_wait3A_408 = tpu.memref_squeeze %dma_wait3A_407 : memref<1x1x125xi32, #tpu.memory_space<vmem>> -> memref<1x125xi32, #tpu.memory_space<vmem>>
        %dma_wait3A_409 = arith.constant 0 : i32
        %dma_wait3A_410 = arith.constant 0 : i32
        %dma_wait3A_411 = tpu.memref_slice %arg4[%add3A, %add3A_386, %dma_wait3A_409, %dma_wait3A_410] : memref<32x80x1x125xi32, #tpu.memory_space<hbm>> -> memref<1x1x1x125xi32, #tpu.memory_space<hbm>>
        %dma_wait3A_412 = tpu.memref_squeeze %dma_wait3A_411 : memref<1x1x1x125xi32, #tpu.memory_space<hbm>> -> memref<1x125xi32, #tpu.memory_space<hbm>>
        %dma_wait3A_413 = arith.constant 0 : i32
        %dma_wait3A_414 = arith.constant 0 : i32
        %dma_wait3A_415 = tpu.memref_slice %arg8[%dma_wait3A_404, %dma_wait3A_413, %dma_wait3A_414] : memref<4x1x125xi32, #tpu.memory_space<vmem>> -> memref<1x1x125xi32, #tpu.memory_space<vmem>>
        %dma_wait3A_416 = tpu.memref_squeeze %dma_wait3A_415 : memref<1x1x125xi32, #tpu.memory_space<vmem>> -> memref<1x125xi32, #tpu.memory_space<vmem>>
        %dma_wait3A_417 = arith.constant 0 : i32
        %dma_wait3A_418 = arith.constant 0 : i32
        %dma_wait3A_419 = tpu.memref_slice %arg4[%add3A, %add3A_386, %dma_wait3A_417, %dma_wait3A_418] : memref<32x80x1x125xi32, #tpu.memory_space<hbm>> -> memref<1x1x1x125xi32, #tpu.memory_space<hbm>>
        %dma_wait3A_420 = tpu.memref_squeeze %dma_wait3A_419 : memref<1x1x1x125xi32, #tpu.memory_space<hbm>> -> memref<1x125xi32, #tpu.memory_space<hbm>>
        tpu.wait_dma2 semaphore(%arg17 : memref<!tpu.dma_semaphore, #tpu.memory_space<semaphore_mem>>) src(%dma_wait3A_420 : memref<1x125xi32, #tpu.memory_space<hbm>>) dst(%dma_wait3A_416 : memref<1x125xi32, #tpu.memory_space<vmem>>)
        %dma_start3A_421 = arith.constant 2 : i32
        %dma_start3A_422 = arith.constant 0 : i32
        %dma_start3A_423 = arith.constant 0 : i32
        %dma_start3A_424 = arith.constant 0 : i32
        %dma_start3A_425 = arith.constant 0 : i32
        %dma_start3A_426 = tpu.memref_slice %arg9[%dma_start3A_423, %dma_start3A_424, %dma_start3A_425] : memref<2x125x128xf32, #tpu.memory_space<vmem>> -> memref<1x125x128xf32, #tpu.memory_space<vmem>>
        %dma_start3A_427 = tpu.memref_squeeze %dma_start3A_426 : memref<1x125x128xf32, #tpu.memory_space<vmem>> -> memref<125x128xf32, #tpu.memory_space<vmem>>
        %dma_start3A_428 = arith.constant 0 : i32
        %dma_start3A_429 = tpu.memref_slice %arg7[%dma_start3A_421, %dma_start3A_422, %dma_start3A_428] : memref<4x1x125xi32, #tpu.memory_space<vmem>> -> memref<1x1x125xi32, #tpu.memory_space<vmem>>
        %dma_start3A_430 = tpu.memref_squeeze %dma_start3A_429 : memref<1x1x125xi32, #tpu.memory_space<vmem>> -> memref<125xi32, #tpu.memory_space<vmem>>
        %dma_start3A_431 = arith.constant 0 : i32
        %dma_start3A_432 = arith.constant 0 : i32
        %dma_start3A_433 = tpu.memref_slice %arg2[%dma_start3A_431, %dma_start3A_432] : memref<90000x128xf32, #tpu.memory_space<hbm>> -> memref<90000x128xf32, #tpu.memory_space<hbm>>
        tpu.enqueue_indirect_dma source(%dma_start3A_433 : memref<90000x128xf32, #tpu.memory_space<hbm>>) target(%dma_start3A_427 : memref<125x128xf32, #tpu.memory_space<vmem>>) offsets(%dma_start3A_430 : memref<125xi32, #tpu.memory_space<vmem>>) semaphore(%arg19 : memref<!tpu.dma_semaphore, #tpu.memory_space<semaphore_mem>>)
      } else {
      }
      %dma_wait3A_261 = arith.constant 1 : i32
      %dma_wait3A_262 = arith.constant 0 : i32
      %dma_wait3A_263 = arith.constant 1 : i32
      %dma_wait3A_264 = arith.constant 0 : i32
      %dma_wait3A_265 = arith.constant 0 : i32
      %dma_wait3A_266 = tpu.memref_slice %arg9[%dma_wait3A_263, %dma_wait3A_264, %dma_wait3A_265] : memref<2x125x128xf32, #tpu.memory_space<vmem>> -> memref<1x125x128xf32, #tpu.memory_space<vmem>>
      %dma_wait3A_267 = tpu.memref_squeeze %dma_wait3A_266 : memref<1x125x128xf32, #tpu.memory_space<vmem>> -> memref<125x128xf32, #tpu.memory_space<vmem>>
      %dma_wait3A_268 = arith.constant 0 : i32
      %dma_wait3A_269 = tpu.memref_slice %arg7[%dma_wait3A_261, %dma_wait3A_262, %dma_wait3A_268] : memref<4x1x125xi32, #tpu.memory_space<vmem>> -> memref<1x1x125xi32, #tpu.memory_space<vmem>>
      %dma_wait3A_270 = tpu.memref_squeeze %dma_wait3A_269 : memref<1x1x125xi32, #tpu.memory_space<vmem>> -> memref<125xi32, #tpu.memory_space<vmem>>
      %dma_wait3A_271 = arith.constant 0 : i32
      %dma_wait3A_272 = arith.constant 0 : i32
      %dma_wait3A_273 = tpu.memref_slice %arg2[%dma_wait3A_271, %dma_wait3A_272] : memref<90000x128xf32, #tpu.memory_space<hbm>> -> memref<90000x128xf32, #tpu.memory_space<hbm>>
      tpu.wait_indirect_dma semaphore(%arg20 : memref<!tpu.dma_semaphore, #tpu.memory_space<semaphore_mem>>) src(%dma_wait3A_273 : memref<90000x128xf32, #tpu.memory_space<hbm>>) dst(%dma_wait3A_267 : memref<125x128xf32, #tpu.memory_space<vmem>>)
      %dma_start3A_274 = arith.constant 1 : i32
      %dma_start3A_275 = arith.constant 1 : i32
      %dma_start3A_276 = arith.constant 0 : i32
      %dma_start3A_277 = arith.constant 0 : i32
      %dma_start3A_278 = arith.constant 0 : i32
      %dma_start3A_279 = tpu.memref_slice %arg9[%dma_start3A_274, %dma_start3A_277, %dma_start3A_278] : memref<2x125x128xf32, #tpu.memory_space<vmem>> -> memref<1x125x128xf32, #tpu.memory_space<vmem>>
      %dma_start3A_280 = tpu.memref_squeeze %dma_start3A_279 : memref<1x125x128xf32, #tpu.memory_space<vmem>> -> memref<125x128xf32, #tpu.memory_space<vmem>>
      %dma_start3A_281 = arith.constant 0 : i32
      %dma_start3A_282 = tpu.memref_slice %arg8[%dma_start3A_275, %dma_start3A_276, %dma_start3A_281] : memref<4x1x125xi32, #tpu.memory_space<vmem>> -> memref<1x1x125xi32, #tpu.memory_space<vmem>>
      %dma_start3A_283 = tpu.memref_squeeze %dma_start3A_282 : memref<1x1x125xi32, #tpu.memory_space<vmem>> -> memref<125xi32, #tpu.memory_space<vmem>>
      %dma_start3A_284 = arith.constant 0 : i32
      %dma_start3A_285 = arith.constant 0 : i32
      %dma_start3A_286 = tpu.memref_slice %arg10[%dma_start3A_284, %dma_start3A_285] : memref<10000x128xf32, #tpu.memory_space<vmem_shared>> -> memref<10000x128xf32, #tpu.memory_space<vmem_shared>>
      tpu.enqueue_indirect_dma source(%dma_start3A_280 : memref<125x128xf32, #tpu.memory_space<vmem>>) target(%dma_start3A_286 : memref<10000x128xf32, #tpu.memory_space<vmem_shared>>) offsets(%dma_start3A_283 : memref<125xi32, #tpu.memory_space<vmem>>) semaphore(%arg22 : memref<!tpu.dma_semaphore, #tpu.memory_space<semaphore_mem>>) {add = true}
      %mul3A_287 = arith.constant 4 : i32
      %mul3A_288 = arith.muli %scan3A_190, %mul3A_287 : i32
      %add3A_289 = arith.constant 2 : i32
      %add3A_290 = arith.addi %mul3A_288, %add3A_289 : i32
      %ge3A_291 = arith.constant 1 : i32
      %ge3A_292 = arith.cmpi sge, %add3A_290, %ge3A_291 : i32
      %convert_element_type3A_293 = arith.extui %ge3A_292 : i1 to i32
      %cond3A_294 = arith.constant 0 : i32
      %cond3A_295 = arith.cmpi ne, %convert_element_type3A_293, %cond3A_294 : i32
      scf.if %cond3A_295 {
        %dma_wait3A_385 = arith.constant 1 : i32
        %dma_wait3A_386 = arith.constant 1 : i32
        %dma_wait3A_387 = arith.constant 0 : i32
        %dma_wait3A_388 = arith.constant 0 : i32
        %dma_wait3A_389 = arith.constant 0 : i32
        %dma_wait3A_390 = tpu.memref_slice %arg9[%dma_wait3A_385, %dma_wait3A_388, %dma_wait3A_389] : memref<2x125x128xf32, #tpu.memory_space<vmem>> -> memref<1x125x128xf32, #tpu.memory_space<vmem>>
        %dma_wait3A_391 = tpu.memref_squeeze %dma_wait3A_390 : memref<1x125x128xf32, #tpu.memory_space<vmem>> -> memref<125x128xf32, #tpu.memory_space<vmem>>
        %dma_wait3A_392 = arith.constant 0 : i32
        %dma_wait3A_393 = tpu.memref_slice %arg8[%dma_wait3A_386, %dma_wait3A_387, %dma_wait3A_392] : memref<4x1x125xi32, #tpu.memory_space<vmem>> -> memref<1x1x125xi32, #tpu.memory_space<vmem>>
        %dma_wait3A_394 = tpu.memref_squeeze %dma_wait3A_393 : memref<1x1x125xi32, #tpu.memory_space<vmem>> -> memref<125xi32, #tpu.memory_space<vmem>>
        %dma_wait3A_395 = arith.constant 0 : i32
        %dma_wait3A_396 = arith.constant 0 : i32
        %dma_wait3A_397 = tpu.memref_slice %arg10[%dma_wait3A_395, %dma_wait3A_396] : memref<10000x128xf32, #tpu.memory_space<vmem_shared>> -> memref<10000x128xf32, #tpu.memory_space<vmem_shared>>
        tpu.wait_indirect_dma semaphore(%arg22 : memref<!tpu.dma_semaphore, #tpu.memory_space<semaphore_mem>>) src(%dma_wait3A_391 : memref<125x128xf32, #tpu.memory_space<vmem>>) dst(%dma_wait3A_397 : memref<10000x128xf32, #tpu.memory_space<vmem_shared>>)
      } else {
      }
      %add3A_296 = arith.constant 3 : i32
      %add3A_297 = arith.addi %add3A_290, %add3A_296 : i32
      %lt3A_298 = arith.constant 80 : i32
      %lt3A_299 = arith.cmpi slt, %add3A_297, %lt3A_298 : i32
      %convert_element_type3A_300 = arith.extui %lt3A_299 : i1 to i32
      %cond3A_301 = arith.constant 0 : i32
      %cond3A_302 = arith.cmpi ne, %convert_element_type3A_300, %cond3A_301 : i32
      scf.if %cond3A_302 {
        %add3A_385 = arith.constant 3 : i32
        %add3A_386 = arith.addi %add3A_290, %add3A_385 : i32
        %dma_start3A_387 = arith.constant 1 : i32
        %dma_start3A_388 = arith.constant 0 : i32
        %dma_start3A_389 = arith.constant 0 : i32
        %dma_start3A_390 = tpu.memref_slice %arg7[%dma_start3A_387, %dma_start3A_388, %dma_start3A_389] : memref<4x1x125xi32, #tpu.memory_space<vmem>> -> memref<1x1x125xi32, #tpu.memory_space<vmem>>
        %dma_start3A_391 = tpu.memref_squeeze %dma_start3A_390 : memref<1x1x125xi32, #tpu.memory_space<vmem>> -> memref<1x125xi32, #tpu.memory_space<vmem>>
        %dma_start3A_392 = arith.constant 0 : i32
        %dma_start3A_393 = arith.constant 0 : i32
        %dma_start3A_394 = tpu.memref_slice %arg3[%add3A, %add3A_386, %dma_start3A_392, %dma_start3A_393] : memref<32x80x1x125xi32, #tpu.memory_space<hbm>> -> memref<1x1x1x125xi32, #tpu.memory_space<hbm>>
        %dma_start3A_395 = tpu.memref_squeeze %dma_start3A_394 : memref<1x1x1x125xi32, #tpu.memory_space<hbm>> -> memref<1x125xi32, #tpu.memory_space<hbm>>
        %dma_start3A_396 = arith.constant 0 : i32
        %dma_start3A_397 = arith.constant 0 : i32
        %dma_start3A_398 = tpu.memref_slice %arg7[%dma_start3A_387, %dma_start3A_396, %dma_start3A_397] : memref<4x1x125xi32, #tpu.memory_space<vmem>> -> memref<1x1x125xi32, #tpu.memory_space<vmem>>
        %dma_start3A_399 = tpu.memref_squeeze %dma_start3A_398 : memref<1x1x125xi32, #tpu.memory_space<vmem>> -> memref<1x125xi32, #tpu.memory_space<vmem>>
        %dma_start3A_400 = arith.constant 0 : i32
        %dma_start3A_401 = arith.constant 0 : i32
        %dma_start3A_402 = tpu.memref_slice %arg3[%add3A, %add3A_386, %dma_start3A_400, %dma_start3A_401] : memref<32x80x1x125xi32, #tpu.memory_space<hbm>> -> memref<1x1x1x125xi32, #tpu.memory_space<hbm>>
        %dma_start3A_403 = tpu.memref_squeeze %dma_start3A_402 : memref<1x1x1x125xi32, #tpu.memory_space<hbm>> -> memref<1x125xi32, #tpu.memory_space<hbm>>
        tpu.enqueue_dma source(%dma_start3A_403 : memref<1x125xi32, #tpu.memory_space<hbm>>) target(%dma_start3A_399 : memref<1x125xi32, #tpu.memory_space<vmem>>) target_semaphore(%arg12 : memref<!tpu.dma_semaphore, #tpu.memory_space<semaphore_mem>>)
        %dma_start3A_404 = arith.constant 1 : i32
        %dma_start3A_405 = arith.constant 0 : i32
        %dma_start3A_406 = arith.constant 0 : i32
        %dma_start3A_407 = tpu.memref_slice %arg8[%dma_start3A_404, %dma_start3A_405, %dma_start3A_406] : memref<4x1x125xi32, #tpu.memory_space<vmem>> -> memref<1x1x125xi32, #tpu.memory_space<vmem>>
        %dma_start3A_408 = tpu.memref_squeeze %dma_start3A_407 : memref<1x1x125xi32, #tpu.memory_space<vmem>> -> memref<1x125xi32, #tpu.memory_space<vmem>>
        %dma_start3A_409 = arith.constant 0 : i32
        %dma_start3A_410 = arith.constant 0 : i32
        %dma_start3A_411 = tpu.memref_slice %arg4[%add3A, %add3A_386, %dma_start3A_409, %dma_start3A_410] : memref<32x80x1x125xi32, #tpu.memory_space<hbm>> -> memref<1x1x1x125xi32, #tpu.memory_space<hbm>>
        %dma_start3A_412 = tpu.memref_squeeze %dma_start3A_411 : memref<1x1x1x125xi32, #tpu.memory_space<hbm>> -> memref<1x125xi32, #tpu.memory_space<hbm>>
        %dma_start3A_413 = arith.constant 0 : i32
        %dma_start3A_414 = arith.constant 0 : i32
        %dma_start3A_415 = tpu.memref_slice %arg8[%dma_start3A_404, %dma_start3A_413, %dma_start3A_414] : memref<4x1x125xi32, #tpu.memory_space<vmem>> -> memref<1x1x125xi32, #tpu.memory_space<vmem>>
        %dma_start3A_416 = tpu.memref_squeeze %dma_start3A_415 : memref<1x1x125xi32, #tpu.memory_space<vmem>> -> memref<1x125xi32, #tpu.memory_space<vmem>>
        %dma_start3A_417 = arith.constant 0 : i32
        %dma_start3A_418 = arith.constant 0 : i32
        %dma_start3A_419 = tpu.memref_slice %arg4[%add3A, %add3A_386, %dma_start3A_417, %dma_start3A_418] : memref<32x80x1x125xi32, #tpu.memory_space<hbm>> -> memref<1x1x1x125xi32, #tpu.memory_space<hbm>>
        %dma_start3A_420 = tpu.memref_squeeze %dma_start3A_419 : memref<1x1x1x125xi32, #tpu.memory_space<hbm>> -> memref<1x125xi32, #tpu.memory_space<hbm>>
        tpu.enqueue_dma source(%dma_start3A_420 : memref<1x125xi32, #tpu.memory_space<hbm>>) target(%dma_start3A_416 : memref<1x125xi32, #tpu.memory_space<vmem>>) target_semaphore(%arg16 : memref<!tpu.dma_semaphore, #tpu.memory_space<semaphore_mem>>)
      } else {
      }
      %add3A_303 = arith.constant 1 : i32
      %add3A_304 = arith.addi %add3A_290, %add3A_303 : i32
      %lt3A_305 = arith.constant 80 : i32
      %lt3A_306 = arith.cmpi slt, %add3A_304, %lt3A_305 : i32
      %convert_element_type3A_307 = arith.extui %lt3A_306 : i1 to i32
      %cond3A_308 = arith.constant 0 : i32
      %cond3A_309 = arith.cmpi ne, %convert_element_type3A_307, %cond3A_308 : i32
      scf.if %cond3A_309 {
        %add3A_385 = arith.constant 1 : i32
        %add3A_386 = arith.addi %add3A_290, %add3A_385 : i32
        %dma_wait3A_387 = arith.constant 3 : i32
        %dma_wait3A_388 = arith.constant 0 : i32
        %dma_wait3A_389 = arith.constant 0 : i32
        %dma_wait3A_390 = tpu.memref_slice %arg7[%dma_wait3A_387, %dma_wait3A_388, %dma_wait3A_389] : memref<4x1x125xi32, #tpu.memory_space<vmem>> -> memref<1x1x125xi32, #tpu.memory_space<vmem>>
        %dma_wait3A_391 = tpu.memref_squeeze %dma_wait3A_390 : memref<1x1x125xi32, #tpu.memory_space<vmem>> -> memref<1x125xi32, #tpu.memory_space<vmem>>
        %dma_wait3A_392 = arith.constant 0 : i32
        %dma_wait3A_393 = arith.constant 0 : i32
        %dma_wait3A_394 = tpu.memref_slice %arg3[%add3A, %add3A_386, %dma_wait3A_392, %dma_wait3A_393] : memref<32x80x1x125xi32, #tpu.memory_space<hbm>> -> memref<1x1x1x125xi32, #tpu.memory_space<hbm>>
        %dma_wait3A_395 = tpu.memref_squeeze %dma_wait3A_394 : memref<1x1x1x125xi32, #tpu.memory_space<hbm>> -> memref<1x125xi32, #tpu.memory_space<hbm>>
        %dma_wait3A_396 = arith.constant 0 : i32
        %dma_wait3A_397 = arith.constant 0 : i32
        %dma_wait3A_398 = tpu.memref_slice %arg7[%dma_wait3A_387, %dma_wait3A_396, %dma_wait3A_397] : memref<4x1x125xi32, #tpu.memory_space<vmem>> -> memref<1x1x125xi32, #tpu.memory_space<vmem>>
        %dma_wait3A_399 = tpu.memref_squeeze %dma_wait3A_398 : memref<1x1x125xi32, #tpu.memory_space<vmem>> -> memref<1x125xi32, #tpu.memory_space<vmem>>
        %dma_wait3A_400 = arith.constant 0 : i32
        %dma_wait3A_401 = arith.constant 0 : i32
        %dma_wait3A_402 = tpu.memref_slice %arg3[%add3A, %add3A_386, %dma_wait3A_400, %dma_wait3A_401] : memref<32x80x1x125xi32, #tpu.memory_space<hbm>> -> memref<1x1x1x125xi32, #tpu.memory_space<hbm>>
        %dma_wait3A_403 = tpu.memref_squeeze %dma_wait3A_402 : memref<1x1x1x125xi32, #tpu.memory_space<hbm>> -> memref<1x125xi32, #tpu.memory_space<hbm>>
        tpu.wait_dma2 semaphore(%arg14 : memref<!tpu.dma_semaphore, #tpu.memory_space<semaphore_mem>>) src(%dma_wait3A_403 : memref<1x125xi32, #tpu.memory_space<hbm>>) dst(%dma_wait3A_399 : memref<1x125xi32, #tpu.memory_space<vmem>>)
        %dma_wait3A_404 = arith.constant 3 : i32
        %dma_wait3A_405 = arith.constant 0 : i32
        %dma_wait3A_406 = arith.constant 0 : i32
        %dma_wait3A_407 = tpu.memref_slice %arg8[%dma_wait3A_404, %dma_wait3A_405, %dma_wait3A_406] : memref<4x1x125xi32, #tpu.memory_space<vmem>> -> memref<1x1x125xi32, #tpu.memory_space<vmem>>
        %dma_wait3A_408 = tpu.memref_squeeze %dma_wait3A_407 : memref<1x1x125xi32, #tpu.memory_space<vmem>> -> memref<1x125xi32, #tpu.memory_space<vmem>>
        %dma_wait3A_409 = arith.constant 0 : i32
        %dma_wait3A_410 = arith.constant 0 : i32
        %dma_wait3A_411 = tpu.memref_slice %arg4[%add3A, %add3A_386, %dma_wait3A_409, %dma_wait3A_410] : memref<32x80x1x125xi32, #tpu.memory_space<hbm>> -> memref<1x1x1x125xi32, #tpu.memory_space<hbm>>
        %dma_wait3A_412 = tpu.memref_squeeze %dma_wait3A_411 : memref<1x1x1x125xi32, #tpu.memory_space<hbm>> -> memref<1x125xi32, #tpu.memory_space<hbm>>
        %dma_wait3A_413 = arith.constant 0 : i32
        %dma_wait3A_414 = arith.constant 0 : i32
        %dma_wait3A_415 = tpu.memref_slice %arg8[%dma_wait3A_404, %dma_wait3A_413, %dma_wait3A_414] : memref<4x1x125xi32, #tpu.memory_space<vmem>> -> memref<1x1x125xi32, #tpu.memory_space<vmem>>
        %dma_wait3A_416 = tpu.memref_squeeze %dma_wait3A_415 : memref<1x1x125xi32, #tpu.memory_space<vmem>> -> memref<1x125xi32, #tpu.memory_space<vmem>>
        %dma_wait3A_417 = arith.constant 0 : i32
        %dma_wait3A_418 = arith.constant 0 : i32
        %dma_wait3A_419 = tpu.memref_slice %arg4[%add3A, %add3A_386, %dma_wait3A_417, %dma_wait3A_418] : memref<32x80x1x125xi32, #tpu.memory_space<hbm>> -> memref<1x1x1x125xi32, #tpu.memory_space<hbm>>
        %dma_wait3A_420 = tpu.memref_squeeze %dma_wait3A_419 : memref<1x1x1x125xi32, #tpu.memory_space<hbm>> -> memref<1x125xi32, #tpu.memory_space<hbm>>
        tpu.wait_dma2 semaphore(%arg18 : memref<!tpu.dma_semaphore, #tpu.memory_space<semaphore_mem>>) src(%dma_wait3A_420 : memref<1x125xi32, #tpu.memory_space<hbm>>) dst(%dma_wait3A_416 : memref<1x125xi32, #tpu.memory_space<vmem>>)
        %dma_start3A_421 = arith.constant 3 : i32
        %dma_start3A_422 = arith.constant 0 : i32
        %dma_start3A_423 = arith.constant 1 : i32
        %dma_start3A_424 = arith.constant 0 : i32
        %dma_start3A_425 = arith.constant 0 : i32
        %dma_start3A_426 = tpu.memref_slice %arg9[%dma_start3A_423, %dma_start3A_424, %dma_start3A_425] : memref<2x125x128xf32, #tpu.memory_space<vmem>> -> memref<1x125x128xf32, #tpu.memory_space<vmem>>
        %dma_start3A_427 = tpu.memref_squeeze %dma_start3A_426 : memref<1x125x128xf32, #tpu.memory_space<vmem>> -> memref<125x128xf32, #tpu.memory_space<vmem>>
        %dma_start3A_428 = arith.constant 0 : i32
        %dma_start3A_429 = tpu.memref_slice %arg7[%dma_start3A_421, %dma_start3A_422, %dma_start3A_428] : memref<4x1x125xi32, #tpu.memory_space<vmem>> -> memref<1x1x125xi32, #tpu.memory_space<vmem>>
        %dma_start3A_430 = tpu.memref_squeeze %dma_start3A_429 : memref<1x1x125xi32, #tpu.memory_space<vmem>> -> memref<125xi32, #tpu.memory_space<vmem>>
        %dma_start3A_431 = arith.constant 0 : i32
        %dma_start3A_432 = arith.constant 0 : i32
        %dma_start3A_433 = tpu.memref_slice %arg2[%dma_start3A_431, %dma_start3A_432] : memref<90000x128xf32, #tpu.memory_space<hbm>> -> memref<90000x128xf32, #tpu.memory_space<hbm>>
        tpu.enqueue_indirect_dma source(%dma_start3A_433 : memref<90000x128xf32, #tpu.memory_space<hbm>>) target(%dma_start3A_427 : memref<125x128xf32, #tpu.memory_space<vmem>>) offsets(%dma_start3A_430 : memref<125xi32, #tpu.memory_space<vmem>>) semaphore(%arg20 : memref<!tpu.dma_semaphore, #tpu.memory_space<semaphore_mem>>)
      } else {
      }
      %dma_wait3A_310 = arith.constant 2 : i32
      %dma_wait3A_311 = arith.constant 0 : i32
      %dma_wait3A_312 = arith.constant 0 : i32
      %dma_wait3A_313 = arith.constant 0 : i32
      %dma_wait3A_314 = arith.constant 0 : i32
      %dma_wait3A_315 = tpu.memref_slice %arg9[%dma_wait3A_312, %dma_wait3A_313, %dma_wait3A_314] : memref<2x125x128xf32, #tpu.memory_space<vmem>> -> memref<1x125x128xf32, #tpu.memory_space<vmem>>
      %dma_wait3A_316 = tpu.memref_squeeze %dma_wait3A_315 : memref<1x125x128xf32, #tpu.memory_space<vmem>> -> memref<125x128xf32, #tpu.memory_space<vmem>>
      %dma_wait3A_317 = arith.constant 0 : i32
      %dma_wait3A_318 = tpu.memref_slice %arg7[%dma_wait3A_310, %dma_wait3A_311, %dma_wait3A_317] : memref<4x1x125xi32, #tpu.memory_space<vmem>> -> memref<1x1x125xi32, #tpu.memory_space<vmem>>
      %dma_wait3A_319 = tpu.memref_squeeze %dma_wait3A_318 : memref<1x1x125xi32, #tpu.memory_space<vmem>> -> memref<125xi32, #tpu.memory_space<vmem>>
      %dma_wait3A_320 = arith.constant 0 : i32
      %dma_wait3A_321 = arith.constant 0 : i32
      %dma_wait3A_322 = tpu.memref_slice %arg2[%dma_wait3A_320, %dma_wait3A_321] : memref<90000x128xf32, #tpu.memory_space<hbm>> -> memref<90000x128xf32, #tpu.memory_space<hbm>>
      tpu.wait_indirect_dma semaphore(%arg19 : memref<!tpu.dma_semaphore, #tpu.memory_space<semaphore_mem>>) src(%dma_wait3A_322 : memref<90000x128xf32, #tpu.memory_space<hbm>>) dst(%dma_wait3A_316 : memref<125x128xf32, #tpu.memory_space<vmem>>)
      %dma_start3A_323 = arith.constant 0 : i32
      %dma_start3A_324 = arith.constant 2 : i32
      %dma_start3A_325 = arith.constant 0 : i32
      %dma_start3A_326 = arith.constant 0 : i32
      %dma_start3A_327 = arith.constant 0 : i32
      %dma_start3A_328 = tpu.memref_slice %arg9[%dma_start3A_323, %dma_start3A_326, %dma_start3A_327] : memref<2x125x128xf32, #tpu.memory_space<vmem>> -> memref<1x125x128xf32, #tpu.memory_space<vmem>>
      %dma_start3A_329 = tpu.memref_squeeze %dma_start3A_328 : memref<1x125x128xf32, #tpu.memory_space<vmem>> -> memref<125x128xf32, #tpu.memory_space<vmem>>
      %dma_start3A_330 = arith.constant 0 : i32
      %dma_start3A_331 = tpu.memref_slice %arg8[%dma_start3A_324, %dma_start3A_325, %dma_start3A_330] : memref<4x1x125xi32, #tpu.memory_space<vmem>> -> memref<1x1x125xi32, #tpu.memory_space<vmem>>
      %dma_start3A_332 = tpu.memref_squeeze %dma_start3A_331 : memref<1x1x125xi32, #tpu.memory_space<vmem>> -> memref<125xi32, #tpu.memory_space<vmem>>
      %dma_start3A_333 = arith.constant 0 : i32
      %dma_start3A_334 = arith.constant 0 : i32
      %dma_start3A_335 = tpu.memref_slice %arg10[%dma_start3A_333, %dma_start3A_334] : memref<10000x128xf32, #tpu.memory_space<vmem_shared>> -> memref<10000x128xf32, #tpu.memory_space<vmem_shared>>
      tpu.enqueue_indirect_dma source(%dma_start3A_329 : memref<125x128xf32, #tpu.memory_space<vmem>>) target(%dma_start3A_335 : memref<10000x128xf32, #tpu.memory_space<vmem_shared>>) offsets(%dma_start3A_332 : memref<125xi32, #tpu.memory_space<vmem>>) semaphore(%arg21 : memref<!tpu.dma_semaphore, #tpu.memory_space<semaphore_mem>>) {add = true}
      %mul3A_336 = arith.constant 4 : i32
      %mul3A_337 = arith.muli %scan3A_190, %mul3A_336 : i32
      %add3A_338 = arith.constant 3 : i32
      %add3A_339 = arith.addi %mul3A_337, %add3A_338 : i32
      %ge3A_340 = arith.constant 1 : i32
      %ge3A_341 = arith.cmpi sge, %add3A_339, %ge3A_340 : i32
      %convert_element_type3A_342 = arith.extui %ge3A_341 : i1 to i32
      %cond3A_343 = arith.constant 0 : i32
      %cond3A_344 = arith.cmpi ne, %convert_element_type3A_342, %cond3A_343 : i32
      scf.if %cond3A_344 {
        %dma_wait3A_385 = arith.constant 0 : i32
        %dma_wait3A_386 = arith.constant 2 : i32
        %dma_wait3A_387 = arith.constant 0 : i32
        %dma_wait3A_388 = arith.constant 0 : i32
        %dma_wait3A_389 = arith.constant 0 : i32
        %dma_wait3A_390 = tpu.memref_slice %arg9[%dma_wait3A_385, %dma_wait3A_388, %dma_wait3A_389] : memref<2x125x128xf32, #tpu.memory_space<vmem>> -> memref<1x125x128xf32, #tpu.memory_space<vmem>>
        %dma_wait3A_391 = tpu.memref_squeeze %dma_wait3A_390 : memref<1x125x128xf32, #tpu.memory_space<vmem>> -> memref<125x128xf32, #tpu.memory_space<vmem>>
        %dma_wait3A_392 = arith.constant 0 : i32
        %dma_wait3A_393 = tpu.memref_slice %arg8[%dma_wait3A_386, %dma_wait3A_387, %dma_wait3A_392] : memref<4x1x125xi32, #tpu.memory_space<vmem>> -> memref<1x1x125xi32, #tpu.memory_space<vmem>>
        %dma_wait3A_394 = tpu.memref_squeeze %dma_wait3A_393 : memref<1x1x125xi32, #tpu.memory_space<vmem>> -> memref<125xi32, #tpu.memory_space<vmem>>
        %dma_wait3A_395 = arith.constant 0 : i32
        %dma_wait3A_396 = arith.constant 0 : i32
        %dma_wait3A_397 = tpu.memref_slice %arg10[%dma_wait3A_395, %dma_wait3A_396] : memref<10000x128xf32, #tpu.memory_space<vmem_shared>> -> memref<10000x128xf32, #tpu.memory_space<vmem_shared>>
        tpu.wait_indirect_dma semaphore(%arg21 : memref<!tpu.dma_semaphore, #tpu.memory_space<semaphore_mem>>) src(%dma_wait3A_391 : memref<125x128xf32, #tpu.memory_space<vmem>>) dst(%dma_wait3A_397 : memref<10000x128xf32, #tpu.memory_space<vmem_shared>>)
      } else {
      }
      %add3A_345 = arith.constant 3 : i32
      %add3A_346 = arith.addi %add3A_339, %add3A_345 : i32
      %lt3A_347 = arith.constant 80 : i32
      %lt3A_348 = arith.cmpi slt, %add3A_346, %lt3A_347 : i32
      %convert_element_type3A_349 = arith.extui %lt3A_348 : i1 to i32
      %cond3A_350 = arith.constant 0 : i32
      %cond3A_351 = arith.cmpi ne, %convert_element_type3A_349, %cond3A_350 : i32
      scf.if %cond3A_351 {
        %add3A_385 = arith.constant 3 : i32
        %add3A_386 = arith.addi %add3A_339, %add3A_385 : i32
        %dma_start3A_387 = arith.constant 2 : i32
        %dma_start3A_388 = arith.constant 0 : i32
        %dma_start3A_389 = arith.constant 0 : i32
        %dma_start3A_390 = tpu.memref_slice %arg7[%dma_start3A_387, %dma_start3A_388, %dma_start3A_389] : memref<4x1x125xi32, #tpu.memory_space<vmem>> -> memref<1x1x125xi32, #tpu.memory_space<vmem>>
        %dma_start3A_391 = tpu.memref_squeeze %dma_start3A_390 : memref<1x1x125xi32, #tpu.memory_space<vmem>> -> memref<1x125xi32, #tpu.memory_space<vmem>>
        %dma_start3A_392 = arith.constant 0 : i32
        %dma_start3A_393 = arith.constant 0 : i32
        %dma_start3A_394 = tpu.memref_slice %arg3[%add3A, %add3A_386, %dma_start3A_392, %dma_start3A_393] : memref<32x80x1x125xi32, #tpu.memory_space<hbm>> -> memref<1x1x1x125xi32, #tpu.memory_space<hbm>>
        %dma_start3A_395 = tpu.memref_squeeze %dma_start3A_394 : memref<1x1x1x125xi32, #tpu.memory_space<hbm>> -> memref<1x125xi32, #tpu.memory_space<hbm>>
        %dma_start3A_396 = arith.constant 0 : i32
        %dma_start3A_397 = arith.constant 0 : i32
        %dma_start3A_398 = tpu.memref_slice %arg7[%dma_start3A_387, %dma_start3A_396, %dma_start3A_397] : memref<4x1x125xi32, #tpu.memory_space<vmem>> -> memref<1x1x125xi32, #tpu.memory_space<vmem>>
        %dma_start3A_399 = tpu.memref_squeeze %dma_start3A_398 : memref<1x1x125xi32, #tpu.memory_space<vmem>> -> memref<1x125xi32, #tpu.memory_space<vmem>>
        %dma_start3A_400 = arith.constant 0 : i32
        %dma_start3A_401 = arith.constant 0 : i32
        %dma_start3A_402 = tpu.memref_slice %arg3[%add3A, %add3A_386, %dma_start3A_400, %dma_start3A_401] : memref<32x80x1x125xi32, #tpu.memory_space<hbm>> -> memref<1x1x1x125xi32, #tpu.memory_space<hbm>>
        %dma_start3A_403 = tpu.memref_squeeze %dma_start3A_402 : memref<1x1x1x125xi32, #tpu.memory_space<hbm>> -> memref<1x125xi32, #tpu.memory_space<hbm>>
        tpu.enqueue_dma source(%dma_start3A_403 : memref<1x125xi32, #tpu.memory_space<hbm>>) target(%dma_start3A_399 : memref<1x125xi32, #tpu.memory_space<vmem>>) target_semaphore(%arg13 : memref<!tpu.dma_semaphore, #tpu.memory_space<semaphore_mem>>)
        %dma_start3A_404 = arith.constant 2 : i32
        %dma_start3A_405 = arith.constant 0 : i32
        %dma_start3A_406 = arith.constant 0 : i32
        %dma_start3A_407 = tpu.memref_slice %arg8[%dma_start3A_404, %dma_start3A_405, %dma_start3A_406] : memref<4x1x125xi32, #tpu.memory_space<vmem>> -> memref<1x1x125xi32, #tpu.memory_space<vmem>>
        %dma_start3A_408 = tpu.memref_squeeze %dma_start3A_407 : memref<1x1x125xi32, #tpu.memory_space<vmem>> -> memref<1x125xi32, #tpu.memory_space<vmem>>
        %dma_start3A_409 = arith.constant 0 : i32
        %dma_start3A_410 = arith.constant 0 : i32
        %dma_start3A_411 = tpu.memref_slice %arg4[%add3A, %add3A_386, %dma_start3A_409, %dma_start3A_410] : memref<32x80x1x125xi32, #tpu.memory_space<hbm>> -> memref<1x1x1x125xi32, #tpu.memory_space<hbm>>
        %dma_start3A_412 = tpu.memref_squeeze %dma_start3A_411 : memref<1x1x1x125xi32, #tpu.memory_space<hbm>> -> memref<1x125xi32, #tpu.memory_space<hbm>>
        %dma_start3A_413 = arith.constant 0 : i32
        %dma_start3A_414 = arith.constant 0 : i32
        %dma_start3A_415 = tpu.memref_slice %arg8[%dma_start3A_404, %dma_start3A_413, %dma_start3A_414] : memref<4x1x125xi32, #tpu.memory_space<vmem>> -> memref<1x1x125xi32, #tpu.memory_space<vmem>>
        %dma_start3A_416 = tpu.memref_squeeze %dma_start3A_415 : memref<1x1x125xi32, #tpu.memory_space<vmem>> -> memref<1x125xi32, #tpu.memory_space<vmem>>
        %dma_start3A_417 = arith.constant 0 : i32
        %dma_start3A_418 = arith.constant 0 : i32
        %dma_start3A_419 = tpu.memref_slice %arg4[%add3A, %add3A_386, %dma_start3A_417, %dma_start3A_418] : memref<32x80x1x125xi32, #tpu.memory_space<hbm>> -> memref<1x1x1x125xi32, #tpu.memory_space<hbm>>
        %dma_start3A_420 = tpu.memref_squeeze %dma_start3A_419 : memref<1x1x1x125xi32, #tpu.memory_space<hbm>> -> memref<1x125xi32, #tpu.memory_space<hbm>>
        tpu.enqueue_dma source(%dma_start3A_420 : memref<1x125xi32, #tpu.memory_space<hbm>>) target(%dma_start3A_416 : memref<1x125xi32, #tpu.memory_space<vmem>>) target_semaphore(%arg17 : memref<!tpu.dma_semaphore, #tpu.memory_space<semaphore_mem>>)
      } else {
      }
      %add3A_352 = arith.constant 1 : i32
      %add3A_353 = arith.addi %add3A_339, %add3A_352 : i32
      %lt3A_354 = arith.constant 80 : i32
      %lt3A_355 = arith.cmpi slt, %add3A_353, %lt3A_354 : i32
      %convert_element_type3A_356 = arith.extui %lt3A_355 : i1 to i32
      %cond3A_357 = arith.constant 0 : i32
      %cond3A_358 = arith.cmpi ne, %convert_element_type3A_356, %cond3A_357 : i32
      scf.if %cond3A_358 {
        %add3A_385 = arith.constant 1 : i32
        %add3A_386 = arith.addi %add3A_339, %add3A_385 : i32
        %dma_wait3A_387 = arith.constant 0 : i32
        %dma_wait3A_388 = arith.constant 0 : i32
        %dma_wait3A_389 = arith.constant 0 : i32
        %dma_wait3A_390 = tpu.memref_slice %arg7[%dma_wait3A_387, %dma_wait3A_388, %dma_wait3A_389] : memref<4x1x125xi32, #tpu.memory_space<vmem>> -> memref<1x1x125xi32, #tpu.memory_space<vmem>>
        %dma_wait3A_391 = tpu.memref_squeeze %dma_wait3A_390 : memref<1x1x125xi32, #tpu.memory_space<vmem>> -> memref<1x125xi32, #tpu.memory_space<vmem>>
        %dma_wait3A_392 = arith.constant 0 : i32
        %dma_wait3A_393 = arith.constant 0 : i32
        %dma_wait3A_394 = tpu.memref_slice %arg3[%add3A, %add3A_386, %dma_wait3A_392, %dma_wait3A_393] : memref<32x80x1x125xi32, #tpu.memory_space<hbm>> -> memref<1x1x1x125xi32, #tpu.memory_space<hbm>>
        %dma_wait3A_395 = tpu.memref_squeeze %dma_wait3A_394 : memref<1x1x1x125xi32, #tpu.memory_space<hbm>> -> memref<1x125xi32, #tpu.memory_space<hbm>>
        %dma_wait3A_396 = arith.constant 0 : i32
        %dma_wait3A_397 = arith.constant 0 : i32
        %dma_wait3A_398 = tpu.memref_slice %arg7[%dma_wait3A_387, %dma_wait3A_396, %dma_wait3A_397] : memref<4x1x125xi32, #tpu.memory_space<vmem>> -> memref<1x1x125xi32, #tpu.memory_space<vmem>>
        %dma_wait3A_399 = tpu.memref_squeeze %dma_wait3A_398 : memref<1x1x125xi32, #tpu.memory_space<vmem>> -> memref<1x125xi32, #tpu.memory_space<vmem>>
        %dma_wait3A_400 = arith.constant 0 : i32
        %dma_wait3A_401 = arith.constant 0 : i32
        %dma_wait3A_402 = tpu.memref_slice %arg3[%add3A, %add3A_386, %dma_wait3A_400, %dma_wait3A_401] : memref<32x80x1x125xi32, #tpu.memory_space<hbm>> -> memref<1x1x1x125xi32, #tpu.memory_space<hbm>>
        %dma_wait3A_403 = tpu.memref_squeeze %dma_wait3A_402 : memref<1x1x1x125xi32, #tpu.memory_space<hbm>> -> memref<1x125xi32, #tpu.memory_space<hbm>>
        tpu.wait_dma2 semaphore(%arg11 : memref<!tpu.dma_semaphore, #tpu.memory_space<semaphore_mem>>) src(%dma_wait3A_403 : memref<1x125xi32, #tpu.memory_space<hbm>>) dst(%dma_wait3A_399 : memref<1x125xi32, #tpu.memory_space<vmem>>)
        %dma_wait3A_404 = arith.constant 0 : i32
        %dma_wait3A_405 = arith.constant 0 : i32
        %dma_wait3A_406 = arith.constant 0 : i32
        %dma_wait3A_407 = tpu.memref_slice %arg8[%dma_wait3A_404, %dma_wait3A_405, %dma_wait3A_406] : memref<4x1x125xi32, #tpu.memory_space<vmem>> -> memref<1x1x125xi32, #tpu.memory_space<vmem>>
        %dma_wait3A_408 = tpu.memref_squeeze %dma_wait3A_407 : memref<1x1x125xi32, #tpu.memory_space<vmem>> -> memref<1x125xi32, #tpu.memory_space<vmem>>
        %dma_wait3A_409 = arith.constant 0 : i32
        %dma_wait3A_410 = arith.constant 0 : i32
        %dma_wait3A_411 = tpu.memref_slice %arg4[%add3A, %add3A_386, %dma_wait3A_409, %dma_wait3A_410] : memref<32x80x1x125xi32, #tpu.memory_space<hbm>> -> memref<1x1x1x125xi32, #tpu.memory_space<hbm>>
        %dma_wait3A_412 = tpu.memref_squeeze %dma_wait3A_411 : memref<1x1x1x125xi32, #tpu.memory_space<hbm>> -> memref<1x125xi32, #tpu.memory_space<hbm>>
        %dma_wait3A_413 = arith.constant 0 : i32
        %dma_wait3A_414 = arith.constant 0 : i32
        %dma_wait3A_415 = tpu.memref_slice %arg8[%dma_wait3A_404, %dma_wait3A_413, %dma_wait3A_414] : memref<4x1x125xi32, #tpu.memory_space<vmem>> -> memref<1x1x125xi32, #tpu.memory_space<vmem>>
        %dma_wait3A_416 = tpu.memref_squeeze %dma_wait3A_415 : memref<1x1x125xi32, #tpu.memory_space<vmem>> -> memref<1x125xi32, #tpu.memory_space<vmem>>
        %dma_wait3A_417 = arith.constant 0 : i32
        %dma_wait3A_418 = arith.constant 0 : i32
        %dma_wait3A_419 = tpu.memref_slice %arg4[%add3A, %add3A_386, %dma_wait3A_417, %dma_wait3A_418] : memref<32x80x1x125xi32, #tpu.memory_space<hbm>> -> memref<1x1x1x125xi32, #tpu.memory_space<hbm>>
        %dma_wait3A_420 = tpu.memref_squeeze %dma_wait3A_419 : memref<1x1x1x125xi32, #tpu.memory_space<hbm>> -> memref<1x125xi32, #tpu.memory_space<hbm>>
        tpu.wait_dma2 semaphore(%arg15 : memref<!tpu.dma_semaphore, #tpu.memory_space<semaphore_mem>>) src(%dma_wait3A_420 : memref<1x125xi32, #tpu.memory_space<hbm>>) dst(%dma_wait3A_416 : memref<1x125xi32, #tpu.memory_space<vmem>>)
        %dma_start3A_421 = arith.constant 0 : i32
        %dma_start3A_422 = arith.constant 0 : i32
        %dma_start3A_423 = arith.constant 0 : i32
        %dma_start3A_424 = arith.constant 0 : i32
        %dma_start3A_425 = arith.constant 0 : i32
        %dma_start3A_426 = tpu.memref_slice %arg9[%dma_start3A_423, %dma_start3A_424, %dma_start3A_425] : memref<2x125x128xf32, #tpu.memory_space<vmem>> -> memref<1x125x128xf32, #tpu.memory_space<vmem>>
        %dma_start3A_427 = tpu.memref_squeeze %dma_start3A_426 : memref<1x125x128xf32, #tpu.memory_space<vmem>> -> memref<125x128xf32, #tpu.memory_space<vmem>>
        %dma_start3A_428 = arith.constant 0 : i32
        %dma_start3A_429 = tpu.memref_slice %arg7[%dma_start3A_421, %dma_start3A_422, %dma_start3A_428] : memref<4x1x125xi32, #tpu.memory_space<vmem>> -> memref<1x1x125xi32, #tpu.memory_space<vmem>>
        %dma_start3A_430 = tpu.memref_squeeze %dma_start3A_429 : memref<1x1x125xi32, #tpu.memory_space<vmem>> -> memref<125xi32, #tpu.memory_space<vmem>>
        %dma_start3A_431 = arith.constant 0 : i32
        %dma_start3A_432 = arith.constant 0 : i32
        %dma_start3A_433 = tpu.memref_slice %arg2[%dma_start3A_431, %dma_start3A_432] : memref<90000x128xf32, #tpu.memory_space<hbm>> -> memref<90000x128xf32, #tpu.memory_space<hbm>>
        tpu.enqueue_indirect_dma source(%dma_start3A_433 : memref<90000x128xf32, #tpu.memory_space<hbm>>) target(%dma_start3A_427 : memref<125x128xf32, #tpu.memory_space<vmem>>) offsets(%dma_start3A_430 : memref<125xi32, #tpu.memory_space<vmem>>) semaphore(%arg19 : memref<!tpu.dma_semaphore, #tpu.memory_space<semaphore_mem>>)
      } else {
      }
      %dma_wait3A_359 = arith.constant 3 : i32
      %dma_wait3A_360 = arith.constant 0 : i32
      %dma_wait3A_361 = arith.constant 1 : i32
      %dma_wait3A_362 = arith.constant 0 : i32
      %dma_wait3A_363 = arith.constant 0 : i32
      %dma_wait3A_364 = tpu.memref_slice %arg9[%dma_wait3A_361, %dma_wait3A_362, %dma_wait3A_363] : memref<2x125x128xf32, #tpu.memory_space<vmem>> -> memref<1x125x128xf32, #tpu.memory_space<vmem>>
      %dma_wait3A_365 = tpu.memref_squeeze %dma_wait3A_364 : memref<1x125x128xf32, #tpu.memory_space<vmem>> -> memref<125x128xf32, #tpu.memory_space<vmem>>
      %dma_wait3A_366 = arith.constant 0 : i32
      %dma_wait3A_367 = tpu.memref_slice %arg7[%dma_wait3A_359, %dma_wait3A_360, %dma_wait3A_366] : memref<4x1x125xi32, #tpu.memory_space<vmem>> -> memref<1x1x125xi32, #tpu.memory_space<vmem>>
      %dma_wait3A_368 = tpu.memref_squeeze %dma_wait3A_367 : memref<1x1x125xi32, #tpu.memory_space<vmem>> -> memref<125xi32, #tpu.memory_space<vmem>>
      %dma_wait3A_369 = arith.constant 0 : i32
      %dma_wait3A_370 = arith.constant 0 : i32
      %dma_wait3A_371 = tpu.memref_slice %arg2[%dma_wait3A_369, %dma_wait3A_370] : memref<90000x128xf32, #tpu.memory_space<hbm>> -> memref<90000x128xf32, #tpu.memory_space<hbm>>
      tpu.wait_indirect_dma semaphore(%arg20 : memref<!tpu.dma_semaphore, #tpu.memory_space<semaphore_mem>>) src(%dma_wait3A_371 : memref<90000x128xf32, #tpu.memory_space<hbm>>) dst(%dma_wait3A_365 : memref<125x128xf32, #tpu.memory_space<vmem>>)
      %dma_start3A_372 = arith.constant 1 : i32
      %dma_start3A_373 = arith.constant 3 : i32
      %dma_start3A_374 = arith.constant 0 : i32
      %dma_start3A_375 = arith.constant 0 : i32
      %dma_start3A_376 = arith.constant 0 : i32
      %dma_start3A_377 = tpu.memref_slice %arg9[%dma_start3A_372, %dma_start3A_375, %dma_start3A_376] : memref<2x125x128xf32, #tpu.memory_space<vmem>> -> memref<1x125x128xf32, #tpu.memory_space<vmem>>
      %dma_start3A_378 = tpu.memref_squeeze %dma_start3A_377 : memref<1x125x128xf32, #tpu.memory_space<vmem>> -> memref<125x128xf32, #tpu.memory_space<vmem>>
      %dma_start3A_379 = arith.constant 0 : i32
      %dma_start3A_380 = tpu.memref_slice %arg8[%dma_start3A_373, %dma_start3A_374, %dma_start3A_379] : memref<4x1x125xi32, #tpu.memory_space<vmem>> -> memref<1x1x125xi32, #tpu.memory_space<vmem>>
      %dma_start3A_381 = tpu.memref_squeeze %dma_start3A_380 : memref<1x1x125xi32, #tpu.memory_space<vmem>> -> memref<125xi32, #tpu.memory_space<vmem>>
      %dma_start3A_382 = arith.constant 0 : i32
      %dma_start3A_383 = arith.constant 0 : i32
      %dma_start3A_384 = tpu.memref_slice %arg10[%dma_start3A_382, %dma_start3A_383] : memref<10000x128xf32, #tpu.memory_space<vmem_shared>> -> memref<10000x128xf32, #tpu.memory_space<vmem_shared>>
      tpu.enqueue_indirect_dma source(%dma_start3A_378 : memref<125x128xf32, #tpu.memory_space<vmem>>) target(%dma_start3A_384 : memref<10000x128xf32, #tpu.memory_space<vmem_shared>>) offsets(%dma_start3A_381 : memref<125xi32, #tpu.memory_space<vmem>>) semaphore(%arg22 : memref<!tpu.dma_semaphore, #tpu.memory_space<semaphore_mem>>) {add = true}
    }
    %scan3A_166 = arith.constant 20 : i32
    %dma_wait3A_167 = arith.constant 1 : i32
    %dma_wait3A_168 = arith.constant 3 : i32
    %dma_wait3A_169 = arith.constant 0 : i32
    %dma_wait3A_170 = arith.constant 0 : i32
    %dma_wait3A_171 = arith.constant 0 : i32
    %dma_wait3A_172 = tpu.memref_slice %arg9[%dma_wait3A_167, %dma_wait3A_170, %dma_wait3A_171] : memref<2x125x128xf32, #tpu.memory_space<vmem>> -> memref<1x125x128xf32, #tpu.memory_space<vmem>>
    %dma_wait3A_173 = tpu.memref_squeeze %dma_wait3A_172 : memref<1x125x128xf32, #tpu.memory_space<vmem>> -> memref<125x128xf32, #tpu.memory_space<vmem>>
    %dma_wait3A_174 = arith.constant 0 : i32
    %dma_wait3A_175 = tpu.memref_slice %arg8[%dma_wait3A_168, %dma_wait3A_169, %dma_wait3A_174] : memref<4x1x125xi32, #tpu.memory_space<vmem>> -> memref<1x1x125xi32, #tpu.memory_space<vmem>>
    %dma_wait3A_176 = tpu.memref_squeeze %dma_wait3A_175 : memref<1x1x125xi32, #tpu.memory_space<vmem>> -> memref<125xi32, #tpu.memory_space<vmem>>
    %dma_wait3A_177 = arith.constant 0 : i32
    %dma_wait3A_178 = arith.constant 0 : i32
    %dma_wait3A_179 = tpu.memref_slice %arg10[%dma_wait3A_177, %dma_wait3A_178] : memref<10000x128xf32, #tpu.memory_space<vmem_shared>> -> memref<10000x128xf32, #tpu.memory_space<vmem_shared>>
    tpu.wait_indirect_dma semaphore(%arg22 : memref<!tpu.dma_semaphore, #tpu.memory_space<semaphore_mem>>) src(%dma_wait3A_173 : memref<125x128xf32, #tpu.memory_space<vmem>>) dst(%dma_wait3A_179 : memref<10000x128xf32, #tpu.memory_space<vmem_shared>>)
    %barrier3A_180 = arith.constant 0 : index
    tpu.barrier barrier_id(%barrier3A_180)
    %mul3A_181 = arith.constant 624 : i32
    %mul3A_182 = arith.muli %arg1, %mul3A_181 : i32
    %mul3A_183 = arith.constant 624 : i32
    %mul3A_184 = arith.muli %arg1, %mul3A_183 : i32
    "tpu.region"() ({
      %run_scoped3A = tpu.sem_alloc : memref<!tpu.dma_semaphore, #tpu.memory_space<semaphore_mem>>
      %dma_start3A_190 = arith.constant 0 : i32
      %dma_start3A_191 = tpu.memref_slice %arg6[%arg0, %mul3A_184, %dma_start3A_190] : memref<2x10000x128xf32, #tpu.memory_space<hbm>> -> memref<1x624x128xf32, #tpu.memory_space<hbm>>
      %dma_start3A_192 = tpu.memref_squeeze %dma_start3A_191 : memref<1x624x128xf32, #tpu.memory_space<hbm>> -> memref<624x128xf32, #tpu.memory_space<hbm>>
      %dma_start3A_193 = arith.constant 0 : i32
      %dma_start3A_194 = tpu.memref_slice %arg10[%mul3A_182, %dma_start3A_193] : memref<10000x128xf32, #tpu.memory_space<vmem_shared>> -> memref<624x128xf32, #tpu.memory_space<vmem_shared>>
      tpu.enqueue_dma source(%dma_start3A_194 : memref<624x128xf32, #tpu.memory_space<vmem_shared>>) target(%dma_start3A_192 : memref<624x128xf32, #tpu.memory_space<hbm>>) target_semaphore(%run_scoped3A : memref<!tpu.dma_semaphore, #tpu.memory_space<semaphore_mem>>)
      %dma_wait3A_195 = arith.constant 0 : i32
      %dma_wait3A_196 = tpu.memref_slice %arg6[%arg0, %mul3A_184, %dma_wait3A_195] : memref<2x10000x128xf32, #tpu.memory_space<hbm>> -> memref<1x624x128xf32, #tpu.memory_space<hbm>>
      %dma_wait3A_197 = tpu.memref_squeeze %dma_wait3A_196 : memref<1x624x128xf32, #tpu.memory_space<hbm>> -> memref<624x128xf32, #tpu.memory_space<hbm>>
      %dma_wait3A_198 = arith.constant 0 : i32
      %dma_wait3A_199 = tpu.memref_slice %arg10[%mul3A_182, %dma_wait3A_198] : memref<10000x128xf32, #tpu.memory_space<vmem_shared>> -> memref<624x128xf32, #tpu.memory_space<vmem_shared>>
      tpu.wait_dma2 semaphore(%run_scoped3A : memref<!tpu.dma_semaphore, #tpu.memory_space<semaphore_mem>>) src(%dma_wait3A_199 : memref<624x128xf32, #tpu.memory_space<vmem_shared>>) dst(%dma_wait3A_197 : memref<624x128xf32, #tpu.memory_space<hbm>>)
      tpu.yield
    }) : () -> ()
    %eq3A_185 = arith.constant 0 : i32
    %eq3A_186 = arith.cmpi eq, %arg1, %eq3A_185 : i32
    %convert_element_type3A_187 = arith.extui %eq3A_186 : i1 to i32
    %cond3A_188 = arith.constant 0 : i32
    %cond3A_189 = arith.cmpi ne, %convert_element_type3A_187, %cond3A_188 : i32
    scf.if %cond3A_189 {
      "tpu.region"() ({
        %run_scoped3A = tpu.sem_alloc : memref<!tpu.dma_semaphore, #tpu.memory_space<semaphore_mem>>
        %dma_start3A_190 = arith.constant 9984 : i32
        %dma_start3A_191 = arith.constant 0 : i32
        %dma_start3A_192 = tpu.memref_slice %arg6[%arg0, %dma_start3A_190, %dma_start3A_191] : memref<2x10000x128xf32, #tpu.memory_space<hbm>> -> memref<1x16x128xf32, #tpu.memory_space<hbm>>
        %dma_start3A_193 = tpu.memref_squeeze %dma_start3A_192 : memref<1x16x128xf32, #tpu.memory_space<hbm>> -> memref<16x128xf32, #tpu.memory_space<hbm>>
        %dma_start3A_194 = arith.constant 9984 : i32
        %dma_start3A_195 = arith.constant 0 : i32
        %dma_start3A_196 = tpu.memref_slice %arg10[%dma_start3A_194, %dma_start3A_195] : memref<10000x128xf32, #tpu.memory_space<vmem_shared>> -> memref<16x128xf32, #tpu.memory_space<vmem_shared>>
        tpu.enqueue_dma source(%dma_start3A_196 : memref<16x128xf32, #tpu.memory_space<vmem_shared>>) target(%dma_start3A_193 : memref<16x128xf32, #tpu.memory_space<hbm>>) target_semaphore(%run_scoped3A : memref<!tpu.dma_semaphore, #tpu.memory_space<semaphore_mem>>)
        %dma_wait3A_197 = arith.constant 9984 : i32
        %dma_wait3A_198 = arith.constant 0 : i32
        %dma_wait3A_199 = tpu.memref_slice %arg6[%arg0, %dma_wait3A_197, %dma_wait3A_198] : memref<2x10000x128xf32, #tpu.memory_space<hbm>> -> memref<1x16x128xf32, #tpu.memory_space<hbm>>
        %dma_wait3A_200 = tpu.memref_squeeze %dma_wait3A_199 : memref<1x16x128xf32, #tpu.memory_space<hbm>> -> memref<16x128xf32, #tpu.memory_space<hbm>>
        %dma_wait3A_201 = arith.constant 9984 : i32
        %dma_wait3A_202 = arith.constant 0 : i32
        %dma_wait3A_203 = tpu.memref_slice %arg10[%dma_wait3A_201, %dma_wait3A_202] : memref<10000x128xf32, #tpu.memory_space<vmem_shared>> -> memref<16x128xf32, #tpu.memory_space<vmem_shared>>
        tpu.wait_dma2 semaphore(%run_scoped3A : memref<!tpu.dma_semaphore, #tpu.memory_space<semaphore_mem>>) src(%dma_wait3A_203 : memref<16x128xf32, #tpu.memory_space<vmem_shared>>) dst(%dma_wait3A_200 : memref<16x128xf32, #tpu.memory_space<hbm>>)
        tpu.yield
      }) : () -> ()
    } else {
    }
    return
  }
}

#map = affine_map<(d0, d1) -> (0, 0)>
#map1 = affine_map<(d0, d1) -> (0, 0, 0, 0)>
#map2 = affine_map<(d0, d1) -> (0, 0, 0)>
module attributes {stable_mosaic.version = 14 : i64} {
  func.func @_sc_body(%arg0: i32, %arg1: i32, %arg2: memref<90000x128xf32, #tpu.memory_space<hbm>>, %arg3: memref<32x80x1x125xi32, #tpu.memory_space<hbm>>, %arg4: memref<32x80x1x125xi32, #tpu.memory_space<hbm>>, %arg5: memref<10000x128xf32, #tpu.memory_space<hbm>>, %arg6: memref<2x10000x128xf32, #tpu.memory_space<hbm>>, %arg7: memref<4x1x125xi32, #tpu.memory_space<vmem>>, %arg8: memref<4x1x125xi32, #tpu.memory_space<vmem>>, %arg9: memref<2x125x128xf32, #tpu.memory_space<vmem>>, %arg10: memref<10000x128xf32, #tpu.memory_space<vmem_shared>>, %arg11: memref<!tpu.dma_semaphore, #tpu.memory_space<semaphore_mem>>, %arg12: memref<!tpu.dma_semaphore, #tpu.memory_space<semaphore_mem>>, %arg13: memref<!tpu.dma_semaphore, #tpu.memory_space<semaphore_mem>>, %arg14: memref<!tpu.dma_semaphore, #tpu.memory_space<semaphore_mem>>, %arg15: memref<!tpu.dma_semaphore, #tpu.memory_space<semaphore_mem>>, %arg16: memref<!tpu.dma_semaphore, #tpu.memory_space<semaphore_mem>>, %arg17: memref<!tpu.dma_semaphore, #tpu.memory_space<semaphore_mem>>, %arg18: memref<!tpu.dma_semaphore, #tpu.memory_space<semaphore_mem>>, %arg19: memref<!tpu.dma_semaphore, #tpu.memory_space<semaphore_mem>>, %arg20: memref<!tpu.dma_semaphore, #tpu.memory_space<semaphore_mem>>, %arg21: memref<!tpu.dma_semaphore, #tpu.memory_space<semaphore_mem>>, %arg22: memref<!tpu.dma_semaphore, #tpu.memory_space<semaphore_mem>>) attributes {dimension_semantics = [#tpu.dimension_semantics<core_parallel>, #tpu.dimension_semantics<subcore_parallel>], iteration_bounds = array<i64: 2, 16>, scalar_prefetch = 0 : i64, scratch_operands = 16 : i64, tpu.core_type = #tpu.core_type<sc_vector_subcore>, window_params = [{transform_indices = #map}, {transform_indices = #map1}, {transform_indices = #map1}, {transform_indices = #map}, {transform_indices = #map2}]} {
    %mul3A = arith.constant 2 : i32
    %mul3A_0 = arith.muli %arg1, %mul3A : i32
    %add3A = arith.addi %mul3A_0, %arg0 : i32
    %eq3A = arith.constant 0 : i32
    %eq3A_1 = arith.cmpi eq, %arg0, %eq3A : i32
    %convert_element_type3A = arith.extui %eq3A_1 : i1 to i32
    %cond3A = arith.constant 0 : i32
    %cond3A_2 = arith.cmpi ne, %convert_element_type3A, %cond3A : i32
    scf.if %cond3A_2 {
      %mul3A_190 = arith.constant 624 : i32
      %mul3A_191 = arith.muli %arg1, %mul3A_190 : i32
      %add3A_192 = arith.constant 80000 : i32
      %add3A_193 = arith.addi %add3A_192, %mul3A_191 : i32
      %mul3A_194 = arith.constant 624 : i32
      %mul3A_195 = arith.muli %arg1, %mul3A_194 : i32
      "tpu.region"() ({
        %run_scoped3A = tpu.sem_alloc : memref<!tpu.dma_semaphore, #tpu.memory_space<semaphore_mem>>
        %dma_start3A_201 = arith.constant 0 : i32
        %dma_start3A_202 = tpu.memref_slice %arg10[%mul3A_195, %dma_start3A_201] : memref<10000x128xf32, #tpu.memory_space<vmem_shared>> -> memref<624x128xf32, #tpu.memory_space<vmem_shared>>
        %dma_start3A_203 = arith.constant 0 : i32
        %dma_start3A_204 = tpu.memref_slice %arg2[%add3A_193, %dma_start3A_203] : memref<90000x128xf32, #tpu.memory_space<hbm>> -> memref<624x128xf32, #tpu.memory_space<hbm>>
        tpu.enqueue_dma source(%dma_start3A_204 : memref<624x128xf32, #tpu.memory_space<hbm>>) target(%dma_start3A_202 : memref<624x128xf32, #tpu.memory_space<vmem_shared>>) target_semaphore(%run_scoped3A : memref<!tpu.dma_semaphore, #tpu.memory_space<semaphore_mem>>)
        %dma_wait3A_205 = arith.constant 0 : i32
        %dma_wait3A_206 = tpu.memref_slice %arg10[%mul3A_195, %dma_wait3A_205] : memref<10000x128xf32, #tpu.memory_space<vmem_shared>> -> memref<624x128xf32, #tpu.memory_space<vmem_shared>>
        %dma_wait3A_207 = arith.constant 0 : i32
        %dma_wait3A_208 = tpu.memref_slice %arg2[%add3A_193, %dma_wait3A_207] : memref<90000x128xf32, #tpu.memory_space<hbm>> -> memref<624x128xf32, #tpu.memory_space<hbm>>
        tpu.wait_dma2 semaphore(%run_scoped3A : memref<!tpu.dma_semaphore, #tpu.memory_space<semaphore_mem>>) src(%dma_wait3A_208 : memref<624x128xf32, #tpu.memory_space<hbm>>) dst(%dma_wait3A_206 : memref<624x128xf32, #tpu.memory_space<vmem_shared>>)
        tpu.yield
      }) : () -> ()
      %eq3A_196 = arith.constant 0 : i32
      %eq3A_197 = arith.cmpi eq, %arg1, %eq3A_196 : i32
      %convert_element_type3A_198 = arith.extui %eq3A_197 : i1 to i32
      %cond3A_199 = arith.constant 0 : i32
      %cond3A_200 = arith.cmpi ne, %convert_element_type3A_198, %cond3A_199 : i32
      scf.if %cond3A_200 {
        "tpu.region"() ({
          %run_scoped3A = tpu.sem_alloc : memref<!tpu.dma_semaphore, #tpu.memory_space<semaphore_mem>>
          %dma_start3A_201 = arith.constant 9984 : i32
          %dma_start3A_202 = arith.constant 0 : i32
          %dma_start3A_203 = tpu.memref_slice %arg10[%dma_start3A_201, %dma_start3A_202] : memref<10000x128xf32, #tpu.memory_space<vmem_shared>> -> memref<16x128xf32, #tpu.memory_space<vmem_shared>>
          %dma_start3A_204 = arith.constant 89984 : i32
          %dma_start3A_205 = arith.constant 0 : i32
          %dma_start3A_206 = tpu.memref_slice %arg2[%dma_start3A_204, %dma_start3A_205] : memref<90000x128xf32, #tpu.memory_space<hbm>> -> memref<16x128xf32, #tpu.memory_space<hbm>>
          tpu.enqueue_dma source(%dma_start3A_206 : memref<16x128xf32, #tpu.memory_space<hbm>>) target(%dma_start3A_203 : memref<16x128xf32, #tpu.memory_space<vmem_shared>>) target_semaphore(%run_scoped3A : memref<!tpu.dma_semaphore, #tpu.memory_space<semaphore_mem>>)
          %dma_wait3A_207 = arith.constant 9984 : i32
          %dma_wait3A_208 = arith.constant 0 : i32
          %dma_wait3A_209 = tpu.memref_slice %arg10[%dma_wait3A_207, %dma_wait3A_208] : memref<10000x128xf32, #tpu.memory_space<vmem_shared>> -> memref<16x128xf32, #tpu.memory_space<vmem_shared>>
          %dma_wait3A_210 = arith.constant 89984 : i32
          %dma_wait3A_211 = arith.constant 0 : i32
          %dma_wait3A_212 = tpu.memref_slice %arg2[%dma_wait3A_210, %dma_wait3A_211] : memref<90000x128xf32, #tpu.memory_space<hbm>> -> memref<16x128xf32, #tpu.memory_space<hbm>>
          tpu.wait_dma2 semaphore(%run_scoped3A : memref<!tpu.dma_semaphore, #tpu.memory_space<semaphore_mem>>) src(%dma_wait3A_212 : memref<16x128xf32, #tpu.memory_space<hbm>>) dst(%dma_wait3A_209 : memref<16x128xf32, #tpu.memory_space<vmem_shared>>)
          tpu.yield
        }) : () -> ()
      } else {
      }
    } else {
    }
    %ne3A = arith.constant 0 : i32
    %ne3A_3 = arith.cmpi ne, %arg0, %ne3A : i32
    %convert_element_type3A_4 = arith.extui %ne3A_3 : i1 to i32
    %cond3A_5 = arith.constant 0 : i32
    %cond3A_6 = arith.cmpi ne, %convert_element_type3A_4, %cond3A_5 : i32
    scf.if %cond3A_6 {
      %mul3A_190 = arith.constant 624 : i32
      %mul3A_191 = arith.muli %arg1, %mul3A_190 : i32
      %mul3A_192 = arith.constant 624 : i32
      %mul3A_193 = arith.muli %arg1, %mul3A_192 : i32
      "tpu.region"() ({
        %run_scoped3A = tpu.sem_alloc : memref<!tpu.dma_semaphore, #tpu.memory_space<semaphore_mem>>
        %dma_start3A_199 = arith.constant 0 : i32
        %dma_start3A_200 = tpu.memref_slice %arg10[%mul3A_193, %dma_start3A_199] : memref<10000x128xf32, #tpu.memory_space<vmem_shared>> -> memref<624x128xf32, #tpu.memory_space<vmem_shared>>
        %dma_start3A_201 = arith.constant 0 : i32
        %dma_start3A_202 = tpu.memref_slice %arg5[%mul3A_191, %dma_start3A_201] : memref<10000x128xf32, #tpu.memory_space<hbm>> -> memref<624x128xf32, #tpu.memory_space<hbm>>
        tpu.enqueue_dma source(%dma_start3A_202 : memref<624x128xf32, #tpu.memory_space<hbm>>) target(%dma_start3A_200 : memref<624x128xf32, #tpu.memory_space<vmem_shared>>) target_semaphore(%run_scoped3A : memref<!tpu.dma_semaphore, #tpu.memory_space<semaphore_mem>>)
        %dma_wait3A_203 = arith.constant 0 : i32
        %dma_wait3A_204 = tpu.memref_slice %arg10[%mul3A_193, %dma_wait3A_203] : memref<10000x128xf32, #tpu.memory_space<vmem_shared>> -> memref<624x128xf32, #tpu.memory_space<vmem_shared>>
        %dma_wait3A_205 = arith.constant 0 : i32
        %dma_wait3A_206 = tpu.memref_slice %arg5[%mul3A_191, %dma_wait3A_205] : memref<10000x128xf32, #tpu.memory_space<hbm>> -> memref<624x128xf32, #tpu.memory_space<hbm>>
        tpu.wait_dma2 semaphore(%run_scoped3A : memref<!tpu.dma_semaphore, #tpu.memory_space<semaphore_mem>>) src(%dma_wait3A_206 : memref<624x128xf32, #tpu.memory_space<hbm>>) dst(%dma_wait3A_204 : memref<624x128xf32, #tpu.memory_space<vmem_shared>>)
        tpu.yield
      }) : () -> ()
      %eq3A_194 = arith.constant 0 : i32
      %eq3A_195 = arith.cmpi eq, %arg1, %eq3A_194 : i32
      %convert_element_type3A_196 = arith.extui %eq3A_195 : i1 to i32
      %cond3A_197 = arith.constant 0 : i32
      %cond3A_198 = arith.cmpi ne, %convert_element_type3A_196, %cond3A_197 : i32
      scf.if %cond3A_198 {
        "tpu.region"() ({
          %run_scoped3A = tpu.sem_alloc : memref<!tpu.dma_semaphore, #tpu.memory_space<semaphore_mem>>
          %dma_start3A_199 = arith.constant 9984 : i32
          %dma_start3A_200 = arith.constant 0 : i32
          %dma_start3A_201 = tpu.memref_slice %arg10[%dma_start3A_199, %dma_start3A_200] : memref<10000x128xf32, #tpu.memory_space<vmem_shared>> -> memref<16x128xf32, #tpu.memory_space<vmem_shared>>
          %dma_start3A_202 = arith.constant 9984 : i32
          %dma_start3A_203 = arith.constant 0 : i32
          %dma_start3A_204 = tpu.memref_slice %arg5[%dma_start3A_202, %dma_start3A_203] : memref<10000x128xf32, #tpu.memory_space<hbm>> -> memref<16x128xf32, #tpu.memory_space<hbm>>
          tpu.enqueue_dma source(%dma_start3A_204 : memref<16x128xf32, #tpu.memory_space<hbm>>) target(%dma_start3A_201 : memref<16x128xf32, #tpu.memory_space<vmem_shared>>) target_semaphore(%run_scoped3A : memref<!tpu.dma_semaphore, #tpu.memory_space<semaphore_mem>>)
          %dma_wait3A_205 = arith.constant 9984 : i32
          %dma_wait3A_206 = arith.constant 0 : i32
          %dma_wait3A_207 = tpu.memref_slice %arg10[%dma_wait3A_205, %dma_wait3A_206] : memref<10000x128xf32, #tpu.memory_space<vmem_shared>> -> memref<16x128xf32, #tpu.memory_space<vmem_shared>>
          %dma_wait3A_208 = arith.constant 9984 : i32
          %dma_wait3A_209 = arith.constant 0 : i32
          %dma_wait3A_210 = tpu.memref_slice %arg5[%dma_wait3A_208, %dma_wait3A_209] : memref<10000x128xf32, #tpu.memory_space<hbm>> -> memref<16x128xf32, #tpu.memory_space<hbm>>
          tpu.wait_dma2 semaphore(%run_scoped3A : memref<!tpu.dma_semaphore, #tpu.memory_space<semaphore_mem>>) src(%dma_wait3A_210 : memref<16x128xf32, #tpu.memory_space<hbm>>) dst(%dma_wait3A_207 : memref<16x128xf32, #tpu.memory_space<vmem_shared>>)
          tpu.yield
        }) : () -> ()
      } else {
      }
    } else {
    }
    %barrier3A = arith.constant 0 : index
    tpu.barrier barrier_id(%barrier3A)
    %dma_start3A = arith.constant 0 : i32
    %dma_start3A_7 = arith.constant 0 : i32
    %dma_start3A_8 = arith.constant 0 : i32
    %dma_start3A_9 = arith.constant 0 : i32
    %dma_start3A_10 = tpu.memref_slice %arg7[%dma_start3A_7, %dma_start3A_8, %dma_start3A_9] : memref<4x1x125xi32, #tpu.memory_space<vmem>> -> memref<1x1x125xi32, #tpu.memory_space<vmem>>
    %dma_start3A_11 = tpu.memref_squeeze %dma_start3A_10 : memref<1x1x125xi32, #tpu.memory_space<vmem>> -> memref<1x125xi32, #tpu.memory_space<vmem>>
    %dma_start3A_12 = arith.constant 0 : i32
    %dma_start3A_13 = arith.constant 0 : i32
    %dma_start3A_14 = tpu.memref_slice %arg3[%add3A, %dma_start3A, %dma_start3A_12, %dma_start3A_13] : memref<32x80x1x125xi32, #tpu.memory_space<hbm>> -> memref<1x1x1x125xi32, #tpu.memory_space<hbm>>
    %dma_start3A_15 = tpu.memref_squeeze %dma_start3A_14 : memref<1x1x1x125xi32, #tpu.memory_space<hbm>> -> memref<1x125xi32, #tpu.memory_space<hbm>>
    %dma_start3A_16 = arith.constant 0 : i32
    %dma_start3A_17 = arith.constant 0 : i32
    %dma_start3A_18 = tpu.memref_slice %arg7[%dma_start3A_7, %dma_start3A_16, %dma_start3A_17] : memref<4x1x125xi32, #tpu.memory_space<vmem>> -> memref<1x1x125xi32, #tpu.memory_space<vmem>>
    %dma_start3A_19 = tpu.memref_squeeze %dma_start3A_18 : memref<1x1x125xi32, #tpu.memory_space<vmem>> -> memref<1x125xi32, #tpu.memory_space<vmem>>
    %dma_start3A_20 = arith.constant 0 : i32
    %dma_start3A_21 = arith.constant 0 : i32
    %dma_start3A_22 = tpu.memref_slice %arg3[%add3A, %dma_start3A, %dma_start3A_20, %dma_start3A_21] : memref<32x80x1x125xi32, #tpu.memory_space<hbm>> -> memref<1x1x1x125xi32, #tpu.memory_space<hbm>>
    %dma_start3A_23 = tpu.memref_squeeze %dma_start3A_22 : memref<1x1x1x125xi32, #tpu.memory_space<hbm>> -> memref<1x125xi32, #tpu.memory_space<hbm>>
    tpu.enqueue_dma source(%dma_start3A_23 : memref<1x125xi32, #tpu.memory_space<hbm>>) target(%dma_start3A_19 : memref<1x125xi32, #tpu.memory_space<vmem>>) target_semaphore(%arg11 : memref<!tpu.dma_semaphore, #tpu.memory_space<semaphore_mem>>)
    %dma_start3A_24 = arith.constant 0 : i32
    %dma_start3A_25 = arith.constant 0 : i32
    %dma_start3A_26 = arith.constant 0 : i32
    %dma_start3A_27 = arith.constant 0 : i32
    %dma_start3A_28 = tpu.memref_slice %arg8[%dma_start3A_25, %dma_start3A_26, %dma_start3A_27] : memref<4x1x125xi32, #tpu.memory_space<vmem>> -> memref<1x1x125xi32, #tpu.memory_space<vmem>>
    %dma_start3A_29 = tpu.memref_squeeze %dma_start3A_28 : memref<1x1x125xi32, #tpu.memory_space<vmem>> -> memref<1x125xi32, #tpu.memory_space<vmem>>
    %dma_start3A_30 = arith.constant 0 : i32
    %dma_start3A_31 = arith.constant 0 : i32
    %dma_start3A_32 = tpu.memref_slice %arg4[%add3A, %dma_start3A_24, %dma_start3A_30, %dma_start3A_31] : memref<32x80x1x125xi32, #tpu.memory_space<hbm>> -> memref<1x1x1x125xi32, #tpu.memory_space<hbm>>
    %dma_start3A_33 = tpu.memref_squeeze %dma_start3A_32 : memref<1x1x1x125xi32, #tpu.memory_space<hbm>> -> memref<1x125xi32, #tpu.memory_space<hbm>>
    %dma_start3A_34 = arith.constant 0 : i32
    %dma_start3A_35 = arith.constant 0 : i32
    %dma_start3A_36 = tpu.memref_slice %arg8[%dma_start3A_25, %dma_start3A_34, %dma_start3A_35] : memref<4x1x125xi32, #tpu.memory_space<vmem>> -> memref<1x1x125xi32, #tpu.memory_space<vmem>>
    %dma_start3A_37 = tpu.memref_squeeze %dma_start3A_36 : memref<1x1x125xi32, #tpu.memory_space<vmem>> -> memref<1x125xi32, #tpu.memory_space<vmem>>
    %dma_start3A_38 = arith.constant 0 : i32
    %dma_start3A_39 = arith.constant 0 : i32
    %dma_start3A_40 = tpu.memref_slice %arg4[%add3A, %dma_start3A_24, %dma_start3A_38, %dma_start3A_39] : memref<32x80x1x125xi32, #tpu.memory_space<hbm>> -> memref<1x1x1x125xi32, #tpu.memory_space<hbm>>
    %dma_start3A_41 = tpu.memref_squeeze %dma_start3A_40 : memref<1x1x1x125xi32, #tpu.memory_space<hbm>> -> memref<1x125xi32, #tpu.memory_space<hbm>>
    tpu.enqueue_dma source(%dma_start3A_41 : memref<1x125xi32, #tpu.memory_space<hbm>>) target(%dma_start3A_37 : memref<1x125xi32, #tpu.memory_space<vmem>>) target_semaphore(%arg15 : memref<!tpu.dma_semaphore, #tpu.memory_space<semaphore_mem>>)
    %dma_start3A_42 = arith.constant 1 : i32
    %dma_start3A_43 = arith.constant 1 : i32
    %dma_start3A_44 = arith.constant 0 : i32
    %dma_start3A_45 = arith.constant 0 : i32
    %dma_start3A_46 = tpu.memref_slice %arg7[%dma_start3A_43, %dma_start3A_44, %dma_start3A_45] : memref<4x1x125xi32, #tpu.memory_space<vmem>> -> memref<1x1x125xi32, #tpu.memory_space<vmem>>
    %dma_start3A_47 = tpu.memref_squeeze %dma_start3A_46 : memref<1x1x125xi32, #tpu.memory_space<vmem>> -> memref<1x125xi32, #tpu.memory_space<vmem>>
    %dma_start3A_48 = arith.constant 0 : i32
    %dma_start3A_49 = arith.constant 0 : i32
    %dma_start3A_50 = tpu.memref_slice %arg3[%add3A, %dma_start3A_42, %dma_start3A_48, %dma_start3A_49] : memref<32x80x1x125xi32, #tpu.memory_space<hbm>> -> memref<1x1x1x125xi32, #tpu.memory_space<hbm>>
    %dma_start3A_51 = tpu.memref_squeeze %dma_start3A_50 : memref<1x1x1x125xi32, #tpu.memory_space<hbm>> -> memref<1x125xi32, #tpu.memory_space<hbm>>
    %dma_start3A_52 = arith.constant 0 : i32
    %dma_start3A_53 = arith.constant 0 : i32
    %dma_start3A_54 = tpu.memref_slice %arg7[%dma_start3A_43, %dma_start3A_52, %dma_start3A_53] : memref<4x1x125xi32, #tpu.memory_space<vmem>> -> memref<1x1x125xi32, #tpu.memory_space<vmem>>
    %dma_start3A_55 = tpu.memref_squeeze %dma_start3A_54 : memref<1x1x125xi32, #tpu.memory_space<vmem>> -> memref<1x125xi32, #tpu.memory_space<vmem>>
    %dma_start3A_56 = arith.constant 0 : i32
    %dma_start3A_57 = arith.constant 0 : i32
    %dma_start3A_58 = tpu.memref_slice %arg3[%add3A, %dma_start3A_42, %dma_start3A_56, %dma_start3A_57] : memref<32x80x1x125xi32, #tpu.memory_space<hbm>> -> memref<1x1x1x125xi32, #tpu.memory_space<hbm>>
    %dma_start3A_59 = tpu.memref_squeeze %dma_start3A_58 : memref<1x1x1x125xi32, #tpu.memory_space<hbm>> -> memref<1x125xi32, #tpu.memory_space<hbm>>
    tpu.enqueue_dma source(%dma_start3A_59 : memref<1x125xi32, #tpu.memory_space<hbm>>) target(%dma_start3A_55 : memref<1x125xi32, #tpu.memory_space<vmem>>) target_semaphore(%arg12 : memref<!tpu.dma_semaphore, #tpu.memory_space<semaphore_mem>>)
    %dma_start3A_60 = arith.constant 1 : i32
    %dma_start3A_61 = arith.constant 1 : i32
    %dma_start3A_62 = arith.constant 0 : i32
    %dma_start3A_63 = arith.constant 0 : i32
    %dma_start3A_64 = tpu.memref_slice %arg8[%dma_start3A_61, %dma_start3A_62, %dma_start3A_63] : memref<4x1x125xi32, #tpu.memory_space<vmem>> -> memref<1x1x125xi32, #tpu.memory_space<vmem>>
    %dma_start3A_65 = tpu.memref_squeeze %dma_start3A_64 : memref<1x1x125xi32, #tpu.memory_space<vmem>> -> memref<1x125xi32, #tpu.memory_space<vmem>>
    %dma_start3A_66 = arith.constant 0 : i32
    %dma_start3A_67 = arith.constant 0 : i32
    %dma_start3A_68 = tpu.memref_slice %arg4[%add3A, %dma_start3A_60, %dma_start3A_66, %dma_start3A_67] : memref<32x80x1x125xi32, #tpu.memory_space<hbm>> -> memref<1x1x1x125xi32, #tpu.memory_space<hbm>>
    %dma_start3A_69 = tpu.memref_squeeze %dma_start3A_68 : memref<1x1x1x125xi32, #tpu.memory_space<hbm>> -> memref<1x125xi32, #tpu.memory_space<hbm>>
    %dma_start3A_70 = arith.constant 0 : i32
    %dma_start3A_71 = arith.constant 0 : i32
    %dma_start3A_72 = tpu.memref_slice %arg8[%dma_start3A_61, %dma_start3A_70, %dma_start3A_71] : memref<4x1x125xi32, #tpu.memory_space<vmem>> -> memref<1x1x125xi32, #tpu.memory_space<vmem>>
    %dma_start3A_73 = tpu.memref_squeeze %dma_start3A_72 : memref<1x1x125xi32, #tpu.memory_space<vmem>> -> memref<1x125xi32, #tpu.memory_space<vmem>>
    %dma_start3A_74 = arith.constant 0 : i32
    %dma_start3A_75 = arith.constant 0 : i32
    %dma_start3A_76 = tpu.memref_slice %arg4[%add3A, %dma_start3A_60, %dma_start3A_74, %dma_start3A_75] : memref<32x80x1x125xi32, #tpu.memory_space<hbm>> -> memref<1x1x1x125xi32, #tpu.memory_space<hbm>>
    %dma_start3A_77 = tpu.memref_squeeze %dma_start3A_76 : memref<1x1x1x125xi32, #tpu.memory_space<hbm>> -> memref<1x125xi32, #tpu.memory_space<hbm>>
    tpu.enqueue_dma source(%dma_start3A_77 : memref<1x125xi32, #tpu.memory_space<hbm>>) target(%dma_start3A_73 : memref<1x125xi32, #tpu.memory_space<vmem>>) target_semaphore(%arg16 : memref<!tpu.dma_semaphore, #tpu.memory_space<semaphore_mem>>)
    %dma_start3A_78 = arith.constant 2 : i32
    %dma_start3A_79 = arith.constant 2 : i32
    %dma_start3A_80 = arith.constant 0 : i32
    %dma_start3A_81 = arith.constant 0 : i32
    %dma_start3A_82 = tpu.memref_slice %arg7[%dma_start3A_79, %dma_start3A_80, %dma_start3A_81] : memref<4x1x125xi32, #tpu.memory_space<vmem>> -> memref<1x1x125xi32, #tpu.memory_space<vmem>>
    %dma_start3A_83 = tpu.memref_squeeze %dma_start3A_82 : memref<1x1x125xi32, #tpu.memory_space<vmem>> -> memref<1x125xi32, #tpu.memory_space<vmem>>
    %dma_start3A_84 = arith.constant 0 : i32
    %dma_start3A_85 = arith.constant 0 : i32
    %dma_start3A_86 = tpu.memref_slice %arg3[%add3A, %dma_start3A_78, %dma_start3A_84, %dma_start3A_85] : memref<32x80x1x125xi32, #tpu.memory_space<hbm>> -> memref<1x1x1x125xi32, #tpu.memory_space<hbm>>
    %dma_start3A_87 = tpu.memref_squeeze %dma_start3A_86 : memref<1x1x1x125xi32, #tpu.memory_space<hbm>> -> memref<1x125xi32, #tpu.memory_space<hbm>>
    %dma_start3A_88 = arith.constant 0 : i32
    %dma_start3A_89 = arith.constant 0 : i32
    %dma_start3A_90 = tpu.memref_slice %arg7[%dma_start3A_79, %dma_start3A_88, %dma_start3A_89] : memref<4x1x125xi32, #tpu.memory_space<vmem>> -> memref<1x1x125xi32, #tpu.memory_space<vmem>>
    %dma_start3A_91 = tpu.memref_squeeze %dma_start3A_90 : memref<1x1x125xi32, #tpu.memory_space<vmem>> -> memref<1x125xi32, #tpu.memory_space<vmem>>
    %dma_start3A_92 = arith.constant 0 : i32
    %dma_start3A_93 = arith.constant 0 : i32
    %dma_start3A_94 = tpu.memref_slice %arg3[%add3A, %dma_start3A_78, %dma_start3A_92, %dma_start3A_93] : memref<32x80x1x125xi32, #tpu.memory_space<hbm>> -> memref<1x1x1x125xi32, #tpu.memory_space<hbm>>
    %dma_start3A_95 = tpu.memref_squeeze %dma_start3A_94 : memref<1x1x1x125xi32, #tpu.memory_space<hbm>> -> memref<1x125xi32, #tpu.memory_space<hbm>>
    tpu.enqueue_dma source(%dma_start3A_95 : memref<1x125xi32, #tpu.memory_space<hbm>>) target(%dma_start3A_91 : memref<1x125xi32, #tpu.memory_space<vmem>>) target_semaphore(%arg13 : memref<!tpu.dma_semaphore, #tpu.memory_space<semaphore_mem>>)
    %dma_start3A_96 = arith.constant 2 : i32
    %dma_start3A_97 = arith.constant 2 : i32
    %dma_start3A_98 = arith.constant 0 : i32
    %dma_start3A_99 = arith.constant 0 : i32
    %dma_start3A_100 = tpu.memref_slice %arg8[%dma_start3A_97, %dma_start3A_98, %dma_start3A_99] : memref<4x1x125xi32, #tpu.memory_space<vmem>> -> memref<1x1x125xi32, #tpu.memory_space<vmem>>
    %dma_start3A_101 = tpu.memref_squeeze %dma_start3A_100 : memref<1x1x125xi32, #tpu.memory_space<vmem>> -> memref<1x125xi32, #tpu.memory_space<vmem>>
    %dma_start3A_102 = arith.constant 0 : i32
    %dma_start3A_103 = arith.constant 0 : i32
    %dma_start3A_104 = tpu.memref_slice %arg4[%add3A, %dma_start3A_96, %dma_start3A_102, %dma_start3A_103] : memref<32x80x1x125xi32, #tpu.memory_space<hbm>> -> memref<1x1x1x125xi32, #tpu.memory_space<hbm>>
    %dma_start3A_105 = tpu.memref_squeeze %dma_start3A_104 : memref<1x1x1x125xi32, #tpu.memory_space<hbm>> -> memref<1x125xi32, #tpu.memory_space<hbm>>
    %dma_start3A_106 = arith.constant 0 : i32
    %dma_start3A_107 = arith.constant 0 : i32
    %dma_start3A_108 = tpu.memref_slice %arg8[%dma_start3A_97, %dma_start3A_106, %dma_start3A_107] : memref<4x1x125xi32, #tpu.memory_space<vmem>> -> memref<1x1x125xi32, #tpu.memory_space<vmem>>
    %dma_start3A_109 = tpu.memref_squeeze %dma_start3A_108 : memref<1x1x125xi32, #tpu.memory_space<vmem>> -> memref<1x125xi32, #tpu.memory_space<vmem>>
    %dma_start3A_110 = arith.constant 0 : i32
    %dma_start3A_111 = arith.constant 0 : i32
    %dma_start3A_112 = tpu.memref_slice %arg4[%add3A, %dma_start3A_96, %dma_start3A_110, %dma_start3A_111] : memref<32x80x1x125xi32, #tpu.memory_space<hbm>> -> memref<1x1x1x125xi32, #tpu.memory_space<hbm>>
    %dma_start3A_113 = tpu.memref_squeeze %dma_start3A_112 : memref<1x1x1x125xi32, #tpu.memory_space<hbm>> -> memref<1x125xi32, #tpu.memory_space<hbm>>
    tpu.enqueue_dma source(%dma_start3A_113 : memref<1x125xi32, #tpu.memory_space<hbm>>) target(%dma_start3A_109 : memref<1x125xi32, #tpu.memory_space<vmem>>) target_semaphore(%arg17 : memref<!tpu.dma_semaphore, #tpu.memory_space<semaphore_mem>>)
    %dma_wait3A = arith.constant 0 : i32
    %dma_wait3A_114 = arith.constant 0 : i32
    %dma_wait3A_115 = arith.constant 0 : i32
    %dma_wait3A_116 = arith.constant 0 : i32
    %dma_wait3A_117 = tpu.memref_slice %arg7[%dma_wait3A_114, %dma_wait3A_115, %dma_wait3A_116] : memref<4x1x125xi32, #tpu.memory_space<vmem>> -> memref<1x1x125xi32, #tpu.memory_space<vmem>>
    %dma_wait3A_118 = tpu.memref_squeeze %dma_wait3A_117 : memref<1x1x125xi32, #tpu.memory_space<vmem>> -> memref<1x125xi32, #tpu.memory_space<vmem>>
    %dma_wait3A_119 = arith.constant 0 : i32
    %dma_wait3A_120 = arith.constant 0 : i32
    %dma_wait3A_121 = tpu.memref_slice %arg3[%add3A, %dma_wait3A, %dma_wait3A_119, %dma_wait3A_120] : memref<32x80x1x125xi32, #tpu.memory_space<hbm>> -> memref<1x1x1x125xi32, #tpu.memory_space<hbm>>
    %dma_wait3A_122 = tpu.memref_squeeze %dma_wait3A_121 : memref<1x1x1x125xi32, #tpu.memory_space<hbm>> -> memref<1x125xi32, #tpu.memory_space<hbm>>
    %dma_wait3A_123 = arith.constant 0 : i32
    %dma_wait3A_124 = arith.constant 0 : i32
    %dma_wait3A_125 = tpu.memref_slice %arg7[%dma_wait3A_114, %dma_wait3A_123, %dma_wait3A_124] : memref<4x1x125xi32, #tpu.memory_space<vmem>> -> memref<1x1x125xi32, #tpu.memory_space<vmem>>
    %dma_wait3A_126 = tpu.memref_squeeze %dma_wait3A_125 : memref<1x1x125xi32, #tpu.memory_space<vmem>> -> memref<1x125xi32, #tpu.memory_space<vmem>>
    %dma_wait3A_127 = arith.constant 0 : i32
    %dma_wait3A_128 = arith.constant 0 : i32
    %dma_wait3A_129 = tpu.memref_slice %arg3[%add3A, %dma_wait3A, %dma_wait3A_127, %dma_wait3A_128] : memref<32x80x1x125xi32, #tpu.memory_space<hbm>> -> memref<1x1x1x125xi32, #tpu.memory_space<hbm>>
    %dma_wait3A_130 = tpu.memref_squeeze %dma_wait3A_129 : memref<1x1x1x125xi32, #tpu.memory_space<hbm>> -> memref<1x125xi32, #tpu.memory_space<hbm>>
    tpu.wait_dma2 semaphore(%arg11 : memref<!tpu.dma_semaphore, #tpu.memory_space<semaphore_mem>>) src(%dma_wait3A_130 : memref<1x125xi32, #tpu.memory_space<hbm>>) dst(%dma_wait3A_126 : memref<1x125xi32, #tpu.memory_space<vmem>>)
    %dma_wait3A_131 = arith.constant 0 : i32
    %dma_wait3A_132 = arith.constant 0 : i32
    %dma_wait3A_133 = arith.constant 0 : i32
    %dma_wait3A_134 = arith.constant 0 : i32
    %dma_wait3A_135 = tpu.memref_slice %arg8[%dma_wait3A_132, %dma_wait3A_133, %dma_wait3A_134] : memref<4x1x125xi32, #tpu.memory_space<vmem>> -> memref<1x1x125xi32, #tpu.memory_space<vmem>>
    %dma_wait3A_136 = tpu.memref_squeeze %dma_wait3A_135 : memref<1x1x125xi32, #tpu.memory_space<vmem>> -> memref<1x125xi32, #tpu.memory_space<vmem>>
    %dma_wait3A_137 = arith.constant 0 : i32
    %dma_wait3A_138 = arith.constant 0 : i32
    %dma_wait3A_139 = tpu.memref_slice %arg4[%add3A, %dma_wait3A_131, %dma_wait3A_137, %dma_wait3A_138] : memref<32x80x1x125xi32, #tpu.memory_space<hbm>> -> memref<1x1x1x125xi32, #tpu.memory_space<hbm>>
    %dma_wait3A_140 = tpu.memref_squeeze %dma_wait3A_139 : memref<1x1x1x125xi32, #tpu.memory_space<hbm>> -> memref<1x125xi32, #tpu.memory_space<hbm>>
    %dma_wait3A_141 = arith.constant 0 : i32
    %dma_wait3A_142 = arith.constant 0 : i32
    %dma_wait3A_143 = tpu.memref_slice %arg8[%dma_wait3A_132, %dma_wait3A_141, %dma_wait3A_142] : memref<4x1x125xi32, #tpu.memory_space<vmem>> -> memref<1x1x125xi32, #tpu.memory_space<vmem>>
    %dma_wait3A_144 = tpu.memref_squeeze %dma_wait3A_143 : memref<1x1x125xi32, #tpu.memory_space<vmem>> -> memref<1x125xi32, #tpu.memory_space<vmem>>
    %dma_wait3A_145 = arith.constant 0 : i32
    %dma_wait3A_146 = arith.constant 0 : i32
    %dma_wait3A_147 = tpu.memref_slice %arg4[%add3A, %dma_wait3A_131, %dma_wait3A_145, %dma_wait3A_146] : memref<32x80x1x125xi32, #tpu.memory_space<hbm>> -> memref<1x1x1x125xi32, #tpu.memory_space<hbm>>
    %dma_wait3A_148 = tpu.memref_squeeze %dma_wait3A_147 : memref<1x1x1x125xi32, #tpu.memory_space<hbm>> -> memref<1x125xi32, #tpu.memory_space<hbm>>
    tpu.wait_dma2 semaphore(%arg15 : memref<!tpu.dma_semaphore, #tpu.memory_space<semaphore_mem>>) src(%dma_wait3A_148 : memref<1x125xi32, #tpu.memory_space<hbm>>) dst(%dma_wait3A_144 : memref<1x125xi32, #tpu.memory_space<vmem>>)
    %dma_start3A_149 = arith.constant 0 : i32
    %dma_start3A_150 = arith.constant 0 : i32
    %dma_start3A_151 = arith.constant 0 : i32
    %dma_start3A_152 = arith.constant 0 : i32
    %dma_start3A_153 = arith.constant 0 : i32
    %dma_start3A_154 = tpu.memref_slice %arg9[%dma_start3A_151, %dma_start3A_152, %dma_start3A_153] : memref<2x125x128xf32, #tpu.memory_space<vmem>> -> memref<1x125x128xf32, #tpu.memory_space<vmem>>
    %dma_start3A_155 = tpu.memref_squeeze %dma_start3A_154 : memref<1x125x128xf32, #tpu.memory_space<vmem>> -> memref<125x128xf32, #tpu.memory_space<vmem>>
    %dma_start3A_156 = arith.constant 0 : i32
    %dma_start3A_157 = tpu.memref_slice %arg7[%dma_start3A_149, %dma_start3A_150, %dma_start3A_156] : memref<4x1x125xi32, #tpu.memory_space<vmem>> -> memref<1x1x125xi32, #tpu.memory_space<vmem>>
    %dma_start3A_158 = tpu.memref_squeeze %dma_start3A_157 : memref<1x1x125xi32, #tpu.memory_space<vmem>> -> memref<125xi32, #tpu.memory_space<vmem>>
    %dma_start3A_159 = arith.constant 0 : i32
    %dma_start3A_160 = arith.constant 0 : i32
    %dma_start3A_161 = tpu.memref_slice %arg2[%dma_start3A_159, %dma_start3A_160] : memref<90000x128xf32, #tpu.memory_space<hbm>> -> memref<90000x128xf32, #tpu.memory_space<hbm>>
    tpu.enqueue_indirect_dma source(%dma_start3A_161 : memref<90000x128xf32, #tpu.memory_space<hbm>>) target(%dma_start3A_155 : memref<125x128xf32, #tpu.memory_space<vmem>>) offsets(%dma_start3A_158 : memref<125xi32, #tpu.memory_space<vmem>>) semaphore(%arg19 : memref<!tpu.dma_semaphore, #tpu.memory_space<semaphore_mem>>)
    %scan3A = arith.constant 0 : i32
    %scan3A_162 = arith.constant 0 : i32
    %scan3A_163 = arith.constant 20 : i32
    %scan3A_164 = arith.addi %scan3A_162, %scan3A_163 : i32
    %scan3A_165 = arith.constant 1 : i32
    scf.for %scan3A_190 = %scan3A_162 to %scan3A_164 step %scan3A_165  : i32 {
      %mul3A_191 = arith.constant 4 : i32
      %mul3A_192 = arith.muli %scan3A_190, %mul3A_191 : i32
      %add3A_193 = arith.constant 0 : i32
      %add3A_194 = arith.addi %mul3A_192, %add3A_193 : i32
      %ge3A = arith.constant 1 : i32
      %ge3A_195 = arith.cmpi sge, %add3A_194, %ge3A : i32
      %convert_element_type3A_196 = arith.extui %ge3A_195 : i1 to i32
      %cond3A_197 = arith.constant 0 : i32
      %cond3A_198 = arith.cmpi ne, %convert_element_type3A_196, %cond3A_197 : i32
      scf.if %cond3A_198 {
        %dma_wait3A_385 = arith.constant 1 : i32
        %dma_wait3A_386 = arith.constant 3 : i32
        %dma_wait3A_387 = arith.constant 0 : i32
        %dma_wait3A_388 = arith.constant 0 : i32
        %dma_wait3A_389 = arith.constant 0 : i32
        %dma_wait3A_390 = tpu.memref_slice %arg9[%dma_wait3A_385, %dma_wait3A_388, %dma_wait3A_389] : memref<2x125x128xf32, #tpu.memory_space<vmem>> -> memref<1x125x128xf32, #tpu.memory_space<vmem>>
        %dma_wait3A_391 = tpu.memref_squeeze %dma_wait3A_390 : memref<1x125x128xf32, #tpu.memory_space<vmem>> -> memref<125x128xf32, #tpu.memory_space<vmem>>
        %dma_wait3A_392 = arith.constant 0 : i32
        %dma_wait3A_393 = tpu.memref_slice %arg8[%dma_wait3A_386, %dma_wait3A_387, %dma_wait3A_392] : memref<4x1x125xi32, #tpu.memory_space<vmem>> -> memref<1x1x125xi32, #tpu.memory_space<vmem>>
        %dma_wait3A_394 = tpu.memref_squeeze %dma_wait3A_393 : memref<1x1x125xi32, #tpu.memory_space<vmem>> -> memref<125xi32, #tpu.memory_space<vmem>>
        %dma_wait3A_395 = arith.constant 0 : i32
        %dma_wait3A_396 = arith.constant 0 : i32
        %dma_wait3A_397 = tpu.memref_slice %arg10[%dma_wait3A_395, %dma_wait3A_396] : memref<10000x128xf32, #tpu.memory_space<vmem_shared>> -> memref<10000x128xf32, #tpu.memory_space<vmem_shared>>
        tpu.wait_indirect_dma semaphore(%arg22 : memref<!tpu.dma_semaphore, #tpu.memory_space<semaphore_mem>>) src(%dma_wait3A_391 : memref<125x128xf32, #tpu.memory_space<vmem>>) dst(%dma_wait3A_397 : memref<10000x128xf32, #tpu.memory_space<vmem_shared>>)
      } else {
      }
      %add3A_199 = arith.constant 3 : i32
      %add3A_200 = arith.addi %add3A_194, %add3A_199 : i32
      %lt3A = arith.constant 80 : i32
      %lt3A_201 = arith.cmpi slt, %add3A_200, %lt3A : i32
      %convert_element_type3A_202 = arith.extui %lt3A_201 : i1 to i32
      %cond3A_203 = arith.constant 0 : i32
      %cond3A_204 = arith.cmpi ne, %convert_element_type3A_202, %cond3A_203 : i32
      scf.if %cond3A_204 {
        %add3A_385 = arith.constant 3 : i32
        %add3A_386 = arith.addi %add3A_194, %add3A_385 : i32
        %dma_start3A_387 = arith.constant 3 : i32
        %dma_start3A_388 = arith.constant 0 : i32
        %dma_start3A_389 = arith.constant 0 : i32
        %dma_start3A_390 = tpu.memref_slice %arg7[%dma_start3A_387, %dma_start3A_388, %dma_start3A_389] : memref<4x1x125xi32, #tpu.memory_space<vmem>> -> memref<1x1x125xi32, #tpu.memory_space<vmem>>
        %dma_start3A_391 = tpu.memref_squeeze %dma_start3A_390 : memref<1x1x125xi32, #tpu.memory_space<vmem>> -> memref<1x125xi32, #tpu.memory_space<vmem>>
        %dma_start3A_392 = arith.constant 0 : i32
        %dma_start3A_393 = arith.constant 0 : i32
        %dma_start3A_394 = tpu.memref_slice %arg3[%add3A, %add3A_386, %dma_start3A_392, %dma_start3A_393] : memref<32x80x1x125xi32, #tpu.memory_space<hbm>> -> memref<1x1x1x125xi32, #tpu.memory_space<hbm>>
        %dma_start3A_395 = tpu.memref_squeeze %dma_start3A_394 : memref<1x1x1x125xi32, #tpu.memory_space<hbm>> -> memref<1x125xi32, #tpu.memory_space<hbm>>
        %dma_start3A_396 = arith.constant 0 : i32
        %dma_start3A_397 = arith.constant 0 : i32
        %dma_start3A_398 = tpu.memref_slice %arg7[%dma_start3A_387, %dma_start3A_396, %dma_start3A_397] : memref<4x1x125xi32, #tpu.memory_space<vmem>> -> memref<1x1x125xi32, #tpu.memory_space<vmem>>
        %dma_start3A_399 = tpu.memref_squeeze %dma_start3A_398 : memref<1x1x125xi32, #tpu.memory_space<vmem>> -> memref<1x125xi32, #tpu.memory_space<vmem>>
        %dma_start3A_400 = arith.constant 0 : i32
        %dma_start3A_401 = arith.constant 0 : i32
        %dma_start3A_402 = tpu.memref_slice %arg3[%add3A, %add3A_386, %dma_start3A_400, %dma_start3A_401] : memref<32x80x1x125xi32, #tpu.memory_space<hbm>> -> memref<1x1x1x125xi32, #tpu.memory_space<hbm>>
        %dma_start3A_403 = tpu.memref_squeeze %dma_start3A_402 : memref<1x1x1x125xi32, #tpu.memory_space<hbm>> -> memref<1x125xi32, #tpu.memory_space<hbm>>
        tpu.enqueue_dma source(%dma_start3A_403 : memref<1x125xi32, #tpu.memory_space<hbm>>) target(%dma_start3A_399 : memref<1x125xi32, #tpu.memory_space<vmem>>) target_semaphore(%arg14 : memref<!tpu.dma_semaphore, #tpu.memory_space<semaphore_mem>>)
        %dma_start3A_404 = arith.constant 3 : i32
        %dma_start3A_405 = arith.constant 0 : i32
        %dma_start3A_406 = arith.constant 0 : i32
        %dma_start3A_407 = tpu.memref_slice %arg8[%dma_start3A_404, %dma_start3A_405, %dma_start3A_406] : memref<4x1x125xi32, #tpu.memory_space<vmem>> -> memref<1x1x125xi32, #tpu.memory_space<vmem>>
        %dma_start3A_408 = tpu.memref_squeeze %dma_start3A_407 : memref<1x1x125xi32, #tpu.memory_space<vmem>> -> memref<1x125xi32, #tpu.memory_space<vmem>>
        %dma_start3A_409 = arith.constant 0 : i32
        %dma_start3A_410 = arith.constant 0 : i32
        %dma_start3A_411 = tpu.memref_slice %arg4[%add3A, %add3A_386, %dma_start3A_409, %dma_start3A_410] : memref<32x80x1x125xi32, #tpu.memory_space<hbm>> -> memref<1x1x1x125xi32, #tpu.memory_space<hbm>>
        %dma_start3A_412 = tpu.memref_squeeze %dma_start3A_411 : memref<1x1x1x125xi32, #tpu.memory_space<hbm>> -> memref<1x125xi32, #tpu.memory_space<hbm>>
        %dma_start3A_413 = arith.constant 0 : i32
        %dma_start3A_414 = arith.constant 0 : i32
        %dma_start3A_415 = tpu.memref_slice %arg8[%dma_start3A_404, %dma_start3A_413, %dma_start3A_414] : memref<4x1x125xi32, #tpu.memory_space<vmem>> -> memref<1x1x125xi32, #tpu.memory_space<vmem>>
        %dma_start3A_416 = tpu.memref_squeeze %dma_start3A_415 : memref<1x1x125xi32, #tpu.memory_space<vmem>> -> memref<1x125xi32, #tpu.memory_space<vmem>>
        %dma_start3A_417 = arith.constant 0 : i32
        %dma_start3A_418 = arith.constant 0 : i32
        %dma_start3A_419 = tpu.memref_slice %arg4[%add3A, %add3A_386, %dma_start3A_417, %dma_start3A_418] : memref<32x80x1x125xi32, #tpu.memory_space<hbm>> -> memref<1x1x1x125xi32, #tpu.memory_space<hbm>>
        %dma_start3A_420 = tpu.memref_squeeze %dma_start3A_419 : memref<1x1x1x125xi32, #tpu.memory_space<hbm>> -> memref<1x125xi32, #tpu.memory_space<hbm>>
        tpu.enqueue_dma source(%dma_start3A_420 : memref<1x125xi32, #tpu.memory_space<hbm>>) target(%dma_start3A_416 : memref<1x125xi32, #tpu.memory_space<vmem>>) target_semaphore(%arg18 : memref<!tpu.dma_semaphore, #tpu.memory_space<semaphore_mem>>)
      } else {
      }
      %add3A_205 = arith.constant 1 : i32
      %add3A_206 = arith.addi %add3A_194, %add3A_205 : i32
      %lt3A_207 = arith.constant 80 : i32
      %lt3A_208 = arith.cmpi slt, %add3A_206, %lt3A_207 : i32
      %convert_element_type3A_209 = arith.extui %lt3A_208 : i1 to i32
      %cond3A_210 = arith.constant 0 : i32
      %cond3A_211 = arith.cmpi ne, %convert_element_type3A_209, %cond3A_210 : i32
      scf.if %cond3A_211 {
        %add3A_385 = arith.constant 1 : i32
        %add3A_386 = arith.addi %add3A_194, %add3A_385 : i32
        %dma_wait3A_387 = arith.constant 1 : i32
        %dma_wait3A_388 = arith.constant 0 : i32
        %dma_wait3A_389 = arith.constant 0 : i32
        %dma_wait3A_390 = tpu.memref_slice %arg7[%dma_wait3A_387, %dma_wait3A_388, %dma_wait3A_389] : memref<4x1x125xi32, #tpu.memory_space<vmem>> -> memref<1x1x125xi32, #tpu.memory_space<vmem>>
        %dma_wait3A_391 = tpu.memref_squeeze %dma_wait3A_390 : memref<1x1x125xi32, #tpu.memory_space<vmem>> -> memref<1x125xi32, #tpu.memory_space<vmem>>
        %dma_wait3A_392 = arith.constant 0 : i32
        %dma_wait3A_393 = arith.constant 0 : i32
        %dma_wait3A_394 = tpu.memref_slice %arg3[%add3A, %add3A_386, %dma_wait3A_392, %dma_wait3A_393] : memref<32x80x1x125xi32, #tpu.memory_space<hbm>> -> memref<1x1x1x125xi32, #tpu.memory_space<hbm>>
        %dma_wait3A_395 = tpu.memref_squeeze %dma_wait3A_394 : memref<1x1x1x125xi32, #tpu.memory_space<hbm>> -> memref<1x125xi32, #tpu.memory_space<hbm>>
        %dma_wait3A_396 = arith.constant 0 : i32
        %dma_wait3A_397 = arith.constant 0 : i32
        %dma_wait3A_398 = tpu.memref_slice %arg7[%dma_wait3A_387, %dma_wait3A_396, %dma_wait3A_397] : memref<4x1x125xi32, #tpu.memory_space<vmem>> -> memref<1x1x125xi32, #tpu.memory_space<vmem>>
        %dma_wait3A_399 = tpu.memref_squeeze %dma_wait3A_398 : memref<1x1x125xi32, #tpu.memory_space<vmem>> -> memref<1x125xi32, #tpu.memory_space<vmem>>
        %dma_wait3A_400 = arith.constant 0 : i32
        %dma_wait3A_401 = arith.constant 0 : i32
        %dma_wait3A_402 = tpu.memref_slice %arg3[%add3A, %add3A_386, %dma_wait3A_400, %dma_wait3A_401] : memref<32x80x1x125xi32, #tpu.memory_space<hbm>> -> memref<1x1x1x125xi32, #tpu.memory_space<hbm>>
        %dma_wait3A_403 = tpu.memref_squeeze %dma_wait3A_402 : memref<1x1x1x125xi32, #tpu.memory_space<hbm>> -> memref<1x125xi32, #tpu.memory_space<hbm>>
        tpu.wait_dma2 semaphore(%arg12 : memref<!tpu.dma_semaphore, #tpu.memory_space<semaphore_mem>>) src(%dma_wait3A_403 : memref<1x125xi32, #tpu.memory_space<hbm>>) dst(%dma_wait3A_399 : memref<1x125xi32, #tpu.memory_space<vmem>>)
        %dma_wait3A_404 = arith.constant 1 : i32
        %dma_wait3A_405 = arith.constant 0 : i32
        %dma_wait3A_406 = arith.constant 0 : i32
        %dma_wait3A_407 = tpu.memref_slice %arg8[%dma_wait3A_404, %dma_wait3A_405, %dma_wait3A_406] : memref<4x1x125xi32, #tpu.memory_space<vmem>> -> memref<1x1x125xi32, #tpu.memory_space<vmem>>
        %dma_wait3A_408 = tpu.memref_squeeze %dma_wait3A_407 : memref<1x1x125xi32, #tpu.memory_space<vmem>> -> memref<1x125xi32, #tpu.memory_space<vmem>>
        %dma_wait3A_409 = arith.constant 0 : i32
        %dma_wait3A_410 = arith.constant 0 : i32
        %dma_wait3A_411 = tpu.memref_slice %arg4[%add3A, %add3A_386, %dma_wait3A_409, %dma_wait3A_410] : memref<32x80x1x125xi32, #tpu.memory_space<hbm>> -> memref<1x1x1x125xi32, #tpu.memory_space<hbm>>
        %dma_wait3A_412 = tpu.memref_squeeze %dma_wait3A_411 : memref<1x1x1x125xi32, #tpu.memory_space<hbm>> -> memref<1x125xi32, #tpu.memory_space<hbm>>
        %dma_wait3A_413 = arith.constant 0 : i32
        %dma_wait3A_414 = arith.constant 0 : i32
        %dma_wait3A_415 = tpu.memref_slice %arg8[%dma_wait3A_404, %dma_wait3A_413, %dma_wait3A_414] : memref<4x1x125xi32, #tpu.memory_space<vmem>> -> memref<1x1x125xi32, #tpu.memory_space<vmem>>
        %dma_wait3A_416 = tpu.memref_squeeze %dma_wait3A_415 : memref<1x1x125xi32, #tpu.memory_space<vmem>> -> memref<1x125xi32, #tpu.memory_space<vmem>>
        %dma_wait3A_417 = arith.constant 0 : i32
        %dma_wait3A_418 = arith.constant 0 : i32
        %dma_wait3A_419 = tpu.memref_slice %arg4[%add3A, %add3A_386, %dma_wait3A_417, %dma_wait3A_418] : memref<32x80x1x125xi32, #tpu.memory_space<hbm>> -> memref<1x1x1x125xi32, #tpu.memory_space<hbm>>
        %dma_wait3A_420 = tpu.memref_squeeze %dma_wait3A_419 : memref<1x1x1x125xi32, #tpu.memory_space<hbm>> -> memref<1x125xi32, #tpu.memory_space<hbm>>
        tpu.wait_dma2 semaphore(%arg16 : memref<!tpu.dma_semaphore, #tpu.memory_space<semaphore_mem>>) src(%dma_wait3A_420 : memref<1x125xi32, #tpu.memory_space<hbm>>) dst(%dma_wait3A_416 : memref<1x125xi32, #tpu.memory_space<vmem>>)
        %dma_start3A_421 = arith.constant 1 : i32
        %dma_start3A_422 = arith.constant 0 : i32
        %dma_start3A_423 = arith.constant 1 : i32
        %dma_start3A_424 = arith.constant 0 : i32
        %dma_start3A_425 = arith.constant 0 : i32
        %dma_start3A_426 = tpu.memref_slice %arg9[%dma_start3A_423, %dma_start3A_424, %dma_start3A_425] : memref<2x125x128xf32, #tpu.memory_space<vmem>> -> memref<1x125x128xf32, #tpu.memory_space<vmem>>
        %dma_start3A_427 = tpu.memref_squeeze %dma_start3A_426 : memref<1x125x128xf32, #tpu.memory_space<vmem>> -> memref<125x128xf32, #tpu.memory_space<vmem>>
        %dma_start3A_428 = arith.constant 0 : i32
        %dma_start3A_429 = tpu.memref_slice %arg7[%dma_start3A_421, %dma_start3A_422, %dma_start3A_428] : memref<4x1x125xi32, #tpu.memory_space<vmem>> -> memref<1x1x125xi32, #tpu.memory_space<vmem>>
        %dma_start3A_430 = tpu.memref_squeeze %dma_start3A_429 : memref<1x1x125xi32, #tpu.memory_space<vmem>> -> memref<125xi32, #tpu.memory_space<vmem>>
        %dma_start3A_431 = arith.constant 0 : i32
        %dma_start3A_432 = arith.constant 0 : i32
        %dma_start3A_433 = tpu.memref_slice %arg2[%dma_start3A_431, %dma_start3A_432] : memref<90000x128xf32, #tpu.memory_space<hbm>> -> memref<90000x128xf32, #tpu.memory_space<hbm>>
        tpu.enqueue_indirect_dma source(%dma_start3A_433 : memref<90000x128xf32, #tpu.memory_space<hbm>>) target(%dma_start3A_427 : memref<125x128xf32, #tpu.memory_space<vmem>>) offsets(%dma_start3A_430 : memref<125xi32, #tpu.memory_space<vmem>>) semaphore(%arg20 : memref<!tpu.dma_semaphore, #tpu.memory_space<semaphore_mem>>)
      } else {
      }
      %dma_wait3A_212 = arith.constant 0 : i32
      %dma_wait3A_213 = arith.constant 0 : i32
      %dma_wait3A_214 = arith.constant 0 : i32
      %dma_wait3A_215 = arith.constant 0 : i32
      %dma_wait3A_216 = arith.constant 0 : i32
      %dma_wait3A_217 = tpu.memref_slice %arg9[%dma_wait3A_214, %dma_wait3A_215, %dma_wait3A_216] : memref<2x125x128xf32, #tpu.memory_space<vmem>> -> memref<1x125x128xf32, #tpu.memory_space<vmem>>
      %dma_wait3A_218 = tpu.memref_squeeze %dma_wait3A_217 : memref<1x125x128xf32, #tpu.memory_space<vmem>> -> memref<125x128xf32, #tpu.memory_space<vmem>>
      %dma_wait3A_219 = arith.constant 0 : i32
      %dma_wait3A_220 = tpu.memref_slice %arg7[%dma_wait3A_212, %dma_wait3A_213, %dma_wait3A_219] : memref<4x1x125xi32, #tpu.memory_space<vmem>> -> memref<1x1x125xi32, #tpu.memory_space<vmem>>
      %dma_wait3A_221 = tpu.memref_squeeze %dma_wait3A_220 : memref<1x1x125xi32, #tpu.memory_space<vmem>> -> memref<125xi32, #tpu.memory_space<vmem>>
      %dma_wait3A_222 = arith.constant 0 : i32
      %dma_wait3A_223 = arith.constant 0 : i32
      %dma_wait3A_224 = tpu.memref_slice %arg2[%dma_wait3A_222, %dma_wait3A_223] : memref<90000x128xf32, #tpu.memory_space<hbm>> -> memref<90000x128xf32, #tpu.memory_space<hbm>>
      tpu.wait_indirect_dma semaphore(%arg19 : memref<!tpu.dma_semaphore, #tpu.memory_space<semaphore_mem>>) src(%dma_wait3A_224 : memref<90000x128xf32, #tpu.memory_space<hbm>>) dst(%dma_wait3A_218 : memref<125x128xf32, #tpu.memory_space<vmem>>)
      %dma_start3A_225 = arith.constant 0 : i32
      %dma_start3A_226 = arith.constant 0 : i32
      %dma_start3A_227 = arith.constant 0 : i32
      %dma_start3A_228 = arith.constant 0 : i32
      %dma_start3A_229 = arith.constant 0 : i32
      %dma_start3A_230 = tpu.memref_slice %arg9[%dma_start3A_225, %dma_start3A_228, %dma_start3A_229] : memref<2x125x128xf32, #tpu.memory_space<vmem>> -> memref<1x125x128xf32, #tpu.memory_space<vmem>>
      %dma_start3A_231 = tpu.memref_squeeze %dma_start3A_230 : memref<1x125x128xf32, #tpu.memory_space<vmem>> -> memref<125x128xf32, #tpu.memory_space<vmem>>
      %dma_start3A_232 = arith.constant 0 : i32
      %dma_start3A_233 = tpu.memref_slice %arg8[%dma_start3A_226, %dma_start3A_227, %dma_start3A_232] : memref<4x1x125xi32, #tpu.memory_space<vmem>> -> memref<1x1x125xi32, #tpu.memory_space<vmem>>
      %dma_start3A_234 = tpu.memref_squeeze %dma_start3A_233 : memref<1x1x125xi32, #tpu.memory_space<vmem>> -> memref<125xi32, #tpu.memory_space<vmem>>
      %dma_start3A_235 = arith.constant 0 : i32
      %dma_start3A_236 = arith.constant 0 : i32
      %dma_start3A_237 = tpu.memref_slice %arg10[%dma_start3A_235, %dma_start3A_236] : memref<10000x128xf32, #tpu.memory_space<vmem_shared>> -> memref<10000x128xf32, #tpu.memory_space<vmem_shared>>
      tpu.enqueue_indirect_dma source(%dma_start3A_231 : memref<125x128xf32, #tpu.memory_space<vmem>>) target(%dma_start3A_237 : memref<10000x128xf32, #tpu.memory_space<vmem_shared>>) offsets(%dma_start3A_234 : memref<125xi32, #tpu.memory_space<vmem>>) semaphore(%arg21 : memref<!tpu.dma_semaphore, #tpu.memory_space<semaphore_mem>>) {add = true}
      %mul3A_238 = arith.constant 4 : i32
      %mul3A_239 = arith.muli %scan3A_190, %mul3A_238 : i32
      %add3A_240 = arith.constant 1 : i32
      %add3A_241 = arith.addi %mul3A_239, %add3A_240 : i32
      %ge3A_242 = arith.constant 1 : i32
      %ge3A_243 = arith.cmpi sge, %add3A_241, %ge3A_242 : i32
      %convert_element_type3A_244 = arith.extui %ge3A_243 : i1 to i32
      %cond3A_245 = arith.constant 0 : i32
      %cond3A_246 = arith.cmpi ne, %convert_element_type3A_244, %cond3A_245 : i32
      scf.if %cond3A_246 {
        %dma_wait3A_385 = arith.constant 0 : i32
        %dma_wait3A_386 = arith.constant 0 : i32
        %dma_wait3A_387 = arith.constant 0 : i32
        %dma_wait3A_388 = arith.constant 0 : i32
        %dma_wait3A_389 = arith.constant 0 : i32
        %dma_wait3A_390 = tpu.memref_slice %arg9[%dma_wait3A_385, %dma_wait3A_388, %dma_wait3A_389] : memref<2x125x128xf32, #tpu.memory_space<vmem>> -> memref<1x125x128xf32, #tpu.memory_space<vmem>>
        %dma_wait3A_391 = tpu.memref_squeeze %dma_wait3A_390 : memref<1x125x128xf32, #tpu.memory_space<vmem>> -> memref<125x128xf32, #tpu.memory_space<vmem>>
        %dma_wait3A_392 = arith.constant 0 : i32
        %dma_wait3A_393 = tpu.memref_slice %arg8[%dma_wait3A_386, %dma_wait3A_387, %dma_wait3A_392] : memref<4x1x125xi32, #tpu.memory_space<vmem>> -> memref<1x1x125xi32, #tpu.memory_space<vmem>>
        %dma_wait3A_394 = tpu.memref_squeeze %dma_wait3A_393 : memref<1x1x125xi32, #tpu.memory_space<vmem>> -> memref<125xi32, #tpu.memory_space<vmem>>
        %dma_wait3A_395 = arith.constant 0 : i32
        %dma_wait3A_396 = arith.constant 0 : i32
        %dma_wait3A_397 = tpu.memref_slice %arg10[%dma_wait3A_395, %dma_wait3A_396] : memref<10000x128xf32, #tpu.memory_space<vmem_shared>> -> memref<10000x128xf32, #tpu.memory_space<vmem_shared>>
        tpu.wait_indirect_dma semaphore(%arg21 : memref<!tpu.dma_semaphore, #tpu.memory_space<semaphore_mem>>) src(%dma_wait3A_391 : memref<125x128xf32, #tpu.memory_space<vmem>>) dst(%dma_wait3A_397 : memref<10000x128xf32, #tpu.memory_space<vmem_shared>>)
      } else {
      }
      %add3A_247 = arith.constant 3 : i32
      %add3A_248 = arith.addi %add3A_241, %add3A_247 : i32
      %lt3A_249 = arith.constant 80 : i32
      %lt3A_250 = arith.cmpi slt, %add3A_248, %lt3A_249 : i32
      %convert_element_type3A_251 = arith.extui %lt3A_250 : i1 to i32
      %cond3A_252 = arith.constant 0 : i32
      %cond3A_253 = arith.cmpi ne, %convert_element_type3A_251, %cond3A_252 : i32
      scf.if %cond3A_253 {
        %add3A_385 = arith.constant 3 : i32
        %add3A_386 = arith.addi %add3A_241, %add3A_385 : i32
        %dma_start3A_387 = arith.constant 0 : i32
        %dma_start3A_388 = arith.constant 0 : i32
        %dma_start3A_389 = arith.constant 0 : i32
        %dma_start3A_390 = tpu.memref_slice %arg7[%dma_start3A_387, %dma_start3A_388, %dma_start3A_389] : memref<4x1x125xi32, #tpu.memory_space<vmem>> -> memref<1x1x125xi32, #tpu.memory_space<vmem>>
        %dma_start3A_391 = tpu.memref_squeeze %dma_start3A_390 : memref<1x1x125xi32, #tpu.memory_space<vmem>> -> memref<1x125xi32, #tpu.memory_space<vmem>>
        %dma_start3A_392 = arith.constant 0 : i32
        %dma_start3A_393 = arith.constant 0 : i32
        %dma_start3A_394 = tpu.memref_slice %arg3[%add3A, %add3A_386, %dma_start3A_392, %dma_start3A_393] : memref<32x80x1x125xi32, #tpu.memory_space<hbm>> -> memref<1x1x1x125xi32, #tpu.memory_space<hbm>>
        %dma_start3A_395 = tpu.memref_squeeze %dma_start3A_394 : memref<1x1x1x125xi32, #tpu.memory_space<hbm>> -> memref<1x125xi32, #tpu.memory_space<hbm>>
        %dma_start3A_396 = arith.constant 0 : i32
        %dma_start3A_397 = arith.constant 0 : i32
        %dma_start3A_398 = tpu.memref_slice %arg7[%dma_start3A_387, %dma_start3A_396, %dma_start3A_397] : memref<4x1x125xi32, #tpu.memory_space<vmem>> -> memref<1x1x125xi32, #tpu.memory_space<vmem>>
        %dma_start3A_399 = tpu.memref_squeeze %dma_start3A_398 : memref<1x1x125xi32, #tpu.memory_space<vmem>> -> memref<1x125xi32, #tpu.memory_space<vmem>>
        %dma_start3A_400 = arith.constant 0 : i32
        %dma_start3A_401 = arith.constant 0 : i32
        %dma_start3A_402 = tpu.memref_slice %arg3[%add3A, %add3A_386, %dma_start3A_400, %dma_start3A_401] : memref<32x80x1x125xi32, #tpu.memory_space<hbm>> -> memref<1x1x1x125xi32, #tpu.memory_space<hbm>>
        %dma_start3A_403 = tpu.memref_squeeze %dma_start3A_402 : memref<1x1x1x125xi32, #tpu.memory_space<hbm>> -> memref<1x125xi32, #tpu.memory_space<hbm>>
        tpu.enqueue_dma source(%dma_start3A_403 : memref<1x125xi32, #tpu.memory_space<hbm>>) target(%dma_start3A_399 : memref<1x125xi32, #tpu.memory_space<vmem>>) target_semaphore(%arg11 : memref<!tpu.dma_semaphore, #tpu.memory_space<semaphore_mem>>)
        %dma_start3A_404 = arith.constant 0 : i32
        %dma_start3A_405 = arith.constant 0 : i32
        %dma_start3A_406 = arith.constant 0 : i32
        %dma_start3A_407 = tpu.memref_slice %arg8[%dma_start3A_404, %dma_start3A_405, %dma_start3A_406] : memref<4x1x125xi32, #tpu.memory_space<vmem>> -> memref<1x1x125xi32, #tpu.memory_space<vmem>>
        %dma_start3A_408 = tpu.memref_squeeze %dma_start3A_407 : memref<1x1x125xi32, #tpu.memory_space<vmem>> -> memref<1x125xi32, #tpu.memory_space<vmem>>
        %dma_start3A_409 = arith.constant 0 : i32
        %dma_start3A_410 = arith.constant 0 : i32
        %dma_start3A_411 = tpu.memref_slice %arg4[%add3A, %add3A_386, %dma_start3A_409, %dma_start3A_410] : memref<32x80x1x125xi32, #tpu.memory_space<hbm>> -> memref<1x1x1x125xi32, #tpu.memory_space<hbm>>
        %dma_start3A_412 = tpu.memref_squeeze %dma_start3A_411 : memref<1x1x1x125xi32, #tpu.memory_space<hbm>> -> memref<1x125xi32, #tpu.memory_space<hbm>>
        %dma_start3A_413 = arith.constant 0 : i32
        %dma_start3A_414 = arith.constant 0 : i32
        %dma_start3A_415 = tpu.memref_slice %arg8[%dma_start3A_404, %dma_start3A_413, %dma_start3A_414] : memref<4x1x125xi32, #tpu.memory_space<vmem>> -> memref<1x1x125xi32, #tpu.memory_space<vmem>>
        %dma_start3A_416 = tpu.memref_squeeze %dma_start3A_415 : memref<1x1x125xi32, #tpu.memory_space<vmem>> -> memref<1x125xi32, #tpu.memory_space<vmem>>
        %dma_start3A_417 = arith.constant 0 : i32
        %dma_start3A_418 = arith.constant 0 : i32
        %dma_start3A_419 = tpu.memref_slice %arg4[%add3A, %add3A_386, %dma_start3A_417, %dma_start3A_418] : memref<32x80x1x125xi32, #tpu.memory_space<hbm>> -> memref<1x1x1x125xi32, #tpu.memory_space<hbm>>
        %dma_start3A_420 = tpu.memref_squeeze %dma_start3A_419 : memref<1x1x1x125xi32, #tpu.memory_space<hbm>> -> memref<1x125xi32, #tpu.memory_space<hbm>>
        tpu.enqueue_dma source(%dma_start3A_420 : memref<1x125xi32, #tpu.memory_space<hbm>>) target(%dma_start3A_416 : memref<1x125xi32, #tpu.memory_space<vmem>>) target_semaphore(%arg15 : memref<!tpu.dma_semaphore, #tpu.memory_space<semaphore_mem>>)
      } else {
      }
      %add3A_254 = arith.constant 1 : i32
      %add3A_255 = arith.addi %add3A_241, %add3A_254 : i32
      %lt3A_256 = arith.constant 80 : i32
      %lt3A_257 = arith.cmpi slt, %add3A_255, %lt3A_256 : i32
      %convert_element_type3A_258 = arith.extui %lt3A_257 : i1 to i32
      %cond3A_259 = arith.constant 0 : i32
      %cond3A_260 = arith.cmpi ne, %convert_element_type3A_258, %cond3A_259 : i32
      scf.if %cond3A_260 {
        %add3A_385 = arith.constant 1 : i32
        %add3A_386 = arith.addi %add3A_241, %add3A_385 : i32
        %dma_wait3A_387 = arith.constant 2 : i32
        %dma_wait3A_388 = arith.constant 0 : i32
        %dma_wait3A_389 = arith.constant 0 : i32
        %dma_wait3A_390 = tpu.memref_slice %arg7[%dma_wait3A_387, %dma_wait3A_388, %dma_wait3A_389] : memref<4x1x125xi32, #tpu.memory_space<vmem>> -> memref<1x1x125xi32, #tpu.memory_space<vmem>>
        %dma_wait3A_391 = tpu.memref_squeeze %dma_wait3A_390 : memref<1x1x125xi32, #tpu.memory_space<vmem>> -> memref<1x125xi32, #tpu.memory_space<vmem>>
        %dma_wait3A_392 = arith.constant 0 : i32
        %dma_wait3A_393 = arith.constant 0 : i32
        %dma_wait3A_394 = tpu.memref_slice %arg3[%add3A, %add3A_386, %dma_wait3A_392, %dma_wait3A_393] : memref<32x80x1x125xi32, #tpu.memory_space<hbm>> -> memref<1x1x1x125xi32, #tpu.memory_space<hbm>>
        %dma_wait3A_395 = tpu.memref_squeeze %dma_wait3A_394 : memref<1x1x1x125xi32, #tpu.memory_space<hbm>> -> memref<1x125xi32, #tpu.memory_space<hbm>>
        %dma_wait3A_396 = arith.constant 0 : i32
        %dma_wait3A_397 = arith.constant 0 : i32
        %dma_wait3A_398 = tpu.memref_slice %arg7[%dma_wait3A_387, %dma_wait3A_396, %dma_wait3A_397] : memref<4x1x125xi32, #tpu.memory_space<vmem>> -> memref<1x1x125xi32, #tpu.memory_space<vmem>>
        %dma_wait3A_399 = tpu.memref_squeeze %dma_wait3A_398 : memref<1x1x125xi32, #tpu.memory_space<vmem>> -> memref<1x125xi32, #tpu.memory_space<vmem>>
        %dma_wait3A_400 = arith.constant 0 : i32
        %dma_wait3A_401 = arith.constant 0 : i32
        %dma_wait3A_402 = tpu.memref_slice %arg3[%add3A, %add3A_386, %dma_wait3A_400, %dma_wait3A_401] : memref<32x80x1x125xi32, #tpu.memory_space<hbm>> -> memref<1x1x1x125xi32, #tpu.memory_space<hbm>>
        %dma_wait3A_403 = tpu.memref_squeeze %dma_wait3A_402 : memref<1x1x1x125xi32, #tpu.memory_space<hbm>> -> memref<1x125xi32, #tpu.memory_space<hbm>>
        tpu.wait_dma2 semaphore(%arg13 : memref<!tpu.dma_semaphore, #tpu.memory_space<semaphore_mem>>) src(%dma_wait3A_403 : memref<1x125xi32, #tpu.memory_space<hbm>>) dst(%dma_wait3A_399 : memref<1x125xi32, #tpu.memory_space<vmem>>)
        %dma_wait3A_404 = arith.constant 2 : i32
        %dma_wait3A_405 = arith.constant 0 : i32
        %dma_wait3A_406 = arith.constant 0 : i32
        %dma_wait3A_407 = tpu.memref_slice %arg8[%dma_wait3A_404, %dma_wait3A_405, %dma_wait3A_406] : memref<4x1x125xi32, #tpu.memory_space<vmem>> -> memref<1x1x125xi32, #tpu.memory_space<vmem>>
        %dma_wait3A_408 = tpu.memref_squeeze %dma_wait3A_407 : memref<1x1x125xi32, #tpu.memory_space<vmem>> -> memref<1x125xi32, #tpu.memory_space<vmem>>
        %dma_wait3A_409 = arith.constant 0 : i32
        %dma_wait3A_410 = arith.constant 0 : i32
        %dma_wait3A_411 = tpu.memref_slice %arg4[%add3A, %add3A_386, %dma_wait3A_409, %dma_wait3A_410] : memref<32x80x1x125xi32, #tpu.memory_space<hbm>> -> memref<1x1x1x125xi32, #tpu.memory_space<hbm>>
        %dma_wait3A_412 = tpu.memref_squeeze %dma_wait3A_411 : memref<1x1x1x125xi32, #tpu.memory_space<hbm>> -> memref<1x125xi32, #tpu.memory_space<hbm>>
        %dma_wait3A_413 = arith.constant 0 : i32
        %dma_wait3A_414 = arith.constant 0 : i32
        %dma_wait3A_415 = tpu.memref_slice %arg8[%dma_wait3A_404, %dma_wait3A_413, %dma_wait3A_414] : memref<4x1x125xi32, #tpu.memory_space<vmem>> -> memref<1x1x125xi32, #tpu.memory_space<vmem>>
        %dma_wait3A_416 = tpu.memref_squeeze %dma_wait3A_415 : memref<1x1x125xi32, #tpu.memory_space<vmem>> -> memref<1x125xi32, #tpu.memory_space<vmem>>
        %dma_wait3A_417 = arith.constant 0 : i32
        %dma_wait3A_418 = arith.constant 0 : i32
        %dma_wait3A_419 = tpu.memref_slice %arg4[%add3A, %add3A_386, %dma_wait3A_417, %dma_wait3A_418] : memref<32x80x1x125xi32, #tpu.memory_space<hbm>> -> memref<1x1x1x125xi32, #tpu.memory_space<hbm>>
        %dma_wait3A_420 = tpu.memref_squeeze %dma_wait3A_419 : memref<1x1x1x125xi32, #tpu.memory_space<hbm>> -> memref<1x125xi32, #tpu.memory_space<hbm>>
        tpu.wait_dma2 semaphore(%arg17 : memref<!tpu.dma_semaphore, #tpu.memory_space<semaphore_mem>>) src(%dma_wait3A_420 : memref<1x125xi32, #tpu.memory_space<hbm>>) dst(%dma_wait3A_416 : memref<1x125xi32, #tpu.memory_space<vmem>>)
        %dma_start3A_421 = arith.constant 2 : i32
        %dma_start3A_422 = arith.constant 0 : i32
        %dma_start3A_423 = arith.constant 0 : i32
        %dma_start3A_424 = arith.constant 0 : i32
        %dma_start3A_425 = arith.constant 0 : i32
        %dma_start3A_426 = tpu.memref_slice %arg9[%dma_start3A_423, %dma_start3A_424, %dma_start3A_425] : memref<2x125x128xf32, #tpu.memory_space<vmem>> -> memref<1x125x128xf32, #tpu.memory_space<vmem>>
        %dma_start3A_427 = tpu.memref_squeeze %dma_start3A_426 : memref<1x125x128xf32, #tpu.memory_space<vmem>> -> memref<125x128xf32, #tpu.memory_space<vmem>>
        %dma_start3A_428 = arith.constant 0 : i32
        %dma_start3A_429 = tpu.memref_slice %arg7[%dma_start3A_421, %dma_start3A_422, %dma_start3A_428] : memref<4x1x125xi32, #tpu.memory_space<vmem>> -> memref<1x1x125xi32, #tpu.memory_space<vmem>>
        %dma_start3A_430 = tpu.memref_squeeze %dma_start3A_429 : memref<1x1x125xi32, #tpu.memory_space<vmem>> -> memref<125xi32, #tpu.memory_space<vmem>>
        %dma_start3A_431 = arith.constant 0 : i32
        %dma_start3A_432 = arith.constant 0 : i32
        %dma_start3A_433 = tpu.memref_slice %arg2[%dma_start3A_431, %dma_start3A_432] : memref<90000x128xf32, #tpu.memory_space<hbm>> -> memref<90000x128xf32, #tpu.memory_space<hbm>>
        tpu.enqueue_indirect_dma source(%dma_start3A_433 : memref<90000x128xf32, #tpu.memory_space<hbm>>) target(%dma_start3A_427 : memref<125x128xf32, #tpu.memory_space<vmem>>) offsets(%dma_start3A_430 : memref<125xi32, #tpu.memory_space<vmem>>) semaphore(%arg19 : memref<!tpu.dma_semaphore, #tpu.memory_space<semaphore_mem>>)
      } else {
      }
      %dma_wait3A_261 = arith.constant 1 : i32
      %dma_wait3A_262 = arith.constant 0 : i32
      %dma_wait3A_263 = arith.constant 1 : i32
      %dma_wait3A_264 = arith.constant 0 : i32
      %dma_wait3A_265 = arith.constant 0 : i32
      %dma_wait3A_266 = tpu.memref_slice %arg9[%dma_wait3A_263, %dma_wait3A_264, %dma_wait3A_265] : memref<2x125x128xf32, #tpu.memory_space<vmem>> -> memref<1x125x128xf32, #tpu.memory_space<vmem>>
      %dma_wait3A_267 = tpu.memref_squeeze %dma_wait3A_266 : memref<1x125x128xf32, #tpu.memory_space<vmem>> -> memref<125x128xf32, #tpu.memory_space<vmem>>
      %dma_wait3A_268 = arith.constant 0 : i32
      %dma_wait3A_269 = tpu.memref_slice %arg7[%dma_wait3A_261, %dma_wait3A_262, %dma_wait3A_268] : memref<4x1x125xi32, #tpu.memory_space<vmem>> -> memref<1x1x125xi32, #tpu.memory_space<vmem>>
      %dma_wait3A_270 = tpu.memref_squeeze %dma_wait3A_269 : memref<1x1x125xi32, #tpu.memory_space<vmem>> -> memref<125xi32, #tpu.memory_space<vmem>>
      %dma_wait3A_271 = arith.constant 0 : i32
      %dma_wait3A_272 = arith.constant 0 : i32
      %dma_wait3A_273 = tpu.memref_slice %arg2[%dma_wait3A_271, %dma_wait3A_272] : memref<90000x128xf32, #tpu.memory_space<hbm>> -> memref<90000x128xf32, #tpu.memory_space<hbm>>
      tpu.wait_indirect_dma semaphore(%arg20 : memref<!tpu.dma_semaphore, #tpu.memory_space<semaphore_mem>>) src(%dma_wait3A_273 : memref<90000x128xf32, #tpu.memory_space<hbm>>) dst(%dma_wait3A_267 : memref<125x128xf32, #tpu.memory_space<vmem>>)
      %dma_start3A_274 = arith.constant 1 : i32
      %dma_start3A_275 = arith.constant 1 : i32
      %dma_start3A_276 = arith.constant 0 : i32
      %dma_start3A_277 = arith.constant 0 : i32
      %dma_start3A_278 = arith.constant 0 : i32
      %dma_start3A_279 = tpu.memref_slice %arg9[%dma_start3A_274, %dma_start3A_277, %dma_start3A_278] : memref<2x125x128xf32, #tpu.memory_space<vmem>> -> memref<1x125x128xf32, #tpu.memory_space<vmem>>
      %dma_start3A_280 = tpu.memref_squeeze %dma_start3A_279 : memref<1x125x128xf32, #tpu.memory_space<vmem>> -> memref<125x128xf32, #tpu.memory_space<vmem>>
      %dma_start3A_281 = arith.constant 0 : i32
      %dma_start3A_282 = tpu.memref_slice %arg8[%dma_start3A_275, %dma_start3A_276, %dma_start3A_281] : memref<4x1x125xi32, #tpu.memory_space<vmem>> -> memref<1x1x125xi32, #tpu.memory_space<vmem>>
      %dma_start3A_283 = tpu.memref_squeeze %dma_start3A_282 : memref<1x1x125xi32, #tpu.memory_space<vmem>> -> memref<125xi32, #tpu.memory_space<vmem>>
      %dma_start3A_284 = arith.constant 0 : i32
      %dma_start3A_285 = arith.constant 0 : i32
      %dma_start3A_286 = tpu.memref_slice %arg10[%dma_start3A_284, %dma_start3A_285] : memref<10000x128xf32, #tpu.memory_space<vmem_shared>> -> memref<10000x128xf32, #tpu.memory_space<vmem_shared>>
      tpu.enqueue_indirect_dma source(%dma_start3A_280 : memref<125x128xf32, #tpu.memory_space<vmem>>) target(%dma_start3A_286 : memref<10000x128xf32, #tpu.memory_space<vmem_shared>>) offsets(%dma_start3A_283 : memref<125xi32, #tpu.memory_space<vmem>>) semaphore(%arg22 : memref<!tpu.dma_semaphore, #tpu.memory_space<semaphore_mem>>) {add = true}
      %mul3A_287 = arith.constant 4 : i32
      %mul3A_288 = arith.muli %scan3A_190, %mul3A_287 : i32
      %add3A_289 = arith.constant 2 : i32
      %add3A_290 = arith.addi %mul3A_288, %add3A_289 : i32
      %ge3A_291 = arith.constant 1 : i32
      %ge3A_292 = arith.cmpi sge, %add3A_290, %ge3A_291 : i32
      %convert_element_type3A_293 = arith.extui %ge3A_292 : i1 to i32
      %cond3A_294 = arith.constant 0 : i32
      %cond3A_295 = arith.cmpi ne, %convert_element_type3A_293, %cond3A_294 : i32
      scf.if %cond3A_295 {
        %dma_wait3A_385 = arith.constant 1 : i32
        %dma_wait3A_386 = arith.constant 1 : i32
        %dma_wait3A_387 = arith.constant 0 : i32
        %dma_wait3A_388 = arith.constant 0 : i32
        %dma_wait3A_389 = arith.constant 0 : i32
        %dma_wait3A_390 = tpu.memref_slice %arg9[%dma_wait3A_385, %dma_wait3A_388, %dma_wait3A_389] : memref<2x125x128xf32, #tpu.memory_space<vmem>> -> memref<1x125x128xf32, #tpu.memory_space<vmem>>
        %dma_wait3A_391 = tpu.memref_squeeze %dma_wait3A_390 : memref<1x125x128xf32, #tpu.memory_space<vmem>> -> memref<125x128xf32, #tpu.memory_space<vmem>>
        %dma_wait3A_392 = arith.constant 0 : i32
        %dma_wait3A_393 = tpu.memref_slice %arg8[%dma_wait3A_386, %dma_wait3A_387, %dma_wait3A_392] : memref<4x1x125xi32, #tpu.memory_space<vmem>> -> memref<1x1x125xi32, #tpu.memory_space<vmem>>
        %dma_wait3A_394 = tpu.memref_squeeze %dma_wait3A_393 : memref<1x1x125xi32, #tpu.memory_space<vmem>> -> memref<125xi32, #tpu.memory_space<vmem>>
        %dma_wait3A_395 = arith.constant 0 : i32
        %dma_wait3A_396 = arith.constant 0 : i32
        %dma_wait3A_397 = tpu.memref_slice %arg10[%dma_wait3A_395, %dma_wait3A_396] : memref<10000x128xf32, #tpu.memory_space<vmem_shared>> -> memref<10000x128xf32, #tpu.memory_space<vmem_shared>>
        tpu.wait_indirect_dma semaphore(%arg22 : memref<!tpu.dma_semaphore, #tpu.memory_space<semaphore_mem>>) src(%dma_wait3A_391 : memref<125x128xf32, #tpu.memory_space<vmem>>) dst(%dma_wait3A_397 : memref<10000x128xf32, #tpu.memory_space<vmem_shared>>)
      } else {
      }
      %add3A_296 = arith.constant 3 : i32
      %add3A_297 = arith.addi %add3A_290, %add3A_296 : i32
      %lt3A_298 = arith.constant 80 : i32
      %lt3A_299 = arith.cmpi slt, %add3A_297, %lt3A_298 : i32
      %convert_element_type3A_300 = arith.extui %lt3A_299 : i1 to i32
      %cond3A_301 = arith.constant 0 : i32
      %cond3A_302 = arith.cmpi ne, %convert_element_type3A_300, %cond3A_301 : i32
      scf.if %cond3A_302 {
        %add3A_385 = arith.constant 3 : i32
        %add3A_386 = arith.addi %add3A_290, %add3A_385 : i32
        %dma_start3A_387 = arith.constant 1 : i32
        %dma_start3A_388 = arith.constant 0 : i32
        %dma_start3A_389 = arith.constant 0 : i32
        %dma_start3A_390 = tpu.memref_slice %arg7[%dma_start3A_387, %dma_start3A_388, %dma_start3A_389] : memref<4x1x125xi32, #tpu.memory_space<vmem>> -> memref<1x1x125xi32, #tpu.memory_space<vmem>>
        %dma_start3A_391 = tpu.memref_squeeze %dma_start3A_390 : memref<1x1x125xi32, #tpu.memory_space<vmem>> -> memref<1x125xi32, #tpu.memory_space<vmem>>
        %dma_start3A_392 = arith.constant 0 : i32
        %dma_start3A_393 = arith.constant 0 : i32
        %dma_start3A_394 = tpu.memref_slice %arg3[%add3A, %add3A_386, %dma_start3A_392, %dma_start3A_393] : memref<32x80x1x125xi32, #tpu.memory_space<hbm>> -> memref<1x1x1x125xi32, #tpu.memory_space<hbm>>
        %dma_start3A_395 = tpu.memref_squeeze %dma_start3A_394 : memref<1x1x1x125xi32, #tpu.memory_space<hbm>> -> memref<1x125xi32, #tpu.memory_space<hbm>>
        %dma_start3A_396 = arith.constant 0 : i32
        %dma_start3A_397 = arith.constant 0 : i32
        %dma_start3A_398 = tpu.memref_slice %arg7[%dma_start3A_387, %dma_start3A_396, %dma_start3A_397] : memref<4x1x125xi32, #tpu.memory_space<vmem>> -> memref<1x1x125xi32, #tpu.memory_space<vmem>>
        %dma_start3A_399 = tpu.memref_squeeze %dma_start3A_398 : memref<1x1x125xi32, #tpu.memory_space<vmem>> -> memref<1x125xi32, #tpu.memory_space<vmem>>
        %dma_start3A_400 = arith.constant 0 : i32
        %dma_start3A_401 = arith.constant 0 : i32
        %dma_start3A_402 = tpu.memref_slice %arg3[%add3A, %add3A_386, %dma_start3A_400, %dma_start3A_401] : memref<32x80x1x125xi32, #tpu.memory_space<hbm>> -> memref<1x1x1x125xi32, #tpu.memory_space<hbm>>
        %dma_start3A_403 = tpu.memref_squeeze %dma_start3A_402 : memref<1x1x1x125xi32, #tpu.memory_space<hbm>> -> memref<1x125xi32, #tpu.memory_space<hbm>>
        tpu.enqueue_dma source(%dma_start3A_403 : memref<1x125xi32, #tpu.memory_space<hbm>>) target(%dma_start3A_399 : memref<1x125xi32, #tpu.memory_space<vmem>>) target_semaphore(%arg12 : memref<!tpu.dma_semaphore, #tpu.memory_space<semaphore_mem>>)
        %dma_start3A_404 = arith.constant 1 : i32
        %dma_start3A_405 = arith.constant 0 : i32
        %dma_start3A_406 = arith.constant 0 : i32
        %dma_start3A_407 = tpu.memref_slice %arg8[%dma_start3A_404, %dma_start3A_405, %dma_start3A_406] : memref<4x1x125xi32, #tpu.memory_space<vmem>> -> memref<1x1x125xi32, #tpu.memory_space<vmem>>
        %dma_start3A_408 = tpu.memref_squeeze %dma_start3A_407 : memref<1x1x125xi32, #tpu.memory_space<vmem>> -> memref<1x125xi32, #tpu.memory_space<vmem>>
        %dma_start3A_409 = arith.constant 0 : i32
        %dma_start3A_410 = arith.constant 0 : i32
        %dma_start3A_411 = tpu.memref_slice %arg4[%add3A, %add3A_386, %dma_start3A_409, %dma_start3A_410] : memref<32x80x1x125xi32, #tpu.memory_space<hbm>> -> memref<1x1x1x125xi32, #tpu.memory_space<hbm>>
        %dma_start3A_412 = tpu.memref_squeeze %dma_start3A_411 : memref<1x1x1x125xi32, #tpu.memory_space<hbm>> -> memref<1x125xi32, #tpu.memory_space<hbm>>
        %dma_start3A_413 = arith.constant 0 : i32
        %dma_start3A_414 = arith.constant 0 : i32
        %dma_start3A_415 = tpu.memref_slice %arg8[%dma_start3A_404, %dma_start3A_413, %dma_start3A_414] : memref<4x1x125xi32, #tpu.memory_space<vmem>> -> memref<1x1x125xi32, #tpu.memory_space<vmem>>
        %dma_start3A_416 = tpu.memref_squeeze %dma_start3A_415 : memref<1x1x125xi32, #tpu.memory_space<vmem>> -> memref<1x125xi32, #tpu.memory_space<vmem>>
        %dma_start3A_417 = arith.constant 0 : i32
        %dma_start3A_418 = arith.constant 0 : i32
        %dma_start3A_419 = tpu.memref_slice %arg4[%add3A, %add3A_386, %dma_start3A_417, %dma_start3A_418] : memref<32x80x1x125xi32, #tpu.memory_space<hbm>> -> memref<1x1x1x125xi32, #tpu.memory_space<hbm>>
        %dma_start3A_420 = tpu.memref_squeeze %dma_start3A_419 : memref<1x1x1x125xi32, #tpu.memory_space<hbm>> -> memref<1x125xi32, #tpu.memory_space<hbm>>
        tpu.enqueue_dma source(%dma_start3A_420 : memref<1x125xi32, #tpu.memory_space<hbm>>) target(%dma_start3A_416 : memref<1x125xi32, #tpu.memory_space<vmem>>) target_semaphore(%arg16 : memref<!tpu.dma_semaphore, #tpu.memory_space<semaphore_mem>>)
      } else {
      }
      %add3A_303 = arith.constant 1 : i32
      %add3A_304 = arith.addi %add3A_290, %add3A_303 : i32
      %lt3A_305 = arith.constant 80 : i32
      %lt3A_306 = arith.cmpi slt, %add3A_304, %lt3A_305 : i32
      %convert_element_type3A_307 = arith.extui %lt3A_306 : i1 to i32
      %cond3A_308 = arith.constant 0 : i32
      %cond3A_309 = arith.cmpi ne, %convert_element_type3A_307, %cond3A_308 : i32
      scf.if %cond3A_309 {
        %add3A_385 = arith.constant 1 : i32
        %add3A_386 = arith.addi %add3A_290, %add3A_385 : i32
        %dma_wait3A_387 = arith.constant 3 : i32
        %dma_wait3A_388 = arith.constant 0 : i32
        %dma_wait3A_389 = arith.constant 0 : i32
        %dma_wait3A_390 = tpu.memref_slice %arg7[%dma_wait3A_387, %dma_wait3A_388, %dma_wait3A_389] : memref<4x1x125xi32, #tpu.memory_space<vmem>> -> memref<1x1x125xi32, #tpu.memory_space<vmem>>
        %dma_wait3A_391 = tpu.memref_squeeze %dma_wait3A_390 : memref<1x1x125xi32, #tpu.memory_space<vmem>> -> memref<1x125xi32, #tpu.memory_space<vmem>>
        %dma_wait3A_392 = arith.constant 0 : i32
        %dma_wait3A_393 = arith.constant 0 : i32
        %dma_wait3A_394 = tpu.memref_slice %arg3[%add3A, %add3A_386, %dma_wait3A_392, %dma_wait3A_393] : memref<32x80x1x125xi32, #tpu.memory_space<hbm>> -> memref<1x1x1x125xi32, #tpu.memory_space<hbm>>
        %dma_wait3A_395 = tpu.memref_squeeze %dma_wait3A_394 : memref<1x1x1x125xi32, #tpu.memory_space<hbm>> -> memref<1x125xi32, #tpu.memory_space<hbm>>
        %dma_wait3A_396 = arith.constant 0 : i32
        %dma_wait3A_397 = arith.constant 0 : i32
        %dma_wait3A_398 = tpu.memref_slice %arg7[%dma_wait3A_387, %dma_wait3A_396, %dma_wait3A_397] : memref<4x1x125xi32, #tpu.memory_space<vmem>> -> memref<1x1x125xi32, #tpu.memory_space<vmem>>
        %dma_wait3A_399 = tpu.memref_squeeze %dma_wait3A_398 : memref<1x1x125xi32, #tpu.memory_space<vmem>> -> memref<1x125xi32, #tpu.memory_space<vmem>>
        %dma_wait3A_400 = arith.constant 0 : i32
        %dma_wait3A_401 = arith.constant 0 : i32
        %dma_wait3A_402 = tpu.memref_slice %arg3[%add3A, %add3A_386, %dma_wait3A_400, %dma_wait3A_401] : memref<32x80x1x125xi32, #tpu.memory_space<hbm>> -> memref<1x1x1x125xi32, #tpu.memory_space<hbm>>
        %dma_wait3A_403 = tpu.memref_squeeze %dma_wait3A_402 : memref<1x1x1x125xi32, #tpu.memory_space<hbm>> -> memref<1x125xi32, #tpu.memory_space<hbm>>
        tpu.wait_dma2 semaphore(%arg14 : memref<!tpu.dma_semaphore, #tpu.memory_space<semaphore_mem>>) src(%dma_wait3A_403 : memref<1x125xi32, #tpu.memory_space<hbm>>) dst(%dma_wait3A_399 : memref<1x125xi32, #tpu.memory_space<vmem>>)
        %dma_wait3A_404 = arith.constant 3 : i32
        %dma_wait3A_405 = arith.constant 0 : i32
        %dma_wait3A_406 = arith.constant 0 : i32
        %dma_wait3A_407 = tpu.memref_slice %arg8[%dma_wait3A_404, %dma_wait3A_405, %dma_wait3A_406] : memref<4x1x125xi32, #tpu.memory_space<vmem>> -> memref<1x1x125xi32, #tpu.memory_space<vmem>>
        %dma_wait3A_408 = tpu.memref_squeeze %dma_wait3A_407 : memref<1x1x125xi32, #tpu.memory_space<vmem>> -> memref<1x125xi32, #tpu.memory_space<vmem>>
        %dma_wait3A_409 = arith.constant 0 : i32
        %dma_wait3A_410 = arith.constant 0 : i32
        %dma_wait3A_411 = tpu.memref_slice %arg4[%add3A, %add3A_386, %dma_wait3A_409, %dma_wait3A_410] : memref<32x80x1x125xi32, #tpu.memory_space<hbm>> -> memref<1x1x1x125xi32, #tpu.memory_space<hbm>>
        %dma_wait3A_412 = tpu.memref_squeeze %dma_wait3A_411 : memref<1x1x1x125xi32, #tpu.memory_space<hbm>> -> memref<1x125xi32, #tpu.memory_space<hbm>>
        %dma_wait3A_413 = arith.constant 0 : i32
        %dma_wait3A_414 = arith.constant 0 : i32
        %dma_wait3A_415 = tpu.memref_slice %arg8[%dma_wait3A_404, %dma_wait3A_413, %dma_wait3A_414] : memref<4x1x125xi32, #tpu.memory_space<vmem>> -> memref<1x1x125xi32, #tpu.memory_space<vmem>>
        %dma_wait3A_416 = tpu.memref_squeeze %dma_wait3A_415 : memref<1x1x125xi32, #tpu.memory_space<vmem>> -> memref<1x125xi32, #tpu.memory_space<vmem>>
        %dma_wait3A_417 = arith.constant 0 : i32
        %dma_wait3A_418 = arith.constant 0 : i32
        %dma_wait3A_419 = tpu.memref_slice %arg4[%add3A, %add3A_386, %dma_wait3A_417, %dma_wait3A_418] : memref<32x80x1x125xi32, #tpu.memory_space<hbm>> -> memref<1x1x1x125xi32, #tpu.memory_space<hbm>>
        %dma_wait3A_420 = tpu.memref_squeeze %dma_wait3A_419 : memref<1x1x1x125xi32, #tpu.memory_space<hbm>> -> memref<1x125xi32, #tpu.memory_space<hbm>>
        tpu.wait_dma2 semaphore(%arg18 : memref<!tpu.dma_semaphore, #tpu.memory_space<semaphore_mem>>) src(%dma_wait3A_420 : memref<1x125xi32, #tpu.memory_space<hbm>>) dst(%dma_wait3A_416 : memref<1x125xi32, #tpu.memory_space<vmem>>)
        %dma_start3A_421 = arith.constant 3 : i32
        %dma_start3A_422 = arith.constant 0 : i32
        %dma_start3A_423 = arith.constant 1 : i32
        %dma_start3A_424 = arith.constant 0 : i32
        %dma_start3A_425 = arith.constant 0 : i32
        %dma_start3A_426 = tpu.memref_slice %arg9[%dma_start3A_423, %dma_start3A_424, %dma_start3A_425] : memref<2x125x128xf32, #tpu.memory_space<vmem>> -> memref<1x125x128xf32, #tpu.memory_space<vmem>>
        %dma_start3A_427 = tpu.memref_squeeze %dma_start3A_426 : memref<1x125x128xf32, #tpu.memory_space<vmem>> -> memref<125x128xf32, #tpu.memory_space<vmem>>
        %dma_start3A_428 = arith.constant 0 : i32
        %dma_start3A_429 = tpu.memref_slice %arg7[%dma_start3A_421, %dma_start3A_422, %dma_start3A_428] : memref<4x1x125xi32, #tpu.memory_space<vmem>> -> memref<1x1x125xi32, #tpu.memory_space<vmem>>
        %dma_start3A_430 = tpu.memref_squeeze %dma_start3A_429 : memref<1x1x125xi32, #tpu.memory_space<vmem>> -> memref<125xi32, #tpu.memory_space<vmem>>
        %dma_start3A_431 = arith.constant 0 : i32
        %dma_start3A_432 = arith.constant 0 : i32
        %dma_start3A_433 = tpu.memref_slice %arg2[%dma_start3A_431, %dma_start3A_432] : memref<90000x128xf32, #tpu.memory_space<hbm>> -> memref<90000x128xf32, #tpu.memory_space<hbm>>
        tpu.enqueue_indirect_dma source(%dma_start3A_433 : memref<90000x128xf32, #tpu.memory_space<hbm>>) target(%dma_start3A_427 : memref<125x128xf32, #tpu.memory_space<vmem>>) offsets(%dma_start3A_430 : memref<125xi32, #tpu.memory_space<vmem>>) semaphore(%arg20 : memref<!tpu.dma_semaphore, #tpu.memory_space<semaphore_mem>>)
      } else {
      }
      %dma_wait3A_310 = arith.constant 2 : i32
      %dma_wait3A_311 = arith.constant 0 : i32
      %dma_wait3A_312 = arith.constant 0 : i32
      %dma_wait3A_313 = arith.constant 0 : i32
      %dma_wait3A_314 = arith.constant 0 : i32
      %dma_wait3A_315 = tpu.memref_slice %arg9[%dma_wait3A_312, %dma_wait3A_313, %dma_wait3A_314] : memref<2x125x128xf32, #tpu.memory_space<vmem>> -> memref<1x125x128xf32, #tpu.memory_space<vmem>>
      %dma_wait3A_316 = tpu.memref_squeeze %dma_wait3A_315 : memref<1x125x128xf32, #tpu.memory_space<vmem>> -> memref<125x128xf32, #tpu.memory_space<vmem>>
      %dma_wait3A_317 = arith.constant 0 : i32
      %dma_wait3A_318 = tpu.memref_slice %arg7[%dma_wait3A_310, %dma_wait3A_311, %dma_wait3A_317] : memref<4x1x125xi32, #tpu.memory_space<vmem>> -> memref<1x1x125xi32, #tpu.memory_space<vmem>>
      %dma_wait3A_319 = tpu.memref_squeeze %dma_wait3A_318 : memref<1x1x125xi32, #tpu.memory_space<vmem>> -> memref<125xi32, #tpu.memory_space<vmem>>
      %dma_wait3A_320 = arith.constant 0 : i32
      %dma_wait3A_321 = arith.constant 0 : i32
      %dma_wait3A_322 = tpu.memref_slice %arg2[%dma_wait3A_320, %dma_wait3A_321] : memref<90000x128xf32, #tpu.memory_space<hbm>> -> memref<90000x128xf32, #tpu.memory_space<hbm>>
      tpu.wait_indirect_dma semaphore(%arg19 : memref<!tpu.dma_semaphore, #tpu.memory_space<semaphore_mem>>) src(%dma_wait3A_322 : memref<90000x128xf32, #tpu.memory_space<hbm>>) dst(%dma_wait3A_316 : memref<125x128xf32, #tpu.memory_space<vmem>>)
      %dma_start3A_323 = arith.constant 0 : i32
      %dma_start3A_324 = arith.constant 2 : i32
      %dma_start3A_325 = arith.constant 0 : i32
      %dma_start3A_326 = arith.constant 0 : i32
      %dma_start3A_327 = arith.constant 0 : i32
      %dma_start3A_328 = tpu.memref_slice %arg9[%dma_start3A_323, %dma_start3A_326, %dma_start3A_327] : memref<2x125x128xf32, #tpu.memory_space<vmem>> -> memref<1x125x128xf32, #tpu.memory_space<vmem>>
      %dma_start3A_329 = tpu.memref_squeeze %dma_start3A_328 : memref<1x125x128xf32, #tpu.memory_space<vmem>> -> memref<125x128xf32, #tpu.memory_space<vmem>>
      %dma_start3A_330 = arith.constant 0 : i32
      %dma_start3A_331 = tpu.memref_slice %arg8[%dma_start3A_324, %dma_start3A_325, %dma_start3A_330] : memref<4x1x125xi32, #tpu.memory_space<vmem>> -> memref<1x1x125xi32, #tpu.memory_space<vmem>>
      %dma_start3A_332 = tpu.memref_squeeze %dma_start3A_331 : memref<1x1x125xi32, #tpu.memory_space<vmem>> -> memref<125xi32, #tpu.memory_space<vmem>>
      %dma_start3A_333 = arith.constant 0 : i32
      %dma_start3A_334 = arith.constant 0 : i32
      %dma_start3A_335 = tpu.memref_slice %arg10[%dma_start3A_333, %dma_start3A_334] : memref<10000x128xf32, #tpu.memory_space<vmem_shared>> -> memref<10000x128xf32, #tpu.memory_space<vmem_shared>>
      tpu.enqueue_indirect_dma source(%dma_start3A_329 : memref<125x128xf32, #tpu.memory_space<vmem>>) target(%dma_start3A_335 : memref<10000x128xf32, #tpu.memory_space<vmem_shared>>) offsets(%dma_start3A_332 : memref<125xi32, #tpu.memory_space<vmem>>) semaphore(%arg21 : memref<!tpu.dma_semaphore, #tpu.memory_space<semaphore_mem>>) {add = true}
      %mul3A_336 = arith.constant 4 : i32
      %mul3A_337 = arith.muli %scan3A_190, %mul3A_336 : i32
      %add3A_338 = arith.constant 3 : i32
      %add3A_339 = arith.addi %mul3A_337, %add3A_338 : i32
      %ge3A_340 = arith.constant 1 : i32
      %ge3A_341 = arith.cmpi sge, %add3A_339, %ge3A_340 : i32
      %convert_element_type3A_342 = arith.extui %ge3A_341 : i1 to i32
      %cond3A_343 = arith.constant 0 : i32
      %cond3A_344 = arith.cmpi ne, %convert_element_type3A_342, %cond3A_343 : i32
      scf.if %cond3A_344 {
        %dma_wait3A_385 = arith.constant 0 : i32
        %dma_wait3A_386 = arith.constant 2 : i32
        %dma_wait3A_387 = arith.constant 0 : i32
        %dma_wait3A_388 = arith.constant 0 : i32
        %dma_wait3A_389 = arith.constant 0 : i32
        %dma_wait3A_390 = tpu.memref_slice %arg9[%dma_wait3A_385, %dma_wait3A_388, %dma_wait3A_389] : memref<2x125x128xf32, #tpu.memory_space<vmem>> -> memref<1x125x128xf32, #tpu.memory_space<vmem>>
        %dma_wait3A_391 = tpu.memref_squeeze %dma_wait3A_390 : memref<1x125x128xf32, #tpu.memory_space<vmem>> -> memref<125x128xf32, #tpu.memory_space<vmem>>
        %dma_wait3A_392 = arith.constant 0 : i32
        %dma_wait3A_393 = tpu.memref_slice %arg8[%dma_wait3A_386, %dma_wait3A_387, %dma_wait3A_392] : memref<4x1x125xi32, #tpu.memory_space<vmem>> -> memref<1x1x125xi32, #tpu.memory_space<vmem>>
        %dma_wait3A_394 = tpu.memref_squeeze %dma_wait3A_393 : memref<1x1x125xi32, #tpu.memory_space<vmem>> -> memref<125xi32, #tpu.memory_space<vmem>>
        %dma_wait3A_395 = arith.constant 0 : i32
        %dma_wait3A_396 = arith.constant 0 : i32
        %dma_wait3A_397 = tpu.memref_slice %arg10[%dma_wait3A_395, %dma_wait3A_396] : memref<10000x128xf32, #tpu.memory_space<vmem_shared>> -> memref<10000x128xf32, #tpu.memory_space<vmem_shared>>
        tpu.wait_indirect_dma semaphore(%arg21 : memref<!tpu.dma_semaphore, #tpu.memory_space<semaphore_mem>>) src(%dma_wait3A_391 : memref<125x128xf32, #tpu.memory_space<vmem>>) dst(%dma_wait3A_397 : memref<10000x128xf32, #tpu.memory_space<vmem_shared>>)
      } else {
      }
      %add3A_345 = arith.constant 3 : i32
      %add3A_346 = arith.addi %add3A_339, %add3A_345 : i32
      %lt3A_347 = arith.constant 80 : i32
      %lt3A_348 = arith.cmpi slt, %add3A_346, %lt3A_347 : i32
      %convert_element_type3A_349 = arith.extui %lt3A_348 : i1 to i32
      %cond3A_350 = arith.constant 0 : i32
      %cond3A_351 = arith.cmpi ne, %convert_element_type3A_349, %cond3A_350 : i32
      scf.if %cond3A_351 {
        %add3A_385 = arith.constant 3 : i32
        %add3A_386 = arith.addi %add3A_339, %add3A_385 : i32
        %dma_start3A_387 = arith.constant 2 : i32
        %dma_start3A_388 = arith.constant 0 : i32
        %dma_start3A_389 = arith.constant 0 : i32
        %dma_start3A_390 = tpu.memref_slice %arg7[%dma_start3A_387, %dma_start3A_388, %dma_start3A_389] : memref<4x1x125xi32, #tpu.memory_space<vmem>> -> memref<1x1x125xi32, #tpu.memory_space<vmem>>
        %dma_start3A_391 = tpu.memref_squeeze %dma_start3A_390 : memref<1x1x125xi32, #tpu.memory_space<vmem>> -> memref<1x125xi32, #tpu.memory_space<vmem>>
        %dma_start3A_392 = arith.constant 0 : i32
        %dma_start3A_393 = arith.constant 0 : i32
        %dma_start3A_394 = tpu.memref_slice %arg3[%add3A, %add3A_386, %dma_start3A_392, %dma_start3A_393] : memref<32x80x1x125xi32, #tpu.memory_space<hbm>> -> memref<1x1x1x125xi32, #tpu.memory_space<hbm>>
        %dma_start3A_395 = tpu.memref_squeeze %dma_start3A_394 : memref<1x1x1x125xi32, #tpu.memory_space<hbm>> -> memref<1x125xi32, #tpu.memory_space<hbm>>
        %dma_start3A_396 = arith.constant 0 : i32
        %dma_start3A_397 = arith.constant 0 : i32
        %dma_start3A_398 = tpu.memref_slice %arg7[%dma_start3A_387, %dma_start3A_396, %dma_start3A_397] : memref<4x1x125xi32, #tpu.memory_space<vmem>> -> memref<1x1x125xi32, #tpu.memory_space<vmem>>
        %dma_start3A_399 = tpu.memref_squeeze %dma_start3A_398 : memref<1x1x125xi32, #tpu.memory_space<vmem>> -> memref<1x125xi32, #tpu.memory_space<vmem>>
        %dma_start3A_400 = arith.constant 0 : i32
        %dma_start3A_401 = arith.constant 0 : i32
        %dma_start3A_402 = tpu.memref_slice %arg3[%add3A, %add3A_386, %dma_start3A_400, %dma_start3A_401] : memref<32x80x1x125xi32, #tpu.memory_space<hbm>> -> memref<1x1x1x125xi32, #tpu.memory_space<hbm>>
        %dma_start3A_403 = tpu.memref_squeeze %dma_start3A_402 : memref<1x1x1x125xi32, #tpu.memory_space<hbm>> -> memref<1x125xi32, #tpu.memory_space<hbm>>
        tpu.enqueue_dma source(%dma_start3A_403 : memref<1x125xi32, #tpu.memory_space<hbm>>) target(%dma_start3A_399 : memref<1x125xi32, #tpu.memory_space<vmem>>) target_semaphore(%arg13 : memref<!tpu.dma_semaphore, #tpu.memory_space<semaphore_mem>>)
        %dma_start3A_404 = arith.constant 2 : i32
        %dma_start3A_405 = arith.constant 0 : i32
        %dma_start3A_406 = arith.constant 0 : i32
        %dma_start3A_407 = tpu.memref_slice %arg8[%dma_start3A_404, %dma_start3A_405, %dma_start3A_406] : memref<4x1x125xi32, #tpu.memory_space<vmem>> -> memref<1x1x125xi32, #tpu.memory_space<vmem>>
        %dma_start3A_408 = tpu.memref_squeeze %dma_start3A_407 : memref<1x1x125xi32, #tpu.memory_space<vmem>> -> memref<1x125xi32, #tpu.memory_space<vmem>>
        %dma_start3A_409 = arith.constant 0 : i32
        %dma_start3A_410 = arith.constant 0 : i32
        %dma_start3A_411 = tpu.memref_slice %arg4[%add3A, %add3A_386, %dma_start3A_409, %dma_start3A_410] : memref<32x80x1x125xi32, #tpu.memory_space<hbm>> -> memref<1x1x1x125xi32, #tpu.memory_space<hbm>>
        %dma_start3A_412 = tpu.memref_squeeze %dma_start3A_411 : memref<1x1x1x125xi32, #tpu.memory_space<hbm>> -> memref<1x125xi32, #tpu.memory_space<hbm>>
        %dma_start3A_413 = arith.constant 0 : i32
        %dma_start3A_414 = arith.constant 0 : i32
        %dma_start3A_415 = tpu.memref_slice %arg8[%dma_start3A_404, %dma_start3A_413, %dma_start3A_414] : memref<4x1x125xi32, #tpu.memory_space<vmem>> -> memref<1x1x125xi32, #tpu.memory_space<vmem>>
        %dma_start3A_416 = tpu.memref_squeeze %dma_start3A_415 : memref<1x1x125xi32, #tpu.memory_space<vmem>> -> memref<1x125xi32, #tpu.memory_space<vmem>>
        %dma_start3A_417 = arith.constant 0 : i32
        %dma_start3A_418 = arith.constant 0 : i32
        %dma_start3A_419 = tpu.memref_slice %arg4[%add3A, %add3A_386, %dma_start3A_417, %dma_start3A_418] : memref<32x80x1x125xi32, #tpu.memory_space<hbm>> -> memref<1x1x1x125xi32, #tpu.memory_space<hbm>>
        %dma_start3A_420 = tpu.memref_squeeze %dma_start3A_419 : memref<1x1x1x125xi32, #tpu.memory_space<hbm>> -> memref<1x125xi32, #tpu.memory_space<hbm>>
        tpu.enqueue_dma source(%dma_start3A_420 : memref<1x125xi32, #tpu.memory_space<hbm>>) target(%dma_start3A_416 : memref<1x125xi32, #tpu.memory_space<vmem>>) target_semaphore(%arg17 : memref<!tpu.dma_semaphore, #tpu.memory_space<semaphore_mem>>)
      } else {
      }
      %add3A_352 = arith.constant 1 : i32
      %add3A_353 = arith.addi %add3A_339, %add3A_352 : i32
      %lt3A_354 = arith.constant 80 : i32
      %lt3A_355 = arith.cmpi slt, %add3A_353, %lt3A_354 : i32
      %convert_element_type3A_356 = arith.extui %lt3A_355 : i1 to i32
      %cond3A_357 = arith.constant 0 : i32
      %cond3A_358 = arith.cmpi ne, %convert_element_type3A_356, %cond3A_357 : i32
      scf.if %cond3A_358 {
        %add3A_385 = arith.constant 1 : i32
        %add3A_386 = arith.addi %add3A_339, %add3A_385 : i32
        %dma_wait3A_387 = arith.constant 0 : i32
        %dma_wait3A_388 = arith.constant 0 : i32
        %dma_wait3A_389 = arith.constant 0 : i32
        %dma_wait3A_390 = tpu.memref_slice %arg7[%dma_wait3A_387, %dma_wait3A_388, %dma_wait3A_389] : memref<4x1x125xi32, #tpu.memory_space<vmem>> -> memref<1x1x125xi32, #tpu.memory_space<vmem>>
        %dma_wait3A_391 = tpu.memref_squeeze %dma_wait3A_390 : memref<1x1x125xi32, #tpu.memory_space<vmem>> -> memref<1x125xi32, #tpu.memory_space<vmem>>
        %dma_wait3A_392 = arith.constant 0 : i32
        %dma_wait3A_393 = arith.constant 0 : i32
        %dma_wait3A_394 = tpu.memref_slice %arg3[%add3A, %add3A_386, %dma_wait3A_392, %dma_wait3A_393] : memref<32x80x1x125xi32, #tpu.memory_space<hbm>> -> memref<1x1x1x125xi32, #tpu.memory_space<hbm>>
        %dma_wait3A_395 = tpu.memref_squeeze %dma_wait3A_394 : memref<1x1x1x125xi32, #tpu.memory_space<hbm>> -> memref<1x125xi32, #tpu.memory_space<hbm>>
        %dma_wait3A_396 = arith.constant 0 : i32
        %dma_wait3A_397 = arith.constant 0 : i32
        %dma_wait3A_398 = tpu.memref_slice %arg7[%dma_wait3A_387, %dma_wait3A_396, %dma_wait3A_397] : memref<4x1x125xi32, #tpu.memory_space<vmem>> -> memref<1x1x125xi32, #tpu.memory_space<vmem>>
        %dma_wait3A_399 = tpu.memref_squeeze %dma_wait3A_398 : memref<1x1x125xi32, #tpu.memory_space<vmem>> -> memref<1x125xi32, #tpu.memory_space<vmem>>
        %dma_wait3A_400 = arith.constant 0 : i32
        %dma_wait3A_401 = arith.constant 0 : i32
        %dma_wait3A_402 = tpu.memref_slice %arg3[%add3A, %add3A_386, %dma_wait3A_400, %dma_wait3A_401] : memref<32x80x1x125xi32, #tpu.memory_space<hbm>> -> memref<1x1x1x125xi32, #tpu.memory_space<hbm>>
        %dma_wait3A_403 = tpu.memref_squeeze %dma_wait3A_402 : memref<1x1x1x125xi32, #tpu.memory_space<hbm>> -> memref<1x125xi32, #tpu.memory_space<hbm>>
        tpu.wait_dma2 semaphore(%arg11 : memref<!tpu.dma_semaphore, #tpu.memory_space<semaphore_mem>>) src(%dma_wait3A_403 : memref<1x125xi32, #tpu.memory_space<hbm>>) dst(%dma_wait3A_399 : memref<1x125xi32, #tpu.memory_space<vmem>>)
        %dma_wait3A_404 = arith.constant 0 : i32
        %dma_wait3A_405 = arith.constant 0 : i32
        %dma_wait3A_406 = arith.constant 0 : i32
        %dma_wait3A_407 = tpu.memref_slice %arg8[%dma_wait3A_404, %dma_wait3A_405, %dma_wait3A_406] : memref<4x1x125xi32, #tpu.memory_space<vmem>> -> memref<1x1x125xi32, #tpu.memory_space<vmem>>
        %dma_wait3A_408 = tpu.memref_squeeze %dma_wait3A_407 : memref<1x1x125xi32, #tpu.memory_space<vmem>> -> memref<1x125xi32, #tpu.memory_space<vmem>>
        %dma_wait3A_409 = arith.constant 0 : i32
        %dma_wait3A_410 = arith.constant 0 : i32
        %dma_wait3A_411 = tpu.memref_slice %arg4[%add3A, %add3A_386, %dma_wait3A_409, %dma_wait3A_410] : memref<32x80x1x125xi32, #tpu.memory_space<hbm>> -> memref<1x1x1x125xi32, #tpu.memory_space<hbm>>
        %dma_wait3A_412 = tpu.memref_squeeze %dma_wait3A_411 : memref<1x1x1x125xi32, #tpu.memory_space<hbm>> -> memref<1x125xi32, #tpu.memory_space<hbm>>
        %dma_wait3A_413 = arith.constant 0 : i32
        %dma_wait3A_414 = arith.constant 0 : i32
        %dma_wait3A_415 = tpu.memref_slice %arg8[%dma_wait3A_404, %dma_wait3A_413, %dma_wait3A_414] : memref<4x1x125xi32, #tpu.memory_space<vmem>> -> memref<1x1x125xi32, #tpu.memory_space<vmem>>
        %dma_wait3A_416 = tpu.memref_squeeze %dma_wait3A_415 : memref<1x1x125xi32, #tpu.memory_space<vmem>> -> memref<1x125xi32, #tpu.memory_space<vmem>>
        %dma_wait3A_417 = arith.constant 0 : i32
        %dma_wait3A_418 = arith.constant 0 : i32
        %dma_wait3A_419 = tpu.memref_slice %arg4[%add3A, %add3A_386, %dma_wait3A_417, %dma_wait3A_418] : memref<32x80x1x125xi32, #tpu.memory_space<hbm>> -> memref<1x1x1x125xi32, #tpu.memory_space<hbm>>
        %dma_wait3A_420 = tpu.memref_squeeze %dma_wait3A_419 : memref<1x1x1x125xi32, #tpu.memory_space<hbm>> -> memref<1x125xi32, #tpu.memory_space<hbm>>
        tpu.wait_dma2 semaphore(%arg15 : memref<!tpu.dma_semaphore, #tpu.memory_space<semaphore_mem>>) src(%dma_wait3A_420 : memref<1x125xi32, #tpu.memory_space<hbm>>) dst(%dma_wait3A_416 : memref<1x125xi32, #tpu.memory_space<vmem>>)
        %dma_start3A_421 = arith.constant 0 : i32
        %dma_start3A_422 = arith.constant 0 : i32
        %dma_start3A_423 = arith.constant 0 : i32
        %dma_start3A_424 = arith.constant 0 : i32
        %dma_start3A_425 = arith.constant 0 : i32
        %dma_start3A_426 = tpu.memref_slice %arg9[%dma_start3A_423, %dma_start3A_424, %dma_start3A_425] : memref<2x125x128xf32, #tpu.memory_space<vmem>> -> memref<1x125x128xf32, #tpu.memory_space<vmem>>
        %dma_start3A_427 = tpu.memref_squeeze %dma_start3A_426 : memref<1x125x128xf32, #tpu.memory_space<vmem>> -> memref<125x128xf32, #tpu.memory_space<vmem>>
        %dma_start3A_428 = arith.constant 0 : i32
        %dma_start3A_429 = tpu.memref_slice %arg7[%dma_start3A_421, %dma_start3A_422, %dma_start3A_428] : memref<4x1x125xi32, #tpu.memory_space<vmem>> -> memref<1x1x125xi32, #tpu.memory_space<vmem>>
        %dma_start3A_430 = tpu.memref_squeeze %dma_start3A_429 : memref<1x1x125xi32, #tpu.memory_space<vmem>> -> memref<125xi32, #tpu.memory_space<vmem>>
        %dma_start3A_431 = arith.constant 0 : i32
        %dma_start3A_432 = arith.constant 0 : i32
        %dma_start3A_433 = tpu.memref_slice %arg2[%dma_start3A_431, %dma_start3A_432] : memref<90000x128xf32, #tpu.memory_space<hbm>> -> memref<90000x128xf32, #tpu.memory_space<hbm>>
        tpu.enqueue_indirect_dma source(%dma_start3A_433 : memref<90000x128xf32, #tpu.memory_space<hbm>>) target(%dma_start3A_427 : memref<125x128xf32, #tpu.memory_space<vmem>>) offsets(%dma_start3A_430 : memref<125xi32, #tpu.memory_space<vmem>>) semaphore(%arg19 : memref<!tpu.dma_semaphore, #tpu.memory_space<semaphore_mem>>)
      } else {
      }
      %dma_wait3A_359 = arith.constant 3 : i32
      %dma_wait3A_360 = arith.constant 0 : i32
      %dma_wait3A_361 = arith.constant 1 : i32
      %dma_wait3A_362 = arith.constant 0 : i32
      %dma_wait3A_363 = arith.constant 0 : i32
      %dma_wait3A_364 = tpu.memref_slice %arg9[%dma_wait3A_361, %dma_wait3A_362, %dma_wait3A_363] : memref<2x125x128xf32, #tpu.memory_space<vmem>> -> memref<1x125x128xf32, #tpu.memory_space<vmem>>
      %dma_wait3A_365 = tpu.memref_squeeze %dma_wait3A_364 : memref<1x125x128xf32, #tpu.memory_space<vmem>> -> memref<125x128xf32, #tpu.memory_space<vmem>>
      %dma_wait3A_366 = arith.constant 0 : i32
      %dma_wait3A_367 = tpu.memref_slice %arg7[%dma_wait3A_359, %dma_wait3A_360, %dma_wait3A_366] : memref<4x1x125xi32, #tpu.memory_space<vmem>> -> memref<1x1x125xi32, #tpu.memory_space<vmem>>
      %dma_wait3A_368 = tpu.memref_squeeze %dma_wait3A_367 : memref<1x1x125xi32, #tpu.memory_space<vmem>> -> memref<125xi32, #tpu.memory_space<vmem>>
      %dma_wait3A_369 = arith.constant 0 : i32
      %dma_wait3A_370 = arith.constant 0 : i32
      %dma_wait3A_371 = tpu.memref_slice %arg2[%dma_wait3A_369, %dma_wait3A_370] : memref<90000x128xf32, #tpu.memory_space<hbm>> -> memref<90000x128xf32, #tpu.memory_space<hbm>>
      tpu.wait_indirect_dma semaphore(%arg20 : memref<!tpu.dma_semaphore, #tpu.memory_space<semaphore_mem>>) src(%dma_wait3A_371 : memref<90000x128xf32, #tpu.memory_space<hbm>>) dst(%dma_wait3A_365 : memref<125x128xf32, #tpu.memory_space<vmem>>)
      %dma_start3A_372 = arith.constant 1 : i32
      %dma_start3A_373 = arith.constant 3 : i32
      %dma_start3A_374 = arith.constant 0 : i32
      %dma_start3A_375 = arith.constant 0 : i32
      %dma_start3A_376 = arith.constant 0 : i32
      %dma_start3A_377 = tpu.memref_slice %arg9[%dma_start3A_372, %dma_start3A_375, %dma_start3A_376] : memref<2x125x128xf32, #tpu.memory_space<vmem>> -> memref<1x125x128xf32, #tpu.memory_space<vmem>>
      %dma_start3A_378 = tpu.memref_squeeze %dma_start3A_377 : memref<1x125x128xf32, #tpu.memory_space<vmem>> -> memref<125x128xf32, #tpu.memory_space<vmem>>
      %dma_start3A_379 = arith.constant 0 : i32
      %dma_start3A_380 = tpu.memref_slice %arg8[%dma_start3A_373, %dma_start3A_374, %dma_start3A_379] : memref<4x1x125xi32, #tpu.memory_space<vmem>> -> memref<1x1x125xi32, #tpu.memory_space<vmem>>
      %dma_start3A_381 = tpu.memref_squeeze %dma_start3A_380 : memref<1x1x125xi32, #tpu.memory_space<vmem>> -> memref<125xi32, #tpu.memory_space<vmem>>
      %dma_start3A_382 = arith.constant 0 : i32
      %dma_start3A_383 = arith.constant 0 : i32
      %dma_start3A_384 = tpu.memref_slice %arg10[%dma_start3A_382, %dma_start3A_383] : memref<10000x128xf32, #tpu.memory_space<vmem_shared>> -> memref<10000x128xf32, #tpu.memory_space<vmem_shared>>
      tpu.enqueue_indirect_dma source(%dma_start3A_378 : memref<125x128xf32, #tpu.memory_space<vmem>>) target(%dma_start3A_384 : memref<10000x128xf32, #tpu.memory_space<vmem_shared>>) offsets(%dma_start3A_381 : memref<125xi32, #tpu.memory_space<vmem>>) semaphore(%arg22 : memref<!tpu.dma_semaphore, #tpu.memory_space<semaphore_mem>>) {add = true}
    }
    %scan3A_166 = arith.constant 20 : i32
    %dma_wait3A_167 = arith.constant 1 : i32
    %dma_wait3A_168 = arith.constant 3 : i32
    %dma_wait3A_169 = arith.constant 0 : i32
    %dma_wait3A_170 = arith.constant 0 : i32
    %dma_wait3A_171 = arith.constant 0 : i32
    %dma_wait3A_172 = tpu.memref_slice %arg9[%dma_wait3A_167, %dma_wait3A_170, %dma_wait3A_171] : memref<2x125x128xf32, #tpu.memory_space<vmem>> -> memref<1x125x128xf32, #tpu.memory_space<vmem>>
    %dma_wait3A_173 = tpu.memref_squeeze %dma_wait3A_172 : memref<1x125x128xf32, #tpu.memory_space<vmem>> -> memref<125x128xf32, #tpu.memory_space<vmem>>
    %dma_wait3A_174 = arith.constant 0 : i32
    %dma_wait3A_175 = tpu.memref_slice %arg8[%dma_wait3A_168, %dma_wait3A_169, %dma_wait3A_174] : memref<4x1x125xi32, #tpu.memory_space<vmem>> -> memref<1x1x125xi32, #tpu.memory_space<vmem>>
    %dma_wait3A_176 = tpu.memref_squeeze %dma_wait3A_175 : memref<1x1x125xi32, #tpu.memory_space<vmem>> -> memref<125xi32, #tpu.memory_space<vmem>>
    %dma_wait3A_177 = arith.constant 0 : i32
    %dma_wait3A_178 = arith.constant 0 : i32
    %dma_wait3A_179 = tpu.memref_slice %arg10[%dma_wait3A_177, %dma_wait3A_178] : memref<10000x128xf32, #tpu.memory_space<vmem_shared>> -> memref<10000x128xf32, #tpu.memory_space<vmem_shared>>
    tpu.wait_indirect_dma semaphore(%arg22 : memref<!tpu.dma_semaphore, #tpu.memory_space<semaphore_mem>>) src(%dma_wait3A_173 : memref<125x128xf32, #tpu.memory_space<vmem>>) dst(%dma_wait3A_179 : memref<10000x128xf32, #tpu.memory_space<vmem_shared>>)
    %barrier3A_180 = arith.constant 0 : index
    tpu.barrier barrier_id(%barrier3A_180)
    %mul3A_181 = arith.constant 624 : i32
    %mul3A_182 = arith.muli %arg1, %mul3A_181 : i32
    %mul3A_183 = arith.constant 624 : i32
    %mul3A_184 = arith.muli %arg1, %mul3A_183 : i32
    "tpu.region"() ({
      %run_scoped3A = tpu.sem_alloc : memref<!tpu.dma_semaphore, #tpu.memory_space<semaphore_mem>>
      %dma_start3A_190 = arith.constant 0 : i32
      %dma_start3A_191 = tpu.memref_slice %arg6[%arg0, %mul3A_184, %dma_start3A_190] : memref<2x10000x128xf32, #tpu.memory_space<hbm>> -> memref<1x624x128xf32, #tpu.memory_space<hbm>>
      %dma_start3A_192 = tpu.memref_squeeze %dma_start3A_191 : memref<1x624x128xf32, #tpu.memory_space<hbm>> -> memref<624x128xf32, #tpu.memory_space<hbm>>
      %dma_start3A_193 = arith.constant 0 : i32
      %dma_start3A_194 = tpu.memref_slice %arg10[%mul3A_182, %dma_start3A_193] : memref<10000x128xf32, #tpu.memory_space<vmem_shared>> -> memref<624x128xf32, #tpu.memory_space<vmem_shared>>
      tpu.enqueue_dma source(%dma_start3A_194 : memref<624x128xf32, #tpu.memory_space<vmem_shared>>) target(%dma_start3A_192 : memref<624x128xf32, #tpu.memory_space<hbm>>) target_semaphore(%run_scoped3A : memref<!tpu.dma_semaphore, #tpu.memory_space<semaphore_mem>>)
      %dma_wait3A_195 = arith.constant 0 : i32
      %dma_wait3A_196 = tpu.memref_slice %arg6[%arg0, %mul3A_184, %dma_wait3A_195] : memref<2x10000x128xf32, #tpu.memory_space<hbm>> -> memref<1x624x128xf32, #tpu.memory_space<hbm>>
      %dma_wait3A_197 = tpu.memref_squeeze %dma_wait3A_196 : memref<1x624x128xf32, #tpu.memory_space<hbm>> -> memref<624x128xf32, #tpu.memory_space<hbm>>
      %dma_wait3A_198 = arith.constant 0 : i32
      %dma_wait3A_199 = tpu.memref_slice %arg10[%mul3A_182, %dma_wait3A_198] : memref<10000x128xf32, #tpu.memory_space<vmem_shared>> -> memref<624x128xf32, #tpu.memory_space<vmem_shared>>
      tpu.wait_dma2 semaphore(%run_scoped3A : memref<!tpu.dma_semaphore, #tpu.memory_space<semaphore_mem>>) src(%dma_wait3A_199 : memref<624x128xf32, #tpu.memory_space<vmem_shared>>) dst(%dma_wait3A_197 : memref<624x128xf32, #tpu.memory_space<hbm>>)
      tpu.yield
    }) : () -> ()
    %eq3A_185 = arith.constant 0 : i32
    %eq3A_186 = arith.cmpi eq, %arg1, %eq3A_185 : i32
    %convert_element_type3A_187 = arith.extui %eq3A_186 : i1 to i32
    %cond3A_188 = arith.constant 0 : i32
    %cond3A_189 = arith.cmpi ne, %convert_element_type3A_187, %cond3A_188 : i32
    scf.if %cond3A_189 {
      "tpu.region"() ({
        %run_scoped3A = tpu.sem_alloc : memref<!tpu.dma_semaphore, #tpu.memory_space<semaphore_mem>>
        %dma_start3A_190 = arith.constant 9984 : i32
        %dma_start3A_191 = arith.constant 0 : i32
        %dma_start3A_192 = tpu.memref_slice %arg6[%arg0, %dma_start3A_190, %dma_start3A_191] : memref<2x10000x128xf32, #tpu.memory_space<hbm>> -> memref<1x16x128xf32, #tpu.memory_space<hbm>>
        %dma_start3A_193 = tpu.memref_squeeze %dma_start3A_192 : memref<1x16x128xf32, #tpu.memory_space<hbm>> -> memref<16x128xf32, #tpu.memory_space<hbm>>
        %dma_start3A_194 = arith.constant 9984 : i32
        %dma_start3A_195 = arith.constant 0 : i32
        %dma_start3A_196 = tpu.memref_slice %arg10[%dma_start3A_194, %dma_start3A_195] : memref<10000x128xf32, #tpu.memory_space<vmem_shared>> -> memref<16x128xf32, #tpu.memory_space<vmem_shared>>
        tpu.enqueue_dma source(%dma_start3A_196 : memref<16x128xf32, #tpu.memory_space<vmem_shared>>) target(%dma_start3A_193 : memref<16x128xf32, #tpu.memory_space<hbm>>) target_semaphore(%run_scoped3A : memref<!tpu.dma_semaphore, #tpu.memory_space<semaphore_mem>>)
        %dma_wait3A_197 = arith.constant 9984 : i32
        %dma_wait3A_198 = arith.constant 0 : i32
        %dma_wait3A_199 = tpu.memref_slice %arg6[%arg0, %dma_wait3A_197, %dma_wait3A_198] : memref<2x10000x128xf32, #tpu.memory_space<hbm>> -> memref<1x16x128xf32, #tpu.memory_space<hbm>>
        %dma_wait3A_200 = tpu.memref_squeeze %dma_wait3A_199 : memref<1x16x128xf32, #tpu.memory_space<hbm>> -> memref<16x128xf32, #tpu.memory_space<hbm>>
        %dma_wait3A_201 = arith.constant 9984 : i32
        %dma_wait3A_202 = arith.constant 0 : i32
        %dma_wait3A_203 = tpu.memref_slice %arg10[%dma_wait3A_201, %dma_wait3A_202] : memref<10000x128xf32, #tpu.memory_space<vmem_shared>> -> memref<16x128xf32, #tpu.memory_space<vmem_shared>>
        tpu.wait_dma2 semaphore(%run_scoped3A : memref<!tpu.dma_semaphore, #tpu.memory_space<semaphore_mem>>) src(%dma_wait3A_203 : memref<16x128xf32, #tpu.memory_space<vmem_shared>>) dst(%dma_wait3A_200 : memref<16x128xf32, #tpu.memory_space<hbm>>)
        tpu.yield
      }) : () -> ()
    } else {
    }
    return
  }
}

module attributes {stable_mosaic.version = 14 : i64} {
  func.func @_mm_body(%arg0: i32, %arg1: memref<10000x128xf32, #tpu.memory_space<vmem>>, %arg2: memref<1x128x128xf32, #tpu.memory_space<vmem>>, %arg3: memref<128x128xf32, #tpu.memory_space<vmem>>, %arg4: memref<1x10000x128xf32, #tpu.memory_space<vmem>>) attributes {dimension_semantics = [#tpu.dimension_semantics<arbitrary>], iteration_bounds = array<i64: 9>, scalar_prefetch = 0 : i64, scratch_operands = 0 : i64, tpu.core_type = #tpu.core_type<tc>, window_params = [{pipeline_mode = #tpu.pipeline_mode<synchronous>, transform_indices = @transform_0, window_bounds = array<i64: 10000, 128>}, {transform_indices = @transform_1, window_bounds = array<i64: 1, 128, 128>}, {pipeline_mode = #tpu.pipeline_mode<synchronous>, transform_indices = @transform_2, window_bounds = array<i64: 128, 128>}, {transform_indices = @transform_3, window_bounds = array<i64: 1, 10000, 128>}]} {
    %lt3A = arith.constant 8 : i32
    %lt3A_0 = arith.cmpi slt, %arg0, %lt3A : i32
    %convert_element_type3A = arith.extui %lt3A_0 : i1 to i32
    %cond3A = arith.constant 0 : i32
    %cond3A_1 = arith.cmpi ne, %convert_element_type3A, %cond3A : i32
    scf.if %cond3A_1 {
      %get3A = arith.constant 0 : index
      %get3A_6 = arith.constant 0 : index
      %get3A_7 = vector.load %arg1[%get3A, %get3A_6] : memref<10000x128xf32, #tpu.memory_space<vmem>>, vector<10000x128xf32>
      %get3A_8 = arith.constant 0 : index
      %get3A_9 = arith.constant 0 : index
      %get3A_10 = arith.constant 0 : index
      %get3A_11 = vector.load %arg2[%get3A_8, %get3A_9, %get3A_10] : memref<1x128x128xf32, #tpu.memory_space<vmem>>, vector<1x128x128xf32>
      %get3A_12 = vector.shape_cast %get3A_11 : vector<1x128x128xf32> to vector<128x128xf32>
      %dot_general3A = arith.constant dense<0.000000e+00> : vector<10000x128xf32>
      %dot_general3A_13 = tpu.matmul %get3A_7, %get3A_12, %dot_general3A {dimension_numbers = #tpu.dot_dimension_numbers<[1], [0], [0], [1], [0, 0, 1, 1], [], []>, transpose_lhs_hint = false} : vector<10000x128xf32>, vector<128x128xf32>, vector<10000x128xf32> -> vector<10000x128xf32>
      %swap3A = arith.constant 0 : index
      %swap3A_14 = arith.constant 0 : index
      %swap3A_15 = arith.constant 0 : index
      %swap3A_16 = vector.load %arg4[%swap3A, %swap3A_14, %swap3A_15] : memref<1x10000x128xf32, #tpu.memory_space<vmem>>, vector<1x10000x128xf32>
      %swap3A_17 = vector.shape_cast %swap3A_16 : vector<1x10000x128xf32> to vector<10000x128xf32>
      %swap3A_18 = vector.shape_cast %dot_general3A_13 : vector<10000x128xf32> to vector<1x10000x128xf32>
      tpu.vector_store %arg4[%swap3A, %swap3A_14, %swap3A_15], %swap3A_18 {strides = array<i32>} : memref<1x10000x128xf32, #tpu.memory_space<vmem>>, vector<1x10000x128xf32>,
    } else {
    }
    %eq3A = arith.constant 8 : i32
    %eq3A_2 = arith.cmpi eq, %arg0, %eq3A : i32
    %convert_element_type3A_3 = arith.extui %eq3A_2 : i1 to i32
    %cond3A_4 = arith.constant 0 : i32
    %cond3A_5 = arith.cmpi ne, %convert_element_type3A_3, %cond3A_4 : i32
    scf.if %cond3A_5 {
      %get3A = arith.constant 0 : index
      %get3A_6 = arith.constant 0 : index
      %get3A_7 = vector.load %arg1[%get3A, %get3A_6] : memref<10000x128xf32, #tpu.memory_space<vmem>>, vector<10000x128xf32>
      %get3A_8 = arith.constant 0 : index
      %get3A_9 = arith.constant 0 : index
      %get3A_10 = vector.load %arg3[%get3A_8, %get3A_9] : memref<128x128xf32, #tpu.memory_space<vmem>>, vector<128x128xf32>
      %dot_general3A = arith.constant dense<0.000000e+00> : vector<10000x128xf32>
      %dot_general3A_11 = tpu.matmul %get3A_7, %get3A_10, %dot_general3A {dimension_numbers = #tpu.dot_dimension_numbers<[1], [0], [0], [1], [0, 0, 1, 1], [], []>, transpose_lhs_hint = false} : vector<10000x128xf32>, vector<128x128xf32>, vector<10000x128xf32> -> vector<10000x128xf32>
      %swap3A = arith.constant 0 : index
      %swap3A_12 = arith.constant 0 : index
      %swap3A_13 = arith.constant 0 : index
      %swap3A_14 = vector.load %arg4[%swap3A, %swap3A_12, %swap3A_13] : memref<1x10000x128xf32, #tpu.memory_space<vmem>>, vector<1x10000x128xf32>
      %swap3A_15 = vector.shape_cast %swap3A_14 : vector<1x10000x128xf32> to vector<10000x128xf32>
      %swap3A_16 = vector.shape_cast %dot_general3A_11 : vector<10000x128xf32> to vector<1x10000x128xf32>
      tpu.vector_store %arg4[%swap3A, %swap3A_12, %swap3A_13], %swap3A_16 {strides = array<i32>} : memref<1x10000x128xf32, #tpu.memory_space<vmem>>, vector<1x10000x128xf32>,
    } else {
    }
    return
  }
  func.func @transform_0(%arg0: i32) -> (i32, i32) {
    %c0_i32 = arith.constant 0 : i32
    %c0_i32_0 = arith.constant 0 : i32
    %c0_i32_1 = arith.constant 0 : i32
    return %c0_i32, %c0_i32_0 : i32, i32
  }
  func.func @transform_1(%arg0: i32) -> (i32, i32, i32) {
    %min3A = arith.constant 7 : i32
    %min3A_0 = arith.minsi %arg0, %min3A : i32
    %c0_i32 = arith.constant 0 : i32
    %c0_i32_1 = arith.constant 0 : i32
    %c0_i32_2 = arith.constant 0 : i32
    return %min3A_0, %c0_i32, %c0_i32_1 : i32, i32, i32
  }
  func.func @transform_2(%arg0: i32) -> (i32, i32) {
    %c0_i32 = arith.constant 0 : i32
    %c0_i32_0 = arith.constant 0 : i32
    %c0_i32_1 = arith.constant 0 : i32
    return %c0_i32, %c0_i32_0 : i32, i32
  }
  func.func @transform_3(%arg0: i32) -> (i32, i32, i32) {
    %c0_i32 = arith.constant 0 : i32
    %c0_i32_0 = arith.constant 0 : i32
    %c0_i32_1 = arith.constant 0 : i32
    return %arg0, %c0_i32, %c0_i32_0 : i32, i32, i32
  }
}

module attributes {stable_mosaic.version = 14 : i64} {
  func.func @_comb_mm_body(%arg0: i32, %arg1: memref<2x10000x128xf32, #tpu.memory_space<vmem>>, %arg2: memref<1x128xf32, #tpu.memory_space<vmem>>, %arg3: memref<1x128x128xf32, #tpu.memory_space<vmem>>, %arg4: memref<128x128xf32, #tpu.memory_space<vmem>>, %arg5: memref<1x10000x128xf32, #tpu.memory_space<vmem>>, %arg6: memref<10000x128xf32, #tpu.memory_space<vmem>>) attributes {dimension_semantics = [#tpu.dimension_semantics<arbitrary>], iteration_bounds = array<i64: 9>, scalar_prefetch = 0 : i64, scratch_operands = 1 : i64, tpu.core_type = #tpu.core_type<tc>, window_params = [{pipeline_mode = #tpu.pipeline_mode<synchronous>, transform_indices = @transform_0, window_bounds = array<i64: 2, 10000, 128>}, {pipeline_mode = #tpu.pipeline_mode<synchronous>, transform_indices = @transform_1, window_bounds = array<i64: 1, 128>}, {transform_indices = @transform_2, window_bounds = array<i64: 1, 128, 128>}, {pipeline_mode = #tpu.pipeline_mode<synchronous>, transform_indices = @transform_3, window_bounds = array<i64: 128, 128>}, {transform_indices = @transform_4, window_bounds = array<i64: 1, 10000, 128>}]} {
    %eq3A = arith.constant 0 : i32
    %eq3A_0 = arith.cmpi eq, %arg0, %eq3A : i32
    %convert_element_type3A = arith.extui %eq3A_0 : i1 to i32
    %cond3A = arith.constant 0 : i32
    %cond3A_1 = arith.cmpi ne, %convert_element_type3A, %cond3A : i32
    scf.if %cond3A_1 {
      %get3A = arith.constant 0 : index
      %get3A_11 = arith.constant 0 : index
      %get3A_12 = arith.constant 0 : index
      %get3A_13 = vector.load %arg1[%get3A, %get3A_11, %get3A_12] : memref<2x10000x128xf32, #tpu.memory_space<vmem>>, vector<1x10000x128xf32>
      %get3A_14 = vector.shape_cast %get3A_13 : vector<1x10000x128xf32> to vector<10000x128xf32>
      %get3A_15 = arith.constant 1 : index
      %get3A_16 = arith.constant 0 : index
      %get3A_17 = arith.constant 0 : index
      %get3A_18 = vector.load %arg1[%get3A_15, %get3A_16, %get3A_17] : memref<2x10000x128xf32, #tpu.memory_space<vmem>>, vector<1x10000x128xf32>
      %get3A_19 = vector.shape_cast %get3A_18 : vector<1x10000x128xf32> to vector<10000x128xf32>
      %add3A = arith.addf %get3A_14, %get3A_19 : vector<10000x128xf32>
      %get3A_20 = arith.constant 0 : index
      %get3A_21 = arith.constant 0 : index
      %get3A_22 = vector.load %arg2[%get3A_20, %get3A_21] : memref<1x128xf32, #tpu.memory_space<vmem>>, vector<1x128xf32>
      %get3A_23 = vector.shape_cast %get3A_22 : vector<1x128xf32> to vector<128xf32>
      %broadcast_in_dim3A = vector.shape_cast %get3A_23 : vector<128xf32> to vector<1x128xf32>
      %add3A_24 = vector.broadcast %broadcast_in_dim3A : vector<1x128xf32> to vector<10000x128xf32>
      %add3A_25 = arith.addf %add3A, %add3A_24 : vector<10000x128xf32>
      %max3A = arith.constant 0.000000e+00 : f32
      %max3A_26 = vector.broadcast %max3A : f32 to vector<10000x128xf32>
      %max3A_27 = arith.maximumf %add3A_25, %max3A_26 : vector<10000x128xf32>
      %swap3A = arith.constant 0 : index
      %swap3A_28 = arith.constant 0 : index
      %swap3A_29 = vector.load %arg6[%swap3A, %swap3A_28] : memref<10000x128xf32, #tpu.memory_space<vmem>>, vector<10000x128xf32>
      tpu.vector_store %arg6[%swap3A, %swap3A_28], %max3A_27 {strides = array<i32>} : memref<10000x128xf32, #tpu.memory_space<vmem>>, vector<10000x128xf32>,
    } else {
    }
    %lt3A = arith.constant 8 : i32
    %lt3A_2 = arith.cmpi slt, %arg0, %lt3A : i32
    %convert_element_type3A_3 = arith.extui %lt3A_2 : i1 to i32
    %cond3A_4 = arith.constant 0 : i32
    %cond3A_5 = arith.cmpi ne, %convert_element_type3A_3, %cond3A_4 : i32
    scf.if %cond3A_5 {
      %get3A = arith.constant 0 : index
      %get3A_11 = arith.constant 0 : index
      %get3A_12 = vector.load %arg6[%get3A, %get3A_11] : memref<10000x128xf32, #tpu.memory_space<vmem>>, vector<10000x128xf32>
      %get3A_13 = arith.constant 0 : index
      %get3A_14 = arith.constant 0 : index
      %get3A_15 = arith.constant 0 : index
      %get3A_16 = vector.load %arg3[%get3A_13, %get3A_14, %get3A_15] : memref<1x128x128xf32, #tpu.memory_space<vmem>>, vector<1x128x128xf32>
      %get3A_17 = vector.shape_cast %get3A_16 : vector<1x128x128xf32> to vector<128x128xf32>
      %dot_general3A = arith.constant dense<0.000000e+00> : vector<10000x128xf32>
      %dot_general3A_18 = tpu.matmul %get3A_12, %get3A_17, %dot_general3A {dimension_numbers = #tpu.dot_dimension_numbers<[1], [0], [0], [1], [0, 0, 1, 1], [], []>, transpose_lhs_hint = false} : vector<10000x128xf32>, vector<128x128xf32>, vector<10000x128xf32> -> vector<10000x128xf32>
      %swap3A = arith.constant 0 : index
      %swap3A_19 = arith.constant 0 : index
      %swap3A_20 = arith.constant 0 : index
      %swap3A_21 = vector.load %arg5[%swap3A, %swap3A_19, %swap3A_20] : memref<1x10000x128xf32, #tpu.memory_space<vmem>>, vector<1x10000x128xf32>
      %swap3A_22 = vector.shape_cast %swap3A_21 : vector<1x10000x128xf32> to vector<10000x128xf32>
      %swap3A_23 = vector.shape_cast %dot_general3A_18 : vector<10000x128xf32> to vector<1x10000x128xf32>
      tpu.vector_store %arg5[%swap3A, %swap3A_19, %swap3A_20], %swap3A_23 {strides = array<i32>} : memref<1x10000x128xf32, #tpu.memory_space<vmem>>, vector<1x10000x128xf32>,
    } else {
    }
    %eq3A_6 = arith.constant 8 : i32
    %eq3A_7 = arith.cmpi eq, %arg0, %eq3A_6 : i32
    %convert_element_type3A_8 = arith.extui %eq3A_7 : i1 to i32
    %cond3A_9 = arith.constant 0 : i32
    %cond3A_10 = arith.cmpi ne, %convert_element_type3A_8, %cond3A_9 : i32
    scf.if %cond3A_10 {
      %get3A = arith.constant 0 : index
      %get3A_11 = arith.constant 0 : index
      %get3A_12 = vector.load %arg6[%get3A, %get3A_11] : memref<10000x128xf32, #tpu.memory_space<vmem>>, vector<10000x128xf32>
      %get3A_13 = arith.constant 0 : index
      %get3A_14 = arith.constant 0 : index
      %get3A_15 = vector.load %arg4[%get3A_13, %get3A_14] : memref<128x128xf32, #tpu.memory_space<vmem>>, vector<128x128xf32>
      %dot_general3A = arith.constant dense<0.000000e+00> : vector<10000x128xf32>
      %dot_general3A_16 = tpu.matmul %get3A_12, %get3A_15, %dot_general3A {dimension_numbers = #tpu.dot_dimension_numbers<[1], [0], [0], [1], [0, 0, 1, 1], [], []>, transpose_lhs_hint = false} : vector<10000x128xf32>, vector<128x128xf32>, vector<10000x128xf32> -> vector<10000x128xf32>
      %swap3A = arith.constant 0 : index
      %swap3A_17 = arith.constant 0 : index
      %swap3A_18 = arith.constant 0 : index
      %swap3A_19 = vector.load %arg5[%swap3A, %swap3A_17, %swap3A_18] : memref<1x10000x128xf32, #tpu.memory_space<vmem>>, vector<1x10000x128xf32>
      %swap3A_20 = vector.shape_cast %swap3A_19 : vector<1x10000x128xf32> to vector<10000x128xf32>
      %swap3A_21 = vector.shape_cast %dot_general3A_16 : vector<10000x128xf32> to vector<1x10000x128xf32>
      tpu.vector_store %arg5[%swap3A, %swap3A_17, %swap3A_18], %swap3A_21 {strides = array<i32>} : memref<1x10000x128xf32, #tpu.memory_space<vmem>>, vector<1x10000x128xf32>,
    } else {
    }
    return
  }
  func.func @transform_0(%arg0: i32) -> (i32, i32, i32) {
    %c0_i32 = arith.constant 0 : i32
    %c0_i32_0 = arith.constant 0 : i32
    %c0_i32_1 = arith.constant 0 : i32
    %c0_i32_2 = arith.constant 0 : i32
    return %c0_i32, %c0_i32_0, %c0_i32_1 : i32, i32, i32
  }
  func.func @transform_1(%arg0: i32) -> (i32, i32) {
    %c0_i32 = arith.constant 0 : i32
    %c0_i32_0 = arith.constant 0 : i32
    %c0_i32_1 = arith.constant 0 : i32
    return %c0_i32, %c0_i32_0 : i32, i32
  }
  func.func @transform_2(%arg0: i32) -> (i32, i32, i32) {
    %min3A = arith.constant 7 : i32
    %min3A_0 = arith.minsi %arg0, %min3A : i32
    %c0_i32 = arith.constant 0 : i32
    %c0_i32_1 = arith.constant 0 : i32
    %c0_i32_2 = arith.constant 0 : i32
    return %min3A_0, %c0_i32, %c0_i32_1 : i32, i32, i32
  }
  func.func @transform_3(%arg0: i32) -> (i32, i32) {
    %c0_i32 = arith.constant 0 : i32
    %c0_i32_0 = arith.constant 0 : i32
    %c0_i32_1 = arith.constant 0 : i32
    return %c0_i32, %c0_i32_0 : i32, i32
  }
  func.func @transform_4(%arg0: i32) -> (i32, i32, i32) {
    %c0_i32 = arith.constant 0 : i32
    %c0_i32_0 = arith.constant 0 : i32
    %c0_i32_1 = arith.constant 0 : i32
    return %arg0, %c0_i32, %c0_i32_0 : i32, i32, i32
  }
}

module attributes {stable_mosaic.version = 14 : i64} {
  func.func @_combine_body(%arg0: i32, %arg1: memref<2x10000x128xf32, #tpu.memory_space<vmem>>, %arg2: memref<1x128xf32, #tpu.memory_space<vmem>>, %arg3: memref<10000x128xf32, #tpu.memory_space<vmem>>) attributes {dimension_semantics = [#tpu.dimension_semantics<arbitrary>], iteration_bounds = array<i64: 1>, scalar_prefetch = 0 : i64, scratch_operands = 0 : i64, tpu.core_type = #tpu.core_type<tc>, window_params = [{pipeline_mode = #tpu.pipeline_mode<synchronous>, transform_indices = @transform_0, window_bounds = array<i64: 2, 10000, 128>}, {pipeline_mode = #tpu.pipeline_mode<synchronous>, transform_indices = @transform_1, window_bounds = array<i64: 1, 128>}, {pipeline_mode = #tpu.pipeline_mode<synchronous>, transform_indices = @transform_2, window_bounds = array<i64: 10000, 128>}]} {
    %get3A = arith.constant 0 : index
    %get3A_0 = arith.constant 0 : index
    %get3A_1 = arith.constant 0 : index
    %get3A_2 = vector.load %arg1[%get3A, %get3A_0, %get3A_1] : memref<2x10000x128xf32, #tpu.memory_space<vmem>>, vector<1x10000x128xf32>
    %get3A_3 = vector.shape_cast %get3A_2 : vector<1x10000x128xf32> to vector<10000x128xf32>
    %get3A_4 = arith.constant 1 : index
    %get3A_5 = arith.constant 0 : index
    %get3A_6 = arith.constant 0 : index
    %get3A_7 = vector.load %arg1[%get3A_4, %get3A_5, %get3A_6] : memref<2x10000x128xf32, #tpu.memory_space<vmem>>, vector<1x10000x128xf32>
    %get3A_8 = vector.shape_cast %get3A_7 : vector<1x10000x128xf32> to vector<10000x128xf32>
    %add3A = arith.addf %get3A_3, %get3A_8 : vector<10000x128xf32>
    %get3A_9 = arith.constant 0 : index
    %get3A_10 = arith.constant 0 : index
    %get3A_11 = vector.load %arg2[%get3A_9, %get3A_10] : memref<1x128xf32, #tpu.memory_space<vmem>>, vector<1x128xf32>
    %get3A_12 = vector.shape_cast %get3A_11 : vector<1x128xf32> to vector<128xf32>
    %broadcast_in_dim3A = vector.shape_cast %get3A_12 : vector<128xf32> to vector<1x128xf32>
    %add3A_13 = vector.broadcast %broadcast_in_dim3A : vector<1x128xf32> to vector<10000x128xf32>
    %add3A_14 = arith.addf %add3A, %add3A_13 : vector<10000x128xf32>
    %logistic3A = arith.negf %add3A_14 : vector<10000x128xf32>
    %logistic3A_15 = math.exp %logistic3A : vector<10000x128xf32>
    %logistic3A_16 = arith.constant 1.000000e+00 : f32
    %logistic3A_17 = vector.broadcast %logistic3A_16 : f32 to vector<10000x128xf32>
    %logistic3A_18 = arith.addf %logistic3A_17, %logistic3A_15 : vector<10000x128xf32>
    %logistic3A_19 = arith.divf %logistic3A_17, %logistic3A_18 : vector<10000x128xf32>
    %swap3A = arith.constant 0 : index
    %swap3A_20 = arith.constant 0 : index
    %swap3A_21 = vector.load %arg3[%swap3A, %swap3A_20] : memref<10000x128xf32, #tpu.memory_space<vmem>>, vector<10000x128xf32>
    tpu.vector_store %arg3[%swap3A, %swap3A_20], %logistic3A_19 {strides = array<i32>} : memref<10000x128xf32, #tpu.memory_space<vmem>>, vector<10000x128xf32>,
    return
  }
  func.func @transform_0(%arg0: i32) -> (i32, i32, i32) {
    %c0_i32 = arith.constant 0 : i32
    %c0_i32_0 = arith.constant 0 : i32
    %c0_i32_1 = arith.constant 0 : i32
    %c0_i32_2 = arith.constant 0 : i32
    return %c0_i32, %c0_i32_0, %c0_i32_1 : i32, i32, i32
  }
  func.func @transform_1(%arg0: i32) -> (i32, i32) {
    %c0_i32 = arith.constant 0 : i32
    %c0_i32_0 = arith.constant 0 : i32
    %c0_i32_1 = arith.constant 0 : i32
    return %c0_i32, %c0_i32_0 : i32, i32
  }
  func.func @transform_2(%arg0: i32) -> (i32, i32) {
    %c0_i32 = arith.constant 0 : i32
    %c0_i32_0 = arith.constant 0 : i32
    %c0_i32_1 = arith.constant 0 : i32
    return %c0_i32, %c0_i32_0 : i32, i32
  }
}

</mosaic_0001>

<sc_bundles>
// kernel: kernel.10.cloned.1.call-start
scs
__scs_entry_jumppad:
0x0: {  	(pc) =	sbr.rel $0x88, $3  }
0x1: {  	(tag) =	ssettag $0x0;
	lr =	simm.s32 $0x1  }
0x2: {  	[smem:$0x3F98] =	sst lr;
	_ =	strace $0xD0000000  }
0x3: {  	_ = 	snop  }
0x4: {  	_ = 	snop  }
0x5: {  	_ = 	snop  }
0x6: {  	_ = 	snop  }
0x7: {  	_ = 	snop  }
__scs_overlays_trampoline_lowered:
0x8: {  	[smem:$0x3FA7] =	sst s0  }
0x9: {  	[smem:$0x3FA8] =	sst s1  }
0xa: {  	[smem:$0x3FA9] =	sst s2  }
0xb: {  	[smem:$0x3FAA] =	sst s3  }
0xc: {  	[smem:$0x3FAB] =	sst s4  }
0xd: {  	[smem:$0x3FAC] =	sst s5  }
0xe: {  	[smem:$0x3FAD] =	sst s6  }
0xf: {  	[smem:$0x3FAE] =	sst s7  }
0x10: {  	[smem:$0x3FAF] =	sst s8  }
0x11: {  	[smem:$0x3FB0] =	sst s9;
	s0 =	simm.s32 @!p0 $0x0  }
0x12: {  	s1 =	sld [smem:$0x3F96];
	s0 =	simm.s32 @p0 $0x1  }
0x13: {  	[smem:$0x3FB1] =	sst s0;
	s0 =	simm.s32 @!p1 $0x0  }
0x14: {  	s2 =	sld [smem:$0x3F95];
	s0 =	simm.s32 @p1 $0x1  }
0x15: {  	[smem:$0x3FB2] =	sst s0;
	s0 =	simm.s32 @!p2 $0x0  }
0x16: {  	s3 =	sld [smem:$0x3FDB];
	s0 =	simm.s32 @p2 $0x1  }
0x17: {  	s4 =	simm.s32 $0x1BF5;
	[smem:$0x3FB4] =	sst s0  }
0x18: {  	s0 =	sld [smem:$0x3F97];
	_ =	swait.ge [sflag:s4], $0x0  }
0x19: {  	s7 =	sld [smem:$0x3F98]  }
0x1a: {  	s8 =	sadd.s32 $0xFFFFE003, lr  }
0x1b: {  	s9 =	sadd.s32 $0xFFFFFEF7, lr;
	s5 =	simm.s32 $0xFFFFFFFF;
	p2 =	slt.u32 s8, $0xFFFFF086  }
0x1c: {  	p1 =	slt.u32 s9, $0xF7A;
	s5 =	simm.s32 @!p2 $0x0  }
0x1d: {  	s5 =	simm.s32 @p1 $0x1;
	p0 =	seq.s32 s7, s2  }
0x1e: {  	s7 =	smul.u32 @!p0 $0xF7A, s2;
	p2 =	seq.s32 @!p0 s5, $0x0  }
0x1f: {  	s9 =	smul.u32 $0xF7A, s1;
	s8 =	simm.s32 @!p0 $0x1BF5;
	p2 =	por !p2, p0  }
0x20: {  	[sflag:s8] =	ssyncset.s32 @!p0 $0xFFFFF086;
	s6 =	sadd.s32 @!p0 s3, s7;
	s7 =	simm.s32 @!p0 $0x108  }
0x21: {  	s3 =	sadd.s32 s3, s9;
	s6 =	sadd.s32 @!p0 $0x88, s6;
	s7 =	simm.s32 @p2 $0x1082  }
0x22: {  	[simem:s7], [sflag:s8] =	dma.local @!p0 [hbm:s6], $0xF7A  }
0x23: {  	s9 =	sor.u32 $0xD0000000, s2;
	s6 =	simm.s32 $0x108;
	_ =	swait.ge @!p0 [sflag:s8], $0x0  }
0x24: {  	s3 =	sadd.s32 $0x88, s3;
	s6 =	simm.s32 @!p1 $0x1082;
	[sflag:s4] =	ssyncset.s32 $0xFFFFF086  }
0x25: {  	[simem:s6], [sflag:s4] =	dma.local [hbm:s3], $0xF7A  }
0x26: {  	[smem:$0x3F98] =	sst s1;
	(tag) =	ssettag s2;
	_ =	strace s9  }
0x27: {  	s1 =	sld [smem:$0x3FA8]  }
0x28: {  	s2 =	sld [smem:$0x3FA9]  }
0x29: {  	s4 =	sld [smem:$0x3FAB]  }
0x2a: {  	p0 =	seq.s32 s5, $0x0;
	s5 =	sld [smem:$0x3FAC]  }
0x2b: {  	s6 =	sld [smem:$0x3FAD]  }
0x2c: {  	s7 =	sld [smem:$0x3FAE]  }
0x2d: {  	s3 =	simm.s32 $0x108;
	s8 =	sld [smem:$0x3FAF]  }
0x2e: {  	s3 =	simm.s32 @!p0 $0x1082;
	s9 =	sld [smem:$0x3FB0]  }
0x2f: {  	lr =	sadd.s32 s0, s3;
	s0 =	sld [smem:$0x3FA7]  }
0x30: {  	s3 =	sld [smem:$0x3FAA]  }
0x31: {  	[smem:$0x3FB3] =	sst s10  }
0x32: {  	s10 =	sld [smem:$0x3FB1];
	_ =	sdelay $0x3  }
0x33: {  	p0 =	seq.s32 s10, $0x1;
	s10 =	sld [smem:$0x3FB3];
	_ =	sdelay $0x3  }
0x34: {  	[smem:$0x3FB3] =	sst s10  }
0x35: {  	s10 =	sld [smem:$0x3FB2];
	_ =	sdelay $0x3  }
0x36: {  	p1 =	seq.s32 s10, $0x1;
	s10 =	sld [smem:$0x3FB3];
	_ =	sdelay $0x3  }
0x37: {  	[smem:$0x3FB3] =	sst s10  }
0x38: {  	s10 =	sld [smem:$0x3FB4]  }
0x39: {  	_ = 	snop;
	(pc) =	sbr.ind lr, $3  }
0x3a: {  	_ = 	snop  }
0x3b: {  	_ = 	snop  }
0x3c: {  	p2 =	seq.s32 s10, $0x1;
	s10 =	sld [smem:$0x3FB3]  }
0x3d: {  	_ =	shalt  }
0x3e: {  	_ =	shalt  }
0x3f: {  	_ =	shalt  }
0x40: {  	_ =	shalt  }
0x41: {  	_ =	shalt  }
0x42: {  	_ =	shalt  }
0x43: {  	_ =	shalt  }
0x44: {  	_ =	shalt  }
0x45: {  	_ =	shalt  }
0x46: {  	_ =	shalt  }
0x47: {  	_ =	shalt  }
0x48: {  	_ =	shalt  }
0x49: {  	_ =	shalt  }
0x4a: {  	_ =	shalt  }
0x4b: {  	_ =	shalt  }
0x4c: {  	_ =	shalt  }
0x4d: {  	_ =	shalt  }
0x4e: {  	_ =	shalt  }
0x4f: {  	_ =	shalt  }
0x50: {  	_ =	shalt  }
0x51: {  	_ =	shalt  }
0x52: {  	_ =	shalt  }
0x53: {  	_ =	shalt  }
0x54: {  	_ =	shalt  }
0x55: {  	_ =	shalt  }
0x56: {  	_ =	shalt  }
0x57: {  	_ =	shalt  }
0x58: {  	_ =	shalt  }
0x59: {  	_ =	shalt  }
0x5a: {  	_ =	shalt  }
0x5b: {  	_ =	shalt  }
0x5c: {  	_ =	shalt  }
0x5d: {  	_ =	shalt  }
0x5e: {  	_ =	shalt  }
0x5f: {  	_ =	shalt  }
0x60: {  	_ =	shalt  }
0x61: {  	_ =	shalt  }
0x62: {  	_ =	shalt  }
0x63: {  	_ =	shalt  }
0x64: {  	_ =	shalt  }
0x65: {  	_ =	shalt  }
0x66: {  	_ =	shalt  }
0x67: {  	_ =	shalt  }
0x68: {  	_ =	shalt  }
0x69: {  	_ =	shalt  }
0x6a: {  	_ =	shalt  }
0x6b: {  	_ =	shalt  }
0x6c: {  	_ =	shalt  }
0x6d: {  	_ =	shalt  }
0x6e: {  	_ =	shalt  }
0x6f: {  	_ =	shalt  }
0x70: {  	_ =	shalt  }
0x71: {  	_ =	shalt  }
0x72: {  	_ =	shalt  }
0x73: {  	_ =	shalt  }
0x74: {  	_ =	shalt  }
0x75: {  	_ =	shalt  }
0x76: {  	_ =	shalt  }
0x77: {  	_ =	shalt  }
0x78: {  	_ =	shalt  }
0x79: {  	_ =	shalt  }
0x7a: {  	_ =	shalt  }
0x7b: {  	_ =	shalt  }
0x7c: {  	_ =	shalt  }
0x7d: {  	_ =	shalt  }
0x7e: {  	_ =	shalt  }
0x7f: {  	_ =	shalt  }
0x80: {  	_ =	shalt  }
0x81: {  	_ =	shalt  }
0x82: {  	_ =	shalt  }
0x83: {  	_ =	shalt  }
0x84: {  	_ =	shalt  }
0x85: {  	_ =	shalt  }
0x86: {  	_ =	shalt  }
0x87: {  	_ =	shalt  }
.Lfunc_end0:
.L_simem_size_0:
called_computation.1_lowered:
.L_overlay_start_0:
0x88: {  	s2 =	sld [smem:$0x3FD9]  }
0x89: {  	s3 =	sld [smem:$0x3FFE];
	_ =	sdelay $0x1  }
0x8a: {  	s1 =	srdreg.scid  }
0x8b: {  	s0 =	sand.u32 $0x1, s1  }
0x8c: {  	s17 =	sshll.u32 s0, $0xA;
	s2 =	sadd.s32 s3, s2  }
0x8d: {  	s2 =	sadd.s32 s2, s17  }
0x8e: {  	[smem:$0x3FBF] =	sst s2  }
0x8f: {  	_ = 	snop  }
0x90: {  	s2 =	sld [smem:$0x3FD0];
	(tm) =	ssettm $0x1  }
0x91: {  	s18 =	sld [smem:$0x3FFB];
	_ =	sdelay $0x3  }
0x92: {  	_ =	strace s18  }
0x93: {  	s3 =	sld [smem:$0x3FFC];
	_ =	sdelay $0x3  }
0x94: {  	_ =	strace s3  }
0x95: {  	s3 =	sld [smem:$0x3FFD];
	_ =	sdelay $0x3  }
0x96: {  	_ =	strace s3  }
0x97: {  	_ =	strace $0x8FFFFFFF  }
0x98: {  	s19 =	sld [smem:$0x3FDB];
	_ =	sdelay $0x1  }
0x99: {  	s4 =	simm.s32 $_scs_section_size  }
0x9a: {  	s5 =	simm.s32 $_size__tile_overlayer_lowered;
	s6 =	simm.s32 $_tile_overlayer_lowered  }
0x9b: {  	s22 =	simm.s32 $0x1BFF;
	s21 =	sshll.u32 s6, $0x1;
	s3 =	sadd.s32 s4, s19  }
0x9c: {  	s7 =	simm.s32 $0x0;
	s20 =	sshll.u32 s5, $0x1;
	s5 =	sadd.s32 s21, s3  }
0x9d: {  	[timem:s7], [sflag:s22] =	dma.local [hbm:s5], s20  }
0x9e: {  	_ =	swait.ge [sflag:s22], s20  }
0x9f: {  	s4 =	ssub.s32 $0x0, s20;
	[sflag:s22] =	ssyncset.done $0x0  }
0xa0: {  	[sflag:s22] =	ssyncadd.s32 s4;
	_ =	sdelay $0x1  }
0xa1: {  	s23 =	simm.s32 $0x1B8B  }
0xa2: {  	_ =	swait.ge [sflag:s23], $0x1  }
0xa3: {  	[sflag:s23] =	ssyncset.done $0x0  }
0xa4: {  	s25 =	simm.s32 $0x1B8E;
	s24 =	sld [smem:$0x3FFE];
	[sflag:s23] =	ssyncadd.s32 $0xFFFFFFFF  }
0xa5: {  	s26 =	simm.s32 $execute0_lowered;
	[smem:$0x3FD2] =	sst s25  }
0xa6: {  	s5 =	sshll.u32 s26, $0x1;
	_ =	strace $0x80000049;
	[dreg:$0x1] =	wrdreg $0xFFFFFFFF  }
0xa7: {  	s28 =	simm.s32 $_size_execute0_lowered;
	s3 =	sadd.s32 s3, s5;
	[dreg:$0x0] =	wrdreg $0x0  }
0xa8: {  	s5 =	sshll.u32 s28, $0x1;
	[dreg:$0x2] =	wrdreg s3  }
0xa9: {  	[dreg:$0x3] =	wrdreg s5  }
0xaa: {  	[dreg:$0x4] =	wrdreg $0xC0  }
0xab: {  	_ =	task [dreg:s7], $0x5FFFF  }
0xac: {  	[dreg:$0x1] =	wrdreg $0xFFFFFFFF  }
0xad: {  	[dreg:$0x0] =	wrdreg $0x60  }
0xae: {  	[dreg:$0x2] =	wrdreg s24  }
0xaf: {  	[dreg:$0x3] =	wrdreg s2  }
0xb0: {  	[dreg:$0x4] =	wrdreg $0x84000  }
0xb1: {  	[dreg:$0x5] =	wrdreg $0x9  }
0xb2: {  	_ =	task.clear_ibuf [dreg:s7], $0x6FFFF;
	_ =	strace $0x90000049  }
0xb3: {  	s29 =	simm.s32 $0x9;
	_ =	strace $0x8000004B  }
0xb4: {  	_ =	swait.ge [sflag:s29], $0x1  }
0xb5: {  	[sflag:s29] =	ssyncadd.s32 $0xFFFFFFFF  }
0xb6: {  	_ =	strace $0x9000004B  }
0xb7: {  	_ =	sfence  }
0xb8: {  	s30 =	sld [smem:$0x0];
	_ =	sdelay $0x2  }
0xb9: {  	s31 =	sshll.u32 s1, $0xD;
	s1 =	sshrl.u32 s1, $0x2  }
0xba: {  	s3 =	sand.u32 $0x4000, s31;
	s1 =	sadd.s32 s1, s30  }
0xbb: {  	s0 =	sor.u32 s3, s0;
	s1 =	sshll.u32 s1, $0x11  }
0xbc: {  	s0 =	sor.u32 s1, s0  }
0xbd: {  	s0 =	sadd.s32 $0x8F2B, s0  }
0xbe: {  	[sflag:s0] =	ssyncadd.remote.s32 $0x1  }
0xbf: {  	_ =	sfence.sel $0xFFFF  }
0xc0: {  	[dreg:$0x0] =	wrdreg $0xFFFFFFFF;
	(pc) =	sbr.abs _section_cstart, $3  }
0xc1: {  	[dreg:$0x1] =	wrdreg $0xFFFFFFFF  }
0xc2: {  	_ =	task.clear_ibuf [dreg:s7], $0x2FFFF;
	_ =	strace $0x9FFFFFFF  }
0xc3: {  	(tm) =	ssettm $0x7FFFFFFF  }
tec
execute0_lowered:
.L_overlay_start_1:
0x0: {  	(tag) =	ssettag $0x1  }
0x1: {  	s4 =	rddreg [dreg:$0x0]  }
0x2: {  	s5 =	rddreg [dreg:$0x1]  }
0x3: {  	s1 =	rddreg [dreg:$0x2];
	s2 =	simm.s32 $0x0  }
0x4: {  	s0 =	srdreg.scid;
	s15 =	stileid.u32;
	s29 =	simm.s32 $0x7D  }
0x5: {  	s30 =	simm.s32 $0x400;
	s31 =	simm.s32 $0x180;
	[smem:$0x7FF] =	sst s2  }
0x6: {  	s3 =	sadd.s32 $0x15A00, s4;
	s0 =	sand.u32 $0x1, s0;
	s10 =	smul.u32 $0x4E000, s15  }
0x7: {  	s6 =	sadd.s32 $0xBA00, s4;
	s8 =	sadd.s32 $0x1A00, s4;
	s26 =	smul.u32 $0x2700, s15  }
0x8: {  	s11 =	sadd.s32 $0x175400, s4;
	s12 =	sshll.u32 s15, $0x1;
	s13 =	smul.u32 $0x13800, s15  }
0x9: {  	s28 =	smul.u32 $0x5000, s15;
	s16 =	sadd.s32 $0x138000, s1;
	s4 =	sadd.s32 $0x175200, s4  }
0xa: {  	p1 =	seq.s32 s15, $0x0;
	p2 =	sne.s32 s15, $0x0;
	s15 =	simm.s32 $0x8  }
0xb: {  	_ =	strace $0x8000004A;
	s7 =	ssub.s32 $0x2, s0;
	[dreg:$0xe] =	wrdreg s16  }
0xc: {  	s12 =	sor.u32 s0, s12;
	s14 =	smul.u32 $0x2800, s0;
	[dreg:$0x11] =	wrdreg s4  }
0xd: {  	s16 =	smul.u32 $0x138800, s0;
	p0 =	sne.s32 s0, $0x0;
	s10 =	sshrl.u32 s10, $0x2  }
0xe: {  	s9 =	sshrl.u32 s7, $0x1;
	s17 =	sshrl.u32 s13, $0x3;
	s10 =	sadd.s32 s10, s1  }
0xf: {  	s7 =	ssub.s32 s7, s9;
	s9 =	sadd.s32 s5, s26;
	[dreg:$0xc] =	wrdreg s10  }
0x10: {  	s12 =	smul.u32 $0x2800, s12;
	s5 =	sadd.s32 $0x27000, s5;
	[dreg:$0xd] =	wrdreg s9  }
0x11: {  	s0 =	simm.s32 $0x380;
	s9 =	sadd.s32 s3, s17;
	[dreg:$0xf] =	wrdreg s5  }
0x12: {  	s5 =	sadd.s32 s14, s28;
	s19 =	sshrl.u32 s12, $0x3;
	s18 =	sadd.s32 $0x138800, s9  }
0x13: {  	s20 =	sor.u32 $0x300, s5;
	s21 =	sadd.s32 s6, s19;
	s22 =	sadd.s32 s8, s19  }
0x14: {  	s23 =	sor.u32 $0x10, s19;
	s14 =	sor.u32 $0x280, s5;
	[dreg:$0x10] =	wrdreg s18  }
0x15: {  	s4 =	sor.u32 $0x20, s19;
	s19 =	sadd.s32 s13, s16;
	[dreg:$0x12] =	wrdreg s21  }
0x16: {  	s13 =	simm.s32 $0xC;
	[dreg:$0x13] =	wrdreg s22;
	s9 =	sshrl.u32 s20, $0x3  }
0x17: {  	s25 =	sshrl.u32 s14, $0x3;
	s26 =	sadd.s32 s6, s23;
	s10 =	sadd.s32 s8, s23  }
0x18: {  	s14 =	sor.u32 $0x200, s5;
	s18 =	sadd.s32 s6, s4;
	[dreg:$0x14] =	wrdreg s26  }
0x19: {  	s4 =	sadd.s32 s8, s4;
	s20 =	sshrl.u32 s19, $0x3;
	[dreg:$0x15] =	wrdreg s10  }
0x1a: {  	s5 =	sor.u32 $0x180, s5;
	s22 =	sshrl.u32 s16, $0x3;
	[dreg:$0x16] =	wrdreg s18  }
0x1b: {  	s16 =	simm.s32 $0x0;
	s24 =	sadd.s32 s9, s8;
	[dreg:$0x17] =	wrdreg s4  }
0x1c: {  	s9 =	sadd.s32 s9, s6;
	s28 =	sadd.s32 s25, s8;
	[dreg:$0x4] =	wrdreg s24  }
0x1d: {  	s12 =	sadd.s32 s25, s6;
	s4 =	sadd.s32 s11, s20;
	[dreg:$0x5] =	wrdreg s9  }
0x1e: {  	s5 =	sshrl.u32 s5, $0x3;
	s20 =	simm.s32 $0xD;
	[dreg:$0x6] =	wrdreg s28  }
0x1f: {  	s10 =	simm.s32 $0x9;
	s9 =	sshrl.u32 s14, $0x3;
	[dreg:$0x7] =	wrdreg s12  }
0x20: {  	[dreg:$0x18] =	wrdreg s4;
	s23 =	sadd.s32 s5, s8;
	s24 =	sadd.s32 s11, s22  }
0x21: {  	s25 =	sadd.s32 s5, s6;
	s28 =	smax.u32 s7, $0x1;
	s22 =	simm.s32 $0x80  }
0x22: {  	s4 =	simm.s32 $0xB;
	s5 =	simm.s32 $0x3;
	s11 =	simm.s32 $0x7  }
0x23: {  	s12 =	simm.s32 $0xA;
	s14 =	simm.s32 $0x4;
	[dreg:$0xa] =	wrdreg s23  }
0x24: {  	s17 =	sadd.s32 s9, s8;
	s21 =	sadd.s32 s9, s6;
	[dreg:$0x1a] =	wrdreg s28  }
0x25: {  	s26 =	sadd.s32 $0x27000, s24;
	[dreg:$0xb] =	wrdreg s25;
	s23 =	simm.s32 $0x280  }
0x26: {  	s24 =	simm.s32 $0x100;
	s25 =	simm.s32 $0x300;
	[dreg:$0x8] =	wrdreg s17  }
0x27: {  	s6 =	simm.s32 $0x2;
	s9 =	simm.s32 $0x6;
	[dreg:$0x9] =	wrdreg s21  }
0x28: {  	s8 =	simm.s32 $0x4400;
	[dreg:$0x19] =	wrdreg s26;
	s21 =	simm.s32 $0x200  }
.LBB2_1:
.Ltmp0:
0x29: {  	(pc) =	sbr.rel @p0 .LBB2_3-.Ltmp0, $4  }
0x2a: {  	_ = 	snop  }
0x2b: {  	s7 =	stileid.u32  }
0x2c: {  	s28 =	rddreg [dreg:$0xc];
	s17 =	sshll.u32 s7, $0x6  }
0x2d: {  	s18 =	sshrl.u32 s28, $0x3;
	s7 =	sor.u32 $0x1C0D, s17;
	[dreg:$0x1b] =	wrdreg s17  }
0x2e: {  	s7 =	sor.u32 $0x1C0D, s17;
	s28 =	rddreg [dreg:$0x10]  }
0x2f: {  	[spmem:s18], [sflag:s7] =	dma.local [hbm:s28], $0x2700  }
.Ltmp1:
0x30: {  	_ = 	snop;
	(pc) =	sbr.rel @!p1 .LBB2_5-.Ltmp1, $4  }
.Ltmp2:
0x31: {  	_ = 	snop;
	(pc) =	sbr.rel @p1 .LBB2_4-.Ltmp2, $4  }
0x32: {  	_ =	swait.ge [sflag:s20], $0x2700  }
0x33: {  	[sflag:s20] =	ssyncset.done $0x0  }
0x34: {  	s19 =	rddreg [dreg:$0x11];
	[sflag:s20] =	ssyncadd.s32 $0xFFFFD900  }
0x35: {  	_ = 	snop  }
.LBB2_3:
.Ltmp3:
0x36: {  	s17 =	rddreg [dreg:$0xd];
	(pc) =	sbr.rel @p2 .LBB2_5-.Ltmp3, $4  }
0x37: {  	[spmem:s18], [sflag:s7] =	dma.local [hbm:s17], $0x2700  }
0x38: {  	_ =	swait.ge [sflag:s20], $0x2700  }
0x39: {  	[sflag:s20] =	ssyncset.done $0x0  }
0x3a: {  	s19 =	rddreg [dreg:$0xf];
	[sflag:s20] =	ssyncadd.s32 $0xFFFFD900  }
.LBB2_4:
0x3b: {  	s17 =	rddreg [dreg:$0xe]  }
0x3c: {  	s26 =	sshrl.u32 s17, $0x3  }
0x3d: {  	[spmem:s26], [sflag:s7] =	dma.local [hbm:s19], $0x100  }
0x3e: {  	_ =	swait.ge [sflag:s20], $0x100  }
0x3f: {  	[sflag:s20] =	ssyncset.done $0x0  }
0x40: {  	[sflag:s20] =	ssyncadd.s32 $0xFFFFFF00  }
.LBB2_5:
0x41: {  	[dreg:$0x1c] =	wrdreg s18  }
0x42: {  	[bflag:$0x0] =	sbarrier.arrive $0xFFFF  }
0x43: {  	s7 =	simm.s32 $0x0;
	s17 =	rddreg [dreg:$0x12]  }
0x44: {  	[tilespmem:s7], [sflag:$0x1] =	stream.linear.gather [hbm4b:s17+s7], $0x80, $0x38;
	[tilespmem:$0x1BC80] =	vst v63  }
0x45: {  	s18 =	rddreg [dreg:$0x13]  }
0x46: {  	[tilespmem:s21], [sflag:$0x5] =	stream.linear.gather [hbm4b:s18+s7], $0x80, $0x38;
	[tilespmem:$0x1BC80] =	vst v63  }
0x47: {  	s19 =	rddreg [dreg:$0x14]  }
0x48: {  	[tilespmem:s22], [sflag:$0x2] =	stream.linear.gather [hbm4b:s19+s7], $0x80, $0x38;
	[tilespmem:$0x1BC80] =	vst v63  }
0x49: {  	s20 =	rddreg [dreg:$0x15]  }
0x4a: {  	[tilespmem:s23], [sflag:$0x6] =	stream.linear.gather [hbm4b:s20+s7], $0x80, $0x38;
	[tilespmem:$0x1BC80] =	vst v63  }
0x4b: {  	s26 =	rddreg [dreg:$0x16]  }
0x4c: {  	[tilespmem:s24], [sflag:$0x3] =	stream.linear.gather [hbm4b:s26+s7], $0x80, $0x38;
	[tilespmem:$0x1BC80] =	vst v63  }
0x4d: {  	s28 =	rddreg [dreg:$0x17];
	s18 =	simm.s32 $0x1  }
0x4e: {  	[tilespmem:s25], [sflag:$0x7] =	stream.linear.gather [hbm4b:s28+s7], $0x80, $0x38;
	[tilespmem:$0x1BC80] =	vst v63  }
0x4f: {  	_ =	swait.ge [sflag:s18], $0x80  }
0x50: {  	[sflag:s18] =	ssyncset.done $0x0  }
0x51: {  	s19 =	simm.s32 $0x5;
	[sflag:s18] =	ssyncadd.s32 $0xFFFFFF80  }
0x52: {  	_ =	swait.ge [sflag:s19], $0x80  }
0x53: {  	[sflag:s19] =	ssyncset.done $0x0  }
0x54: {  	p3 =	por $0x1, $0x1;
	[sflag:s19] =	ssyncadd.s32 $0xFFFFFF80  }
0x55: {  	[tilespmem:s30], [sflag:$0x9] =	stream.indirect.gather [hbm4b:s3+s29], $0x80, s7, s29, $0xb8;
	[tilespmem:$0x1BC80] =	vst v63  }
0x56: {  	s7 =	simm.s32 @!p3 $0xC  }
0x57: {  	_ =	swait.ge @!p3 [sflag:s7], $0x3E80  }
0x58: {  	s19 =	rddreg [dreg:$0xb];
	[sflag:s7] =	ssyncset.done @!p3 $0x0  }
0x59: {  	s26 =	rddreg [dreg:$0xa];
	[sflag:s7] =	ssyncadd.s32 @!p3 $0xFFFFC180;
	s20 =	sadd.s32 $0x0, s19  }
0x5a: {  	[tilespmem:s31], [sflag:$0x4] =	stream.linear.gather [hbm4b:s20+s2], $0x80, $0x38;
	[tilespmem:$0x1BC80] =	vst v63  }
0x5b: {  	s28 =	sadd.s32 $0x0, s26  }
0x5c: {  	[tilespmem:s0], [sflag:$0x8] =	stream.linear.gather [hbm4b:s28+s2], $0x80, $0x38;
	[tilespmem:$0x1BC80] =	vst v63  }
0x5d: {  	_ =	swait.ge [sflag:s6], $0x80  }
0x5e: {  	[sflag:s6] =	ssyncset.done $0x0  }
0x5f: {  	[sflag:s6] =	ssyncadd.s32 $0xFFFFFF80  }
0x60: {  	_ =	swait.ge [sflag:s9], $0x80  }
0x61: {  	[sflag:s9] =	ssyncset.done $0x0  }
0x62: {  	[sflag:s9] =	ssyncadd.s32 $0xFFFFFF80  }
0x63: {  	[tilespmem:s8], [sflag:$0xA] =	stream.indirect.gather [hbm4b:s3+s29], $0x80, s22, s29, $0xb8;
	[tilespmem:$0x1BC80] =	vst v63  }
0x64: {  	_ =	swait.ge [sflag:s10], $0x3E80  }
0x65: {  	[sflag:s10] =	ssyncset.done $0x0  }
0x66: {  	[sflag:s10] =	ssyncadd.s32 $0xFFFFC180  }
0x67: {  	[spmem:s1] =	stream.indirect.scatter.add.f32 [tilespmem:s30], [sflag:$0xB], $0x80, s21, s29, $0xb8;
	[tilespmem:$0x1BC80] =	vst v63  }
0x68: {  	p3 =	por $0x0, $0x0;
	_ =	swait.ge [sflag:s4], $0x3E80  }
0x69: {  	s26 =	simm.s32 @!p3 $0x0;
	s7 =	rddreg [dreg:$0x9];
	[sflag:s4] =	ssyncset.done $0x0  }
0x6a: {  	s19 =	rddreg [dreg:$0x8];
	[sflag:s4] =	ssyncadd.s32 $0xFFFFC180;
	s7 =	sadd.s32 @!p3 $0x0, s7  }
0x6b: {  	[tilespmem:s26], [sflag:$0x1] =	stream.linear.gather @!p3 [hbm4b:s7+s26], $0x80, $0x38;
	[tilespmem:$0x1BC80] =	vst v63  }
0x6c: {  	s7 =	sadd.s32 @!p3 $0x0, s19;
	s19 =	simm.s32 @!p3 $0x200  }
0x6d: {  	[tilespmem:s19], [sflag:$0x5] =	stream.linear.gather @!p3 [hbm4b:s7+s26], $0x80, $0x38;
	[tilespmem:$0x1BC80] =	vst v63  }
0x6e: {  	_ =	swait.ge [sflag:s5], $0x80  }
0x6f: {  	[sflag:s5] =	ssyncset.done $0x0  }
0x70: {  	[sflag:s5] =	ssyncadd.s32 $0xFFFFFF80  }
0x71: {  	_ =	swait.ge [sflag:s11], $0x80  }
0x72: {  	[sflag:s11] =	ssyncset.done $0x0  }
0x73: {  	[sflag:s11] =	ssyncadd.s32 $0xFFFFFF80  }
0x74: {  	[tilespmem:s30], [sflag:$0x9] =	stream.indirect.gather [hbm4b:s3+s29], $0x80, s24, s29, $0xb8;
	[tilespmem:$0x1BC80] =	vst v63  }
0x75: {  	_ =	swait.ge [sflag:s12], $0x3E80  }
0x76: {  	[sflag:s12] =	ssyncset.done $0x0  }
0x77: {  	[sflag:s12] =	ssyncadd.s32 $0xFFFFC180  }
0x78: {  	[spmem:s1] =	stream.indirect.scatter.add.f32 [tilespmem:s8], [sflag:$0xC], $0x80, s23, s29, $0xb8;
	[tilespmem:$0x1BC80] =	vst v63  }
0x79: {  	_ =	swait.ge [sflag:s13], $0x3E80  }
0x7a: {  	s28 =	simm.s32 @!p3 $0x80;
	s7 =	rddreg [dreg:$0x7];
	[sflag:s13] =	ssyncset.done $0x0  }
0x7b: {  	s19 =	rddreg [dreg:$0x6];
	[sflag:s13] =	ssyncadd.s32 $0xFFFFC180;
	s7 =	sadd.s32 @!p3 $0x0, s7  }
0x7c: {  	[tilespmem:s28], [sflag:$0x2] =	stream.linear.gather @!p3 [hbm4b:s7+s26], $0x80, $0x38;
	[tilespmem:$0x1BC80] =	vst v63  }
0x7d: {  	s7 =	sadd.s32 @!p3 $0x0, s19;
	s19 =	simm.s32 @!p3 $0x280  }
0x7e: {  	[tilespmem:s19], [sflag:$0x6] =	stream.linear.gather @!p3 [hbm4b:s7+s26], $0x80, $0x38;
	[tilespmem:$0x1BC80] =	vst v63  }
0x7f: {  	_ =	swait.ge [sflag:s14], $0x80  }
0x80: {  	[sflag:s14] =	ssyncset.done $0x0  }
0x81: {  	[sflag:s14] =	ssyncadd.s32 $0xFFFFFF80  }
0x82: {  	_ =	swait.ge [sflag:s15], $0x80  }
0x83: {  	[sflag:s15] =	ssyncset.done $0x0  }
0x84: {  	[sflag:s15] =	ssyncadd.s32 $0xFFFFFF80  }
0x85: {  	[tilespmem:s8], [sflag:$0xA] =	stream.indirect.gather [hbm4b:s3+s29], $0x80, s31, s29, $0xb8;
	[tilespmem:$0x1BC80] =	vst v63  }
0x86: {  	_ =	swait.ge [sflag:s10], $0x3E80  }
0x87: {  	[sflag:s10] =	ssyncset.done $0x0  }
0x88: {  	[sflag:s10] =	ssyncadd.s32 $0xFFFFC180  }
0x89: {  	[spmem:s1] =	stream.indirect.scatter.add.f32 [tilespmem:s30], [sflag:$0xB], $0x80, s25, s29, $0xb8;
	[tilespmem:$0x1BC80] =	vst v63  }
0x8a: {  	_ =	swait.ge [sflag:s4], $0x3E80  }
0x8b: {  	s28 =	simm.s32 @!p3 $0x100;
	s7 =	rddreg [dreg:$0x5];
	[sflag:s4] =	ssyncset.done $0x0  }
0x8c: {  	s19 =	rddreg [dreg:$0x4];
	[sflag:s4] =	ssyncadd.s32 $0xFFFFC180;
	s7 =	sadd.s32 @!p3 $0x0, s7  }
0x8d: {  	[tilespmem:s28], [sflag:$0x3] =	stream.linear.gather @!p3 [hbm4b:s7+s26], $0x80, $0x38;
	[tilespmem:$0x1BC80] =	vst v63  }
0x8e: {  	s7 =	sadd.s32 @!p3 $0x0, s19;
	s19 =	simm.s32 @!p3 $0x300  }
0x8f: {  	[tilespmem:s19], [sflag:$0x7] =	stream.linear.gather @!p3 [hbm4b:s7+s26], $0x80, $0x38;
	[tilespmem:$0x1BC80] =	vst v63  }
0x90: {  	s7 =	simm.s32 @!p3 $0x1  }
0x91: {  	_ =	swait.ge @!p3 [sflag:s7], $0x80  }
0x92: {  	[sflag:s7] =	ssyncset.done @!p3 $0x0  }
0x93: {  	[sflag:s7] =	ssyncadd.s32 @!p3 $0xFFFFFF80;
	s7 =	simm.s32 @!p3 $0x5  }
0x94: {  	_ =	swait.ge @!p3 [sflag:s7], $0x80  }
0x95: {  	[sflag:s7] =	ssyncset.done @!p3 $0x0  }
0x96: {  	s19 =	simm.s32 @!p3 $0x400;
	[sflag:s7] =	ssyncadd.s32 @!p3 $0xFFFFFF80;
	s7 =	simm.s32 @!p3 $0x7D  }
0x97: {  	[tilespmem:s19], [sflag:$0x9] =	stream.indirect.gather @!p3 [hbm4b:s3+s7], $0x80, s26, s7, $0xb8;
	[tilespmem:$0x1BC80] =	vst v63  }
0x98: {  	p4 =	por $0x0, $0x0;
	_ =	swait.ge [sflag:s12], $0x3E80  }
0x99: {  	s19 =	simm.s32 $0x40;
	s7 =	simm.s32 $0x80;
	[sflag:s12] =	ssyncset.done $0x0  }
.LBB2_6:
0x9a: {  	s28 =	simm.s32 @!p4 $0xC;
	[sflag:s12] =	ssyncadd.s32 $0xFFFFC180  }
0x9b: {  	[spmem:s1] =	stream.indirect.scatter.add.f32 [tilespmem:s8], [sflag:$0xC], $0x80, s0, s29, $0xb8;
	[tilespmem:$0x1BC80] =	vst v63  }
0x9c: {  	_ =	swait.ge @!p4 [sflag:s28], $0x3E80  }
0x9d: {  	[sflag:s28] =	ssyncset.done @!p4 $0x0;
	s18 =	rddreg [dreg:$0xb]  }
0x9e: {  	s20 =	rddreg [dreg:$0xa];
	[sflag:s28] =	ssyncadd.s32 @!p4 $0xFFFFC180;
	s18 =	sadd.s32 s19, s18  }
0x9f: {  	[tilespmem:s31], [sflag:$0x4] =	stream.linear.gather [hbm4b:s18+s2], $0x80, $0x38;
	[tilespmem:$0x1BC80] =	vst v63  }
0xa0: {  	s28 =	sadd.s32 s19, s20  }
0xa1: {  	[tilespmem:s0], [sflag:$0x8] =	stream.linear.gather [hbm4b:s28+s2], $0x80, $0x38;
	[tilespmem:$0x1BC80] =	vst v63  }
0xa2: {  	_ =	swait.ge [sflag:s6], $0x80  }
0xa3: {  	[sflag:s6] =	ssyncset.done $0x0  }
0xa4: {  	[sflag:s6] =	ssyncadd.s32 $0xFFFFFF80  }
0xa5: {  	_ =	swait.ge [sflag:s9], $0x80  }
0xa6: {  	[sflag:s9] =	ssyncset.done $0x0  }
0xa7: {  	[sflag:s9] =	ssyncadd.s32 $0xFFFFFF80  }
0xa8: {  	[tilespmem:s8], [sflag:$0xA] =	stream.indirect.gather [hbm4b:s3+s29], $0x80, s22, s29, $0xb8;
	[tilespmem:$0x1BC80] =	vst v63  }
0xa9: {  	_ =	swait.ge [sflag:s10], $0x3E80  }
0xaa: {  	[sflag:s10] =	ssyncset.done $0x0  }
0xab: {  	[sflag:s10] =	ssyncadd.s32 $0xFFFFC180  }
0xac: {  	[spmem:s1] =	stream.indirect.scatter.add.f32 [tilespmem:s30], [sflag:$0xB], $0x80, s21, s29, $0xb8;
	[tilespmem:$0x1BC80] =	vst v63  }
0xad: {  	p4 =	seq.s32 s19, $0x4C0;
	_ =	swait.ge [sflag:s4], $0x3E80  }
0xae: {  	s28 =	simm.s32 @!p4 $0x0;
	s18 =	rddreg [dreg:$0x9];
	[sflag:s4] =	ssyncset.done $0x0  }
0xaf: {  	s20 =	rddreg [dreg:$0x8];
	[sflag:s4] =	ssyncadd.s32 $0xFFFFC180;
	s18 =	sadd.s32 @!p4 s19, s18  }
0xb0: {  	[tilespmem:s28], [sflag:$0x1] =	stream.linear.gather @!p4 [hbm4b:s18+s28], $0x80, $0x38;
	[tilespmem:$0x1BC80] =	vst v63  }
0xb1: {  	s18 =	sadd.s32 @!p4 s19, s20;
	s20 =	simm.s32 @!p4 $0x200  }
0xb2: {  	[tilespmem:s20], [sflag:$0x5] =	stream.linear.gather @!p4 [hbm4b:s18+s28], $0x80, $0x38;
	[tilespmem:$0x1BC80] =	vst v63  }
0xb3: {  	_ =	swait.ge [sflag:s5], $0x80  }
0xb4: {  	[sflag:s5] =	ssyncset.done $0x0  }
0xb5: {  	[sflag:s5] =	ssyncadd.s32 $0xFFFFFF80  }
0xb6: {  	_ =	swait.ge [sflag:s11], $0x80  }
0xb7: {  	[sflag:s11] =	ssyncset.done $0x0  }
0xb8: {  	[sflag:s11] =	ssyncadd.s32 $0xFFFFFF80  }
0xb9: {  	[tilespmem:s30], [sflag:$0x9] =	stream.indirect.gather [hbm4b:s3+s29], $0x80, s24, s29, $0xb8;
	[tilespmem:$0x1BC80] =	vst v63  }
0xba: {  	_ =	swait.ge [sflag:s12], $0x3E80  }
0xbb: {  	[sflag:s12] =	ssyncset.done $0x0  }
0xbc: {  	[sflag:s12] =	ssyncadd.s32 $0xFFFFC180  }
0xbd: {  	[spmem:s1] =	stream.indirect.scatter.add.f32 [tilespmem:s8], [sflag:$0xC], $0x80, s23, s29, $0xb8;
	[tilespmem:$0x1BC80] =	vst v63  }
0xbe: {  	_ =	swait.ge [sflag:s13], $0x3E80  }
0xbf: {  	s17 =	simm.s32 @!p4 $0x80;
	s18 =	rddreg [dreg:$0x7];
	[sflag:s13] =	ssyncset.done $0x0  }
0xc0: {  	s20 =	rddreg [dreg:$0x6];
	[sflag:s13] =	ssyncadd.s32 $0xFFFFC180;
	s18 =	sadd.s32 @!p4 s19, s18  }
0xc1: {  	[tilespmem:s17], [sflag:$0x2] =	stream.linear.gather @!p4 [hbm4b:s18+s28], $0x80, $0x38;
	[tilespmem:$0x1BC80] =	vst v63  }
0xc2: {  	s17 =	sadd.s32 @!p4 s19, s20;
	s18 =	simm.s32 @!p4 $0x280  }
0xc3: {  	[tilespmem:s18], [sflag:$0x6] =	stream.linear.gather @!p4 [hbm4b:s17+s28], $0x80, $0x38;
	[tilespmem:$0x1BC80] =	vst v63  }
0xc4: {  	_ =	swait.ge [sflag:s14], $0x80  }
0xc5: {  	[sflag:s14] =	ssyncset.done $0x0  }
0xc6: {  	[sflag:s14] =	ssyncadd.s32 $0xFFFFFF80  }
0xc7: {  	_ =	swait.ge [sflag:s15], $0x80  }
0xc8: {  	[sflag:s15] =	ssyncset.done $0x0  }
0xc9: {  	[sflag:s15] =	ssyncadd.s32 $0xFFFFFF80  }
0xca: {  	[tilespmem:s8], [sflag:$0xA] =	stream.indirect.gather [hbm4b:s3+s29], $0x80, s31, s29, $0xb8;
	[tilespmem:$0x1BC80] =	vst v63  }
0xcb: {  	_ =	swait.ge [sflag:s10], $0x3E80  }
0xcc: {  	[sflag:s10] =	ssyncset.done $0x0  }
0xcd: {  	[sflag:s10] =	ssyncadd.s32 $0xFFFFC180  }
0xce: {  	[spmem:s1] =	stream.indirect.scatter.add.f32 [tilespmem:s30], [sflag:$0xB], $0x80, s25, s29, $0xb8;
	[tilespmem:$0x1BC80] =	vst v63  }
0xcf: {  	_ =	swait.ge [sflag:s4], $0x3E80  }
0xd0: {  	s20 =	simm.s32 @!p4 $0x100;
	s17 =	rddreg [dreg:$0x5];
	[sflag:s4] =	ssyncset.done $0x0  }
0xd1: {  	s18 =	rddreg [dreg:$0x4];
	[sflag:s4] =	ssyncadd.s32 $0xFFFFC180;
	s17 =	sadd.s32 @!p4 s19, s17  }
0xd2: {  	[tilespmem:s20], [sflag:$0x3] =	stream.linear.gather @!p4 [hbm4b:s17+s28], $0x80, $0x38;
	[tilespmem:$0x1BC80] =	vst v63  }
0xd3: {  	s17 =	sadd.s32 @!p4 s19, s18;
	s18 =	simm.s32 @!p4 $0x300;
	s20 =	simm.s32 @!p4 $0x1  }
0xd4: {  	[tilespmem:s18], [sflag:$0x7] =	stream.linear.gather @!p4 [hbm4b:s17+s28], $0x80, $0x38;
	[tilespmem:$0x1BC80] =	vst v63  }
0xd5: {  	_ =	swait.ge @!p4 [sflag:s20], $0x80  }
0xd6: {  	s26 =	smov.u32 s7;
	[sflag:s20] =	ssyncset.done @!p4 $0x0  }
0xd7: {  	s7 =	sadd.s32 $0x40, s7;
	s17 =	simm.s32 @!p4 $0x5;
	[sflag:s20] =	ssyncadd.s32 @!p4 $0xFFFFFF80  }
0xd8: {  	p3 =	sne.s32 s7, $0x500;
	_ =	swait.ge @!p4 [sflag:s17], $0x80  }
.Ltmp4:
0xd9: {  	[sflag:s17] =	ssyncset.done @!p4 $0x0;
	(pc) =	sbr.rel @p3 .LBB2_6-.Ltmp4, $4  }
0xda: {  	s18 =	simm.s32 @!p4 $0x400;
	[sflag:s17] =	ssyncadd.s32 @!p4 $0xFFFFFF80;
	s17 =	simm.s32 @!p4 $0x7D  }
0xdb: {  	[tilespmem:s18], [sflag:$0x9] =	stream.indirect.gather @!p4 [hbm4b:s3+s17], $0x80, s28, s17, $0xb8;
	[tilespmem:$0x1BC80] =	vst v63  }
0xdc: {  	s19 =	smov.u32 s26;
	_ =	swait.ge [sflag:s12], $0x3E80  }
0xdd: {  	p4 =	seq.s32 s19, $0x0;
	[sflag:s12] =	ssyncset.done $0x0  }
0xde: {  	s7 =	simm.s32 @!p4 $0xC;
	[sflag:s12] =	ssyncadd.s32 $0xFFFFC180  }
0xdf: {  	[spmem:s1] =	stream.indirect.scatter.add.f32 [tilespmem:s8], [sflag:$0xC], $0x80, s0, s29, $0xb8;
	[tilespmem:$0x1BC80] =	vst v63  }
0xe0: {  	_ =	swait.ge @!p4 [sflag:s7], $0x3E80  }
0xe1: {  	s17 =	rddreg [dreg:$0xb];
	[sflag:s7] =	ssyncset.done @!p4 $0x0  }
0xe2: {  	s18 =	rddreg [dreg:$0xa];
	[sflag:s7] =	ssyncadd.s32 @!p4 $0xFFFFC180;
	s17 =	sadd.s32 s19, s17  }
0xe3: {  	[tilespmem:s31], [sflag:$0x4] =	stream.linear.gather [hbm4b:s17+s2], $0x80, $0x38;
	[tilespmem:$0x1BC80] =	vst v63  }
0xe4: {  	s18 =	sadd.s32 s19, s18  }
0xe5: {  	[tilespmem:s0], [sflag:$0x8] =	stream.linear.gather [hbm4b:s18+s2], $0x80, $0x38;
	[tilespmem:$0x1BC80] =	vst v63  }
0xe6: {  	_ =	swait.ge [sflag:s6], $0x80  }
0xe7: {  	[sflag:s6] =	ssyncset.done $0x0  }
0xe8: {  	[sflag:s6] =	ssyncadd.s32 $0xFFFFFF80  }
0xe9: {  	_ =	swait.ge [sflag:s9], $0x80  }
0xea: {  	[sflag:s9] =	ssyncset.done $0x0  }
0xeb: {  	[sflag:s9] =	ssyncadd.s32 $0xFFFFFF80  }
0xec: {  	[tilespmem:s8], [sflag:$0xA] =	stream.indirect.gather [hbm4b:s3+s29], $0x80, s22, s29, $0xb8;
	[tilespmem:$0x1BC80] =	vst v63  }
0xed: {  	_ =	swait.ge [sflag:s10], $0x3E80  }
0xee: {  	[sflag:s10] =	ssyncset.done $0x0  }
0xef: {  	[sflag:s10] =	ssyncadd.s32 $0xFFFFC180  }
0xf0: {  	[spmem:s1] =	stream.indirect.scatter.add.f32 [tilespmem:s30], [sflag:$0xB], $0x80, s21, s29, $0xb8;
	[tilespmem:$0x1BC80] =	vst v63  }
0xf1: {  	p3 =	seq.s32 s19, $0x4C0;
	_ =	swait.ge [sflag:s4], $0x3E80  }
0xf2: {  	s18 =	simm.s32 @!p3 $0x0;
	s7 =	rddreg [dreg:$0x9];
	[sflag:s4] =	ssyncset.done $0x0  }
0xf3: {  	s17 =	rddreg [dreg:$0x8];
	[sflag:s4] =	ssyncadd.s32 $0xFFFFC180;
	s7 =	sadd.s32 @!p3 s19, s7  }
0xf4: {  	[tilespmem:s18], [sflag:$0x1] =	stream.linear.gather @!p3 [hbm4b:s7+s18], $0x80, $0x38;
	[tilespmem:$0x1BC80] =	vst v63  }
0xf5: {  	s7 =	sadd.s32 @!p3 s19, s17;
	s17 =	simm.s32 @!p3 $0x200  }
0xf6: {  	[tilespmem:s17], [sflag:$0x5] =	stream.linear.gather @!p3 [hbm4b:s7+s18], $0x80, $0x38;
	[tilespmem:$0x1BC80] =	vst v63  }
0xf7: {  	_ =	swait.ge [sflag:s5], $0x80  }
0xf8: {  	[sflag:s5] =	ssyncset.done $0x0  }
0xf9: {  	[sflag:s5] =	ssyncadd.s32 $0xFFFFFF80  }
0xfa: {  	_ =	swait.ge [sflag:s11], $0x80  }
0xfb: {  	[sflag:s11] =	ssyncset.done $0x0  }
0xfc: {  	[sflag:s11] =	ssyncadd.s32 $0xFFFFFF80  }
0xfd: {  	[tilespmem:s30], [sflag:$0x9] =	stream.indirect.gather [hbm4b:s3+s29], $0x80, s24, s29, $0xb8;
	[tilespmem:$0x1BC80] =	vst v63  }
0xfe: {  	_ =	swait.ge [sflag:s12], $0x3E80  }
0xff: {  	[sflag:s12] =	ssyncset.done $0x0  }
0x100: {  	[sflag:s12] =	ssyncadd.s32 $0xFFFFC180  }
0x101: {  	[spmem:s1] =	stream.indirect.scatter.add.f32 [tilespmem:s8], [sflag:$0xC], $0x80, s23, s29, $0xb8;
	[tilespmem:$0x1BC80] =	vst v63  }
0x102: {  	_ =	swait.ge [sflag:s13], $0x3E80  }
0x103: {  	s20 =	simm.s32 @!p3 $0x80;
	s7 =	rddreg [dreg:$0x7];
	[sflag:s13] =	ssyncset.done $0x0  }
0x104: {  	s17 =	rddreg [dreg:$0x6];
	[sflag:s13] =	ssyncadd.s32 $0xFFFFC180;
	s7 =	sadd.s32 @!p3 s19, s7  }
0x105: {  	[tilespmem:s20], [sflag:$0x2] =	stream.linear.gather @!p3 [hbm4b:s7+s18], $0x80, $0x38;
	[tilespmem:$0x1BC80] =	vst v63  }
0x106: {  	s7 =	sadd.s32 @!p3 s19, s17;
	s17 =	simm.s32 @!p3 $0x280  }
0x107: {  	[tilespmem:s17], [sflag:$0x6] =	stream.linear.gather @!p3 [hbm4b:s7+s18], $0x80, $0x38;
	[tilespmem:$0x1BC80] =	vst v63  }
0x108: {  	_ =	swait.ge [sflag:s14], $0x80  }
0x109: {  	[sflag:s14] =	ssyncset.done $0x0  }
0x10a: {  	[sflag:s14] =	ssyncadd.s32 $0xFFFFFF80  }
0x10b: {  	_ =	swait.ge [sflag:s15], $0x80  }
0x10c: {  	[sflag:s15] =	ssyncset.done $0x0  }
0x10d: {  	[sflag:s15] =	ssyncadd.s32 $0xFFFFFF80  }
0x10e: {  	[tilespmem:s8], [sflag:$0xA] =	stream.indirect.gather [hbm4b:s3+s29], $0x80, s31, s29, $0xb8;
	[tilespmem:$0x1BC80] =	vst v63  }
0x10f: {  	_ =	swait.ge [sflag:s10], $0x3E80  }
0x110: {  	[sflag:s10] =	ssyncset.done $0x0  }
0x111: {  	[sflag:s10] =	ssyncadd.s32 $0xFFFFC180  }
0x112: {  	[spmem:s1] =	stream.indirect.scatter.add.f32 [tilespmem:s30], [sflag:$0xB], $0x80, s25, s29, $0xb8;
	[tilespmem:$0x1BC80] =	vst v63  }
0x113: {  	_ =	swait.ge [sflag:s4], $0x3E80  }
0x114: {  	s20 =	simm.s32 @!p3 $0x100;
	s7 =	rddreg [dreg:$0x5];
	[sflag:s4] =	ssyncset.done $0x0  }
0x115: {  	s17 =	rddreg [dreg:$0x4];
	[sflag:s4] =	ssyncadd.s32 $0xFFFFC180;
	s7 =	sadd.s32 @!p3 s19, s7  }
0x116: {  	[tilespmem:s20], [sflag:$0x3] =	stream.linear.gather @!p3 [hbm4b:s7+s18], $0x80, $0x38;
	[tilespmem:$0x1BC80] =	vst v63  }
0x117: {  	s7 =	sadd.s32 @!p3 s19, s17;
	s17 =	simm.s32 @!p3 $0x300  }
0x118: {  	[tilespmem:s17], [sflag:$0x7] =	stream.linear.gather @!p3 [hbm4b:s7+s18], $0x80, $0x38;
	[tilespmem:$0x1BC80] =	vst v63  }
0x119: {  	s7 =	simm.s32 @!p3 $0x1  }
0x11a: {  	_ =	swait.ge @!p3 [sflag:s7], $0x80  }
0x11b: {  	[sflag:s7] =	ssyncset.done @!p3 $0x0  }
0x11c: {  	[sflag:s7] =	ssyncadd.s32 @!p3 $0xFFFFFF80;
	s7 =	simm.s32 @!p3 $0x5  }
0x11d: {  	_ =	swait.ge @!p3 [sflag:s7], $0x80  }
0x11e: {  	[sflag:s7] =	ssyncset.done @!p3 $0x0  }
0x11f: {  	s17 =	simm.s32 @!p3 $0x400;
	[sflag:s7] =	ssyncadd.s32 @!p3 $0xFFFFFF80;
	s7 =	simm.s32 @!p3 $0x7D  }
0x120: {  	[tilespmem:s17], [sflag:$0x9] =	stream.indirect.gather @!p3 [hbm4b:s3+s7], $0x80, s18, s7, $0xb8;
	[tilespmem:$0x1BC80] =	vst v63  }
0x121: {  	_ =	swait.ge [sflag:s12], $0x3E80  }
0x122: {  	[sflag:s12] =	ssyncset.done $0x0  }
0x123: {  	[sflag:s12] =	ssyncadd.s32 $0xFFFFC180  }
0x124: {  	[spmem:s1] =	stream.indirect.scatter.add.f32 [tilespmem:s8], [sflag:$0xC], $0x80, s0, s29, $0xb8;
	[tilespmem:$0x1BC80] =	vst v63  }
0x125: {  	_ =	swait.ge [sflag:s13], $0x3E80  }
0x126: {  	[sflag:s13] =	ssyncset.done $0x0  }
0x127: {  	[sflag:s13] =	ssyncadd.s32 $0xFFFFC180  }
0x128: {  	[bflag:$0x0] =	sbarrier.arrive $0xFFFF  }
0x129: {  	s19 =	rddreg [dreg:$0x1b]  }
0x12a: {  	s20 =	rddreg [dreg:$0x18]  }
0x12b: {  	s26 =	rddreg [dreg:$0x1c];
	s7 =	sor.u32 $0x1C0D, s19  }
0x12c: {  	[hbm:s20], [sflag:s7] =	dma.local [spmem:s26], $0x2700  }
0x12d: {  	s20 =	simm.s32 $0xD  }
0x12e: {  	_ =	swait.ge [sflag:s20], $0x2700  }
0x12f: {  	[sflag:s20] =	ssyncset.done $0x0;
	s17 =	rddreg [dreg:$0xe]  }
0x130: {  	s18 =	rddreg [dreg:$0x19];
	[sflag:s20] =	ssyncadd.s32 $0xFFFFD900;
	s17 =	sshrl.u32 @!p2 s17, $0x3  }
0x131: {  	[hbm:s18], [sflag:s7] =	dma.local @!p2 [spmem:s17], $0x100  }
0x132: {  	s7 =	simm.s32 @!p2 $0xD  }
0x133: {  	_ =	swait.ge @!p2 [sflag:s7], $0x100  }
0x134: {  	s16 =	sadd.s32 $0x1, s16;
	s28 =	rddreg [dreg:$0x1a]  }
0x135: {  	p3 =	sne.s32 s16, s28  }
.Ltmp5:
0x136: {  	_ = 	snop;
	(pc) =	sbr.rel @p3 .LBB2_1-.Ltmp5, $3  }
0x137: {  	_ =	sdelay $0x1  }
0x138: {  	[sflag:s7] =	ssyncset.done @!p2 $0x0  }
0x139: {  	[sflag:s7] =	ssyncadd.s32 @!p2 $0xFFFFFF00  }
0x13a: {  	_ =	sfence.sel $0x180000  }
0x13b: {  	[bflag:$0x0] =	sbarrier.arrive $0xFFFF  }
0x13c: {  	_ =	strace $0x9000004A  }
0x13d: {  	[bflag:$0x2] =	sbarrier.arrive $0xFFFF  }
0x13e: {  	s0 =	rddreg [dreg:$0x3]  }
0x13f: {  	s0 =	sadd.s32 @!p2 $0x100000, s0  }
0x140: {  	[sflag:s0] =	ssyncadd.tile.s32 @!p2 $0x1;
	_ =	shalt  }
.Lfunc_end2:
_tile_overlayer_lowered:
.L_overlay_start_2:
0x141: {  	(tag) =	ssettag $0x2  }
0x142: {  	s0 =	rddreg [dreg:$0x0];
	s2 =	stileid.u32  }
0x143: {  	s1 =	rddreg [dreg:$0x1];
	p0 =	sne.s32 s2, $0x0  }
0x144: {  	s3 =	rddreg [dreg:$0x2];
	[bflag:$0x3] =	sbarrier.arrive $0xFFFF;
	s2 =	simm.s32 @!p0 $0x1C0D  }
0x145: {  	[timem:s3], [sflag:s2] =	dma.local @!p0 [hbm:s0], s1  }
0x146: {  	s0 =	simm.s32 @!p0 $0xD  }
0x147: {  	_ =	swait.ge @!p0 [sflag:s0], s1  }
0x148: {  	s1 =	ssub.s32 @!p0 $0x0, s1;
	[sflag:s0] =	ssyncset.done @!p0 $0x0  }
0x149: {  	[sflag:s0] =	ssyncadd.s32 @!p0 s1  }
0x14a: {  	[bflag:$0x3] =	sbarrier.arrive $0xFFFF  }
0x14b: {  	_ =	shalt  }

// kernel: kernel.7.cloned.1.call-start
scs
__scs_entry_jumppad:
0x0: {  	(pc) =	sbr.rel $0x88, $3  }
0x1: {  	(tag) =	ssettag $0x0;
	lr =	simm.s32 $0x1  }
0x2: {  	[smem:$0x3F98] =	sst lr;
	_ =	strace $0xD0000000  }
0x3: {  	_ = 	snop  }
0x4: {  	_ = 	snop  }
0x5: {  	_ = 	snop  }
0x6: {  	_ = 	snop  }
0x7: {  	_ = 	snop  }
__scs_overlays_trampoline_lowered:
0x8: {  	[smem:$0x3FA7] =	sst s0  }
0x9: {  	[smem:$0x3FA8] =	sst s1  }
0xa: {  	[smem:$0x3FA9] =	sst s2  }
0xb: {  	[smem:$0x3FAA] =	sst s3  }
0xc: {  	[smem:$0x3FAB] =	sst s4  }
0xd: {  	[smem:$0x3FAC] =	sst s5  }
0xe: {  	[smem:$0x3FAD] =	sst s6  }
0xf: {  	[smem:$0x3FAE] =	sst s7  }
0x10: {  	[smem:$0x3FAF] =	sst s8  }
0x11: {  	[smem:$0x3FB0] =	sst s9;
	s0 =	simm.s32 @!p0 $0x0  }
0x12: {  	s1 =	sld [smem:$0x3F96];
	s0 =	simm.s32 @p0 $0x1  }
0x13: {  	[smem:$0x3FB1] =	sst s0;
	s0 =	simm.s32 @!p1 $0x0  }
0x14: {  	s2 =	sld [smem:$0x3F95];
	s0 =	simm.s32 @p1 $0x1  }
0x15: {  	[smem:$0x3FB2] =	sst s0;
	s0 =	simm.s32 @!p2 $0x0  }
0x16: {  	s3 =	sld [smem:$0x3FDB];
	s0 =	simm.s32 @p2 $0x1  }
0x17: {  	s4 =	simm.s32 $0x1BF5;
	[smem:$0x3FB4] =	sst s0  }
0x18: {  	s0 =	sld [smem:$0x3F97];
	_ =	swait.ge [sflag:s4], $0x0  }
0x19: {  	s7 =	sld [smem:$0x3F98]  }
0x1a: {  	s8 =	sadd.s32 $0xFFFFE003, lr  }
0x1b: {  	s9 =	sadd.s32 $0xFFFFFEF7, lr;
	s5 =	simm.s32 $0xFFFFFFFF;
	p2 =	slt.u32 s8, $0xFFFFF086  }
0x1c: {  	p1 =	slt.u32 s9, $0xF7A;
	s5 =	simm.s32 @!p2 $0x0  }
0x1d: {  	s5 =	simm.s32 @p1 $0x1;
	p0 =	seq.s32 s7, s2  }
0x1e: {  	s7 =	smul.u32 @!p0 $0xF7A, s2;
	p2 =	seq.s32 @!p0 s5, $0x0  }
0x1f: {  	s9 =	smul.u32 $0xF7A, s1;
	s8 =	simm.s32 @!p0 $0x1BF5;
	p2 =	por !p2, p0  }
0x20: {  	[sflag:s8] =	ssyncset.s32 @!p0 $0xFFFFF086;
	s6 =	sadd.s32 @!p0 s3, s7;
	s7 =	simm.s32 @!p0 $0x108  }
0x21: {  	s3 =	sadd.s32 s3, s9;
	s6 =	sadd.s32 @!p0 $0x88, s6;
	s7 =	simm.s32 @p2 $0x1082  }
0x22: {  	[simem:s7], [sflag:s8] =	dma.local @!p0 [hbm:s6], $0xF7A  }
0x23: {  	s9 =	sor.u32 $0xD0000000, s2;
	s6 =	simm.s32 $0x108;
	_ =	swait.ge @!p0 [sflag:s8], $0x0  }
0x24: {  	s3 =	sadd.s32 $0x88, s3;
	s6 =	simm.s32 @!p1 $0x1082;
	[sflag:s4] =	ssyncset.s32 $0xFFFFF086  }
0x25: {  	[simem:s6], [sflag:s4] =	dma.local [hbm:s3], $0xF7A  }
0x26: {  	[smem:$0x3F98] =	sst s1;
	(tag) =	ssettag s2;
	_ =	strace s9  }
0x27: {  	s1 =	sld [smem:$0x3FA8]  }
0x28: {  	s2 =	sld [smem:$0x3FA9]  }
0x29: {  	s4 =	sld [smem:$0x3FAB]  }
0x2a: {  	p0 =	seq.s32 s5, $0x0;
	s5 =	sld [smem:$0x3FAC]  }
0x2b: {  	s6 =	sld [smem:$0x3FAD]  }
0x2c: {  	s7 =	sld [smem:$0x3FAE]  }
0x2d: {  	s3 =	simm.s32 $0x108;
	s8 =	sld [smem:$0x3FAF]  }
0x2e: {  	s3 =	simm.s32 @!p0 $0x1082;
	s9 =	sld [smem:$0x3FB0]  }
0x2f: {  	lr =	sadd.s32 s0, s3;
	s0 =	sld [smem:$0x3FA7]  }
0x30: {  	s3 =	sld [smem:$0x3FAA]  }
0x31: {  	[smem:$0x3FB3] =	sst s10  }
0x32: {  	s10 =	sld [smem:$0x3FB1];
	_ =	sdelay $0x3  }
0x33: {  	p0 =	seq.s32 s10, $0x1;
	s10 =	sld [smem:$0x3FB3];
	_ =	sdelay $0x3  }
0x34: {  	[smem:$0x3FB3] =	sst s10  }
0x35: {  	s10 =	sld [smem:$0x3FB2];
	_ =	sdelay $0x3  }
0x36: {  	p1 =	seq.s32 s10, $0x1;
	s10 =	sld [smem:$0x3FB3];
	_ =	sdelay $0x3  }
0x37: {  	[smem:$0x3FB3] =	sst s10  }
0x38: {  	s10 =	sld [smem:$0x3FB4]  }
0x39: {  	_ = 	snop;
	(pc) =	sbr.ind lr, $3  }
0x3a: {  	_ = 	snop  }
0x3b: {  	_ = 	snop  }
0x3c: {  	p2 =	seq.s32 s10, $0x1;
	s10 =	sld [smem:$0x3FB3]  }
0x3d: {  	_ =	shalt  }
0x3e: {  	_ =	shalt  }
0x3f: {  	_ =	shalt  }
0x40: {  	_ =	shalt  }
0x41: {  	_ =	shalt  }
0x42: {  	_ =	shalt  }
0x43: {  	_ =	shalt  }
0x44: {  	_ =	shalt  }
0x45: {  	_ =	shalt  }
0x46: {  	_ =	shalt  }
0x47: {  	_ =	shalt  }
0x48: {  	_ =	shalt  }
0x49: {  	_ =	shalt  }
0x4a: {  	_ =	shalt  }
0x4b: {  	_ =	shalt  }
0x4c: {  	_ =	shalt  }
0x4d: {  	_ =	shalt  }
0x4e: {  	_ =	shalt  }
0x4f: {  	_ =	shalt  }
0x50: {  	_ =	shalt  }
0x51: {  	_ =	shalt  }
0x52: {  	_ =	shalt  }
0x53: {  	_ =	shalt  }
0x54: {  	_ =	shalt  }
0x55: {  	_ =	shalt  }
0x56: {  	_ =	shalt  }
0x57: {  	_ =	shalt  }
0x58: {  	_ =	shalt  }
0x59: {  	_ =	shalt  }
0x5a: {  	_ =	shalt  }
0x5b: {  	_ =	shalt  }
0x5c: {  	_ =	shalt  }
0x5d: {  	_ =	shalt  }
0x5e: {  	_ =	shalt  }
0x5f: {  	_ =	shalt  }
0x60: {  	_ =	shalt  }
0x61: {  	_ =	shalt  }
0x62: {  	_ =	shalt  }
0x63: {  	_ =	shalt  }
0x64: {  	_ =	shalt  }
0x65: {  	_ =	shalt  }
0x66: {  	_ =	shalt  }
0x67: {  	_ =	shalt  }
0x68: {  	_ =	shalt  }
0x69: {  	_ =	shalt  }
0x6a: {  	_ =	shalt  }
0x6b: {  	_ =	shalt  }
0x6c: {  	_ =	shalt  }
0x6d: {  	_ =	shalt  }
0x6e: {  	_ =	shalt  }
0x6f: {  	_ =	shalt  }
0x70: {  	_ =	shalt  }
0x71: {  	_ =	shalt  }
0x72: {  	_ =	shalt  }
0x73: {  	_ =	shalt  }
0x74: {  	_ =	shalt  }
0x75: {  	_ =	shalt  }
0x76: {  	_ =	shalt  }
0x77: {  	_ =	shalt  }
0x78: {  	_ =	shalt  }
0x79: {  	_ =	shalt  }
0x7a: {  	_ =	shalt  }
0x7b: {  	_ =	shalt  }
0x7c: {  	_ =	shalt  }
0x7d: {  	_ =	shalt  }
0x7e: {  	_ =	shalt  }
0x7f: {  	_ =	shalt  }
0x80: {  	_ =	shalt  }
0x81: {  	_ =	shalt  }
0x82: {  	_ =	shalt  }
0x83: {  	_ =	shalt  }
0x84: {  	_ =	shalt  }
0x85: {  	_ =	shalt  }
0x86: {  	_ =	shalt  }
0x87: {  	_ =	shalt  }
.Lfunc_end0:
.L_simem_size_0:
called_computation_lowered:
.L_overlay_start_0:
0x88: {  	s2 =	sld [smem:$0x3FD9]  }
0x89: {  	s3 =	sld [smem:$0x3FFE];
	_ =	sdelay $0x1  }
0x8a: {  	s1 =	srdreg.scid  }
0x8b: {  	s0 =	sand.u32 $0x1, s1  }
0x8c: {  	s17 =	sshll.u32 s0, $0xA;
	s2 =	sadd.s32 s3, s2  }
0x8d: {  	s2 =	sadd.s32 s2, s17  }
0x8e: {  	[smem:$0x3FBF] =	sst s2  }
0x8f: {  	_ = 	snop  }
0x90: {  	s2 =	sld [smem:$0x3FD0];
	(tm) =	ssettm $0x1  }
0x91: {  	s18 =	sld [smem:$0x3FFB];
	_ =	sdelay $0x3  }
0x92: {  	_ =	strace s18  }
0x93: {  	s3 =	sld [smem:$0x3FFC];
	_ =	sdelay $0x3  }
0x94: {  	_ =	strace s3  }
0x95: {  	s3 =	sld [smem:$0x3FFD];
	_ =	sdelay $0x3  }
0x96: {  	_ =	strace s3  }
0x97: {  	_ =	strace $0x8FFFFFFF  }
0x98: {  	s19 =	sld [smem:$0x3FDB];
	_ =	sdelay $0x1  }
0x99: {  	s4 =	simm.s32 $_scs_section_size  }
0x9a: {  	s5 =	simm.s32 $_size__tile_overlayer_lowered;
	s6 =	simm.s32 $_tile_overlayer_lowered  }
0x9b: {  	s22 =	simm.s32 $0x1BFF;
	s21 =	sshll.u32 s6, $0x1;
	s3 =	sadd.s32 s4, s19  }
0x9c: {  	s7 =	simm.s32 $0x0;
	s20 =	sshll.u32 s5, $0x1;
	s5 =	sadd.s32 s21, s3  }
0x9d: {  	[timem:s7], [sflag:s22] =	dma.local [hbm:s5], s20  }
0x9e: {  	_ =	swait.ge [sflag:s22], s20  }
0x9f: {  	s4 =	ssub.s32 $0x0, s20;
	[sflag:s22] =	ssyncset.done $0x0  }
0xa0: {  	[sflag:s22] =	ssyncadd.s32 s4;
	_ =	sdelay $0x1  }
0xa1: {  	s23 =	simm.s32 $0x1B8B  }
0xa2: {  	_ =	swait.ge [sflag:s23], $0x1  }
0xa3: {  	[sflag:s23] =	ssyncset.done $0x0  }
0xa4: {  	s25 =	simm.s32 $0x1B8E;
	s24 =	sld [smem:$0x3FFE];
	[sflag:s23] =	ssyncadd.s32 $0xFFFFFFFF  }
0xa5: {  	s26 =	simm.s32 $execute0_lowered;
	[smem:$0x3FD2] =	sst s25  }
0xa6: {  	s5 =	sshll.u32 s26, $0x1;
	_ =	strace $0x80000046;
	[dreg:$0x1] =	wrdreg $0xFFFFFFFF  }
0xa7: {  	s28 =	simm.s32 $_size_execute0_lowered;
	s3 =	sadd.s32 s3, s5;
	[dreg:$0x0] =	wrdreg $0x0  }
0xa8: {  	s5 =	sshll.u32 s28, $0x1;
	[dreg:$0x2] =	wrdreg s3  }
0xa9: {  	[dreg:$0x3] =	wrdreg s5  }
0xaa: {  	[dreg:$0x4] =	wrdreg $0xC0  }
0xab: {  	_ =	task [dreg:s7], $0x5FFFF  }
0xac: {  	[dreg:$0x1] =	wrdreg $0xFFFFFFFF  }
0xad: {  	[dreg:$0x0] =	wrdreg $0x60  }
0xae: {  	[dreg:$0x2] =	wrdreg s24  }
0xaf: {  	[dreg:$0x3] =	wrdreg s2  }
0xb0: {  	[dreg:$0x4] =	wrdreg $0x84000  }
0xb1: {  	[dreg:$0x5] =	wrdreg $0x9  }
0xb2: {  	_ =	task.clear_ibuf [dreg:s7], $0x6FFFF;
	_ =	strace $0x90000046  }
0xb3: {  	s29 =	simm.s32 $0x9;
	_ =	strace $0x80000048  }
0xb4: {  	_ =	swait.ge [sflag:s29], $0x1  }
0xb5: {  	[sflag:s29] =	ssyncadd.s32 $0xFFFFFFFF  }
0xb6: {  	_ =	strace $0x90000048  }
0xb7: {  	_ =	sfence  }
0xb8: {  	s30 =	sld [smem:$0x0];
	_ =	sdelay $0x2  }
0xb9: {  	s31 =	sshll.u32 s1, $0xD;
	s1 =	sshrl.u32 s1, $0x2  }
0xba: {  	s3 =	sand.u32 $0x4000, s31;
	s1 =	sadd.s32 s1, s30  }
0xbb: {  	s0 =	sor.u32 s3, s0;
	s1 =	sshll.u32 s1, $0x11  }
0xbc: {  	s0 =	sor.u32 s1, s0  }
0xbd: {  	s0 =	sadd.s32 $0x8F2B, s0  }
0xbe: {  	[sflag:s0] =	ssyncadd.remote.s32 $0x1  }
0xbf: {  	_ =	sfence.sel $0xFFFF  }
0xc0: {  	[dreg:$0x0] =	wrdreg $0xFFFFFFFF;
	(pc) =	sbr.abs _section_cstart, $3  }
0xc1: {  	[dreg:$0x1] =	wrdreg $0xFFFFFFFF  }
0xc2: {  	_ =	task.clear_ibuf [dreg:s7], $0x2FFFF;
	_ =	strace $0x9FFFFFFF  }
0xc3: {  	(tm) =	ssettm $0x7FFFFFFF  }
tec
execute0_lowered:
.L_overlay_start_1:
0x0: {  	(tag) =	ssettag $0x1  }
0x1: {  	s4 =	rddreg [dreg:$0x0]  }
0x2: {  	s5 =	rddreg [dreg:$0x1]  }
0x3: {  	s1 =	rddreg [dreg:$0x2];
	s2 =	simm.s32 $0x0  }
0x4: {  	s0 =	srdreg.scid;
	s15 =	stileid.u32;
	s29 =	simm.s32 $0x7D  }
0x5: {  	s30 =	simm.s32 $0x400;
	s31 =	simm.s32 $0x180;
	[smem:$0x7FF] =	sst s2  }
0x6: {  	s3 =	sadd.s32 $0x15A00, s4;
	s0 =	sand.u32 $0x1, s0;
	s10 =	smul.u32 $0x4E000, s15  }
0x7: {  	s6 =	sadd.s32 $0xBA00, s4;
	s8 =	sadd.s32 $0x1A00, s4;
	s26 =	smul.u32 $0x2700, s15  }
0x8: {  	s11 =	sadd.s32 $0x175400, s4;
	s12 =	sshll.u32 s15, $0x1;
	s13 =	smul.u32 $0x13800, s15  }
0x9: {  	s28 =	smul.u32 $0x5000, s15;
	s16 =	sadd.s32 $0x138000, s1;
	s4 =	sadd.s32 $0x175200, s4  }
0xa: {  	p1 =	seq.s32 s15, $0x0;
	p2 =	sne.s32 s15, $0x0;
	s15 =	simm.s32 $0x8  }
0xb: {  	_ =	strace $0x80000047;
	s7 =	ssub.s32 $0x2, s0;
	[dreg:$0xe] =	wrdreg s16  }
0xc: {  	s12 =	sor.u32 s0, s12;
	s14 =	smul.u32 $0x2800, s0;
	[dreg:$0x11] =	wrdreg s4  }
0xd: {  	s16 =	smul.u32 $0x138800, s0;
	p0 =	sne.s32 s0, $0x0;
	s10 =	sshrl.u32 s10, $0x2  }
0xe: {  	s9 =	sshrl.u32 s7, $0x1;
	s17 =	sshrl.u32 s13, $0x3;
	s10 =	sadd.s32 s10, s1  }
0xf: {  	s7 =	ssub.s32 s7, s9;
	s9 =	sadd.s32 s5, s26;
	[dreg:$0xc] =	wrdreg s10  }
0x10: {  	s12 =	smul.u32 $0x2800, s12;
	s5 =	sadd.s32 $0x27000, s5;
	[dreg:$0xd] =	wrdreg s9  }
0x11: {  	s0 =	simm.s32 $0x380;
	s9 =	sadd.s32 s3, s17;
	[dreg:$0xf] =	wrdreg s5  }
0x12: {  	s5 =	sadd.s32 s14, s28;
	s19 =	sshrl.u32 s12, $0x3;
	s18 =	sadd.s32 $0x138800, s9  }
0x13: {  	s20 =	sor.u32 $0x300, s5;
	s21 =	sadd.s32 s6, s19;
	s22 =	sadd.s32 s8, s19  }
0x14: {  	s23 =	sor.u32 $0x10, s19;
	s14 =	sor.u32 $0x280, s5;
	[dreg:$0x10] =	wrdreg s18  }
0x15: {  	s4 =	sor.u32 $0x20, s19;
	s19 =	sadd.s32 s13, s16;
	[dreg:$0x12] =	wrdreg s21  }
0x16: {  	s13 =	simm.s32 $0xC;
	[dreg:$0x13] =	wrdreg s22;
	s9 =	sshrl.u32 s20, $0x3  }
0x17: {  	s25 =	sshrl.u32 s14, $0x3;
	s26 =	sadd.s32 s6, s23;
	s10 =	sadd.s32 s8, s23  }
0x18: {  	s14 =	sor.u32 $0x200, s5;
	s18 =	sadd.s32 s6, s4;
	[dreg:$0x14] =	wrdreg s26  }
0x19: {  	s4 =	sadd.s32 s8, s4;
	s20 =	sshrl.u32 s19, $0x3;
	[dreg:$0x15] =	wrdreg s10  }
0x1a: {  	s5 =	sor.u32 $0x180, s5;
	s22 =	sshrl.u32 s16, $0x3;
	[dreg:$0x16] =	wrdreg s18  }
0x1b: {  	s16 =	simm.s32 $0x0;
	s24 =	sadd.s32 s9, s8;
	[dreg:$0x17] =	wrdreg s4  }
0x1c: {  	s9 =	sadd.s32 s9, s6;
	s28 =	sadd.s32 s25, s8;
	[dreg:$0x4] =	wrdreg s24  }
0x1d: {  	s12 =	sadd.s32 s25, s6;
	s4 =	sadd.s32 s11, s20;
	[dreg:$0x5] =	wrdreg s9  }
0x1e: {  	s5 =	sshrl.u32 s5, $0x3;
	s20 =	simm.s32 $0xD;
	[dreg:$0x6] =	wrdreg s28  }
0x1f: {  	s10 =	simm.s32 $0x9;
	s9 =	sshrl.u32 s14, $0x3;
	[dreg:$0x7] =	wrdreg s12  }
0x20: {  	[dreg:$0x18] =	wrdreg s4;
	s23 =	sadd.s32 s5, s8;
	s24 =	sadd.s32 s11, s22  }
0x21: {  	s25 =	sadd.s32 s5, s6;
	s28 =	smax.u32 s7, $0x1;
	s22 =	simm.s32 $0x80  }
0x22: {  	s4 =	simm.s32 $0xB;
	s5 =	simm.s32 $0x3;
	s11 =	simm.s32 $0x7  }
0x23: {  	s12 =	simm.s32 $0xA;
	s14 =	simm.s32 $0x4;
	[dreg:$0xa] =	wrdreg s23  }
0x24: {  	s17 =	sadd.s32 s9, s8;
	s21 =	sadd.s32 s9, s6;
	[dreg:$0x1a] =	wrdreg s28  }
0x25: {  	s26 =	sadd.s32 $0x27000, s24;
	[dreg:$0xb] =	wrdreg s25;
	s23 =	simm.s32 $0x280  }
0x26: {  	s24 =	simm.s32 $0x100;
	s25 =	simm.s32 $0x300;
	[dreg:$0x8] =	wrdreg s17  }
0x27: {  	s6 =	simm.s32 $0x2;
	s9 =	simm.s32 $0x6;
	[dreg:$0x9] =	wrdreg s21  }
0x28: {  	s8 =	simm.s32 $0x4400;
	[dreg:$0x19] =	wrdreg s26;
	s21 =	simm.s32 $0x200  }
.LBB2_1:
.Ltmp0:
0x29: {  	(pc) =	sbr.rel @p0 .LBB2_3-.Ltmp0, $4  }
0x2a: {  	_ = 	snop  }
0x2b: {  	s7 =	stileid.u32  }
0x2c: {  	s28 =	rddreg [dreg:$0xc];
	s17 =	sshll.u32 s7, $0x6  }
0x2d: {  	s18 =	sshrl.u32 s28, $0x3;
	s7 =	sor.u32 $0x1C0D, s17;
	[dreg:$0x1b] =	wrdreg s17  }
0x2e: {  	s7 =	sor.u32 $0x1C0D, s17;
	s28 =	rddreg [dreg:$0x10]  }
0x2f: {  	[spmem:s18], [sflag:s7] =	dma.local [hbm:s28], $0x2700  }
.Ltmp1:
0x30: {  	_ = 	snop;
	(pc) =	sbr.rel @!p1 .LBB2_5-.Ltmp1, $4  }
.Ltmp2:
0x31: {  	_ = 	snop;
	(pc) =	sbr.rel @p1 .LBB2_4-.Ltmp2, $4  }
0x32: {  	_ =	swait.ge [sflag:s20], $0x2700  }
0x33: {  	[sflag:s20] =	ssyncset.done $0x0  }
0x34: {  	s19 =	rddreg [dreg:$0x11];
	[sflag:s20] =	ssyncadd.s32 $0xFFFFD900  }
0x35: {  	_ = 	snop  }
.LBB2_3:
.Ltmp3:
0x36: {  	s17 =	rddreg [dreg:$0xd];
	(pc) =	sbr.rel @p2 .LBB2_5-.Ltmp3, $4  }
0x37: {  	[spmem:s18], [sflag:s7] =	dma.local [hbm:s17], $0x2700  }
0x38: {  	_ =	swait.ge [sflag:s20], $0x2700  }
0x39: {  	[sflag:s20] =	ssyncset.done $0x0  }
0x3a: {  	s19 =	rddreg [dreg:$0xf];
	[sflag:s20] =	ssyncadd.s32 $0xFFFFD900  }
.LBB2_4:
0x3b: {  	s17 =	rddreg [dreg:$0xe]  }
0x3c: {  	s26 =	sshrl.u32 s17, $0x3  }
0x3d: {  	[spmem:s26], [sflag:s7] =	dma.local [hbm:s19], $0x100  }
0x3e: {  	_ =	swait.ge [sflag:s20], $0x100  }
0x3f: {  	[sflag:s20] =	ssyncset.done $0x0  }
0x40: {  	[sflag:s20] =	ssyncadd.s32 $0xFFFFFF00  }
.LBB2_5:
0x41: {  	[dreg:$0x1c] =	wrdreg s18  }
0x42: {  	[bflag:$0x0] =	sbarrier.arrive $0xFFFF  }
0x43: {  	s7 =	simm.s32 $0x0;
	s17 =	rddreg [dreg:$0x12]  }
0x44: {  	[tilespmem:s7], [sflag:$0x1] =	stream.linear.gather [hbm4b:s17+s7], $0x80, $0x38;
	[tilespmem:$0x1BC80] =	vst v63  }
0x45: {  	s18 =	rddreg [dreg:$0x13]  }
0x46: {  	[tilespmem:s21], [sflag:$0x5] =	stream.linear.gather [hbm4b:s18+s7], $0x80, $0x38;
	[tilespmem:$0x1BC80] =	vst v63  }
0x47: {  	s19 =	rddreg [dreg:$0x14]  }
0x48: {  	[tilespmem:s22], [sflag:$0x2] =	stream.linear.gather [hbm4b:s19+s7], $0x80, $0x38;
	[tilespmem:$0x1BC80] =	vst v63  }
0x49: {  	s20 =	rddreg [dreg:$0x15]  }
0x4a: {  	[tilespmem:s23], [sflag:$0x6] =	stream.linear.gather [hbm4b:s20+s7], $0x80, $0x38;
	[tilespmem:$0x1BC80] =	vst v63  }
0x4b: {  	s26 =	rddreg [dreg:$0x16]  }
0x4c: {  	[tilespmem:s24], [sflag:$0x3] =	stream.linear.gather [hbm4b:s26+s7], $0x80, $0x38;
	[tilespmem:$0x1BC80] =	vst v63  }
0x4d: {  	s28 =	rddreg [dreg:$0x17];
	s18 =	simm.s32 $0x1  }
0x4e: {  	[tilespmem:s25], [sflag:$0x7] =	stream.linear.gather [hbm4b:s28+s7], $0x80, $0x38;
	[tilespmem:$0x1BC80] =	vst v63  }
0x4f: {  	_ =	swait.ge [sflag:s18], $0x80  }
0x50: {  	[sflag:s18] =	ssyncset.done $0x0  }
0x51: {  	s19 =	simm.s32 $0x5;
	[sflag:s18] =	ssyncadd.s32 $0xFFFFFF80  }
0x52: {  	_ =	swait.ge [sflag:s19], $0x80  }
0x53: {  	[sflag:s19] =	ssyncset.done $0x0  }
0x54: {  	p3 =	por $0x1, $0x1;
	[sflag:s19] =	ssyncadd.s32 $0xFFFFFF80  }
0x55: {  	[tilespmem:s30], [sflag:$0x9] =	stream.indirect.gather [hbm4b:s3+s29], $0x80, s7, s29, $0xb8;
	[tilespmem:$0x1BC80] =	vst v63  }
0x56: {  	s7 =	simm.s32 @!p3 $0xC  }
0x57: {  	_ =	swait.ge @!p3 [sflag:s7], $0x3E80  }
0x58: {  	s19 =	rddreg [dreg:$0xb];
	[sflag:s7] =	ssyncset.done @!p3 $0x0  }
0x59: {  	s26 =	rddreg [dreg:$0xa];
	[sflag:s7] =	ssyncadd.s32 @!p3 $0xFFFFC180;
	s20 =	sadd.s32 $0x0, s19  }
0x5a: {  	[tilespmem:s31], [sflag:$0x4] =	stream.linear.gather [hbm4b:s20+s2], $0x80, $0x38;
	[tilespmem:$0x1BC80] =	vst v63  }
0x5b: {  	s28 =	sadd.s32 $0x0, s26  }
0x5c: {  	[tilespmem:s0], [sflag:$0x8] =	stream.linear.gather [hbm4b:s28+s2], $0x80, $0x38;
	[tilespmem:$0x1BC80] =	vst v63  }
0x5d: {  	_ =	swait.ge [sflag:s6], $0x80  }
0x5e: {  	[sflag:s6] =	ssyncset.done $0x0  }
0x5f: {  	[sflag:s6] =	ssyncadd.s32 $0xFFFFFF80  }
0x60: {  	_ =	swait.ge [sflag:s9], $0x80  }
0x61: {  	[sflag:s9] =	ssyncset.done $0x0  }
0x62: {  	[sflag:s9] =	ssyncadd.s32 $0xFFFFFF80  }
0x63: {  	[tilespmem:s8], [sflag:$0xA] =	stream.indirect.gather [hbm4b:s3+s29], $0x80, s22, s29, $0xb8;
	[tilespmem:$0x1BC80] =	vst v63  }
0x64: {  	_ =	swait.ge [sflag:s10], $0x3E80  }
0x65: {  	[sflag:s10] =	ssyncset.done $0x0  }
0x66: {  	[sflag:s10] =	ssyncadd.s32 $0xFFFFC180  }
0x67: {  	[spmem:s1] =	stream.indirect.scatter.add.f32 [tilespmem:s30], [sflag:$0xB], $0x80, s21, s29, $0xb8;
	[tilespmem:$0x1BC80] =	vst v63  }
0x68: {  	p3 =	por $0x0, $0x0;
	_ =	swait.ge [sflag:s4], $0x3E80  }
0x69: {  	s26 =	simm.s32 @!p3 $0x0;
	s7 =	rddreg [dreg:$0x9];
	[sflag:s4] =	ssyncset.done $0x0  }
0x6a: {  	s19 =	rddreg [dreg:$0x8];
	[sflag:s4] =	ssyncadd.s32 $0xFFFFC180;
	s7 =	sadd.s32 @!p3 $0x0, s7  }
0x6b: {  	[tilespmem:s26], [sflag:$0x1] =	stream.linear.gather @!p3 [hbm4b:s7+s26], $0x80, $0x38;
	[tilespmem:$0x1BC80] =	vst v63  }
0x6c: {  	s7 =	sadd.s32 @!p3 $0x0, s19;
	s19 =	simm.s32 @!p3 $0x200  }
0x6d: {  	[tilespmem:s19], [sflag:$0x5] =	stream.linear.gather @!p3 [hbm4b:s7+s26], $0x80, $0x38;
	[tilespmem:$0x1BC80] =	vst v63  }
0x6e: {  	_ =	swait.ge [sflag:s5], $0x80  }
0x6f: {  	[sflag:s5] =	ssyncset.done $0x0  }
0x70: {  	[sflag:s5] =	ssyncadd.s32 $0xFFFFFF80  }
0x71: {  	_ =	swait.ge [sflag:s11], $0x80  }
0x72: {  	[sflag:s11] =	ssyncset.done $0x0  }
0x73: {  	[sflag:s11] =	ssyncadd.s32 $0xFFFFFF80  }
0x74: {  	[tilespmem:s30], [sflag:$0x9] =	stream.indirect.gather [hbm4b:s3+s29], $0x80, s24, s29, $0xb8;
	[tilespmem:$0x1BC80] =	vst v63  }
0x75: {  	_ =	swait.ge [sflag:s12], $0x3E80  }
0x76: {  	[sflag:s12] =	ssyncset.done $0x0  }
0x77: {  	[sflag:s12] =	ssyncadd.s32 $0xFFFFC180  }
0x78: {  	[spmem:s1] =	stream.indirect.scatter.add.f32 [tilespmem:s8], [sflag:$0xC], $0x80, s23, s29, $0xb8;
	[tilespmem:$0x1BC80] =	vst v63  }
0x79: {  	_ =	swait.ge [sflag:s13], $0x3E80  }
0x7a: {  	s28 =	simm.s32 @!p3 $0x80;
	s7 =	rddreg [dreg:$0x7];
	[sflag:s13] =	ssyncset.done $0x0  }
0x7b: {  	s19 =	rddreg [dreg:$0x6];
	[sflag:s13] =	ssyncadd.s32 $0xFFFFC180;
	s7 =	sadd.s32 @!p3 $0x0, s7  }
0x7c: {  	[tilespmem:s28], [sflag:$0x2] =	stream.linear.gather @!p3 [hbm4b:s7+s26], $0x80, $0x38;
	[tilespmem:$0x1BC80] =	vst v63  }
0x7d: {  	s7 =	sadd.s32 @!p3 $0x0, s19;
	s19 =	simm.s32 @!p3 $0x280  }
0x7e: {  	[tilespmem:s19], [sflag:$0x6] =	stream.linear.gather @!p3 [hbm4b:s7+s26], $0x80, $0x38;
	[tilespmem:$0x1BC80] =	vst v63  }
0x7f: {  	_ =	swait.ge [sflag:s14], $0x80  }
0x80: {  	[sflag:s14] =	ssyncset.done $0x0  }
0x81: {  	[sflag:s14] =	ssyncadd.s32 $0xFFFFFF80  }
0x82: {  	_ =	swait.ge [sflag:s15], $0x80  }
0x83: {  	[sflag:s15] =	ssyncset.done $0x0  }
0x84: {  	[sflag:s15] =	ssyncadd.s32 $0xFFFFFF80  }
0x85: {  	[tilespmem:s8], [sflag:$0xA] =	stream.indirect.gather [hbm4b:s3+s29], $0x80, s31, s29, $0xb8;
	[tilespmem:$0x1BC80] =	vst v63  }
0x86: {  	_ =	swait.ge [sflag:s10], $0x3E80  }
0x87: {  	[sflag:s10] =	ssyncset.done $0x0  }
0x88: {  	[sflag:s10] =	ssyncadd.s32 $0xFFFFC180  }
0x89: {  	[spmem:s1] =	stream.indirect.scatter.add.f32 [tilespmem:s30], [sflag:$0xB], $0x80, s25, s29, $0xb8;
	[tilespmem:$0x1BC80] =	vst v63  }
0x8a: {  	_ =	swait.ge [sflag:s4], $0x3E80  }
0x8b: {  	s28 =	simm.s32 @!p3 $0x100;
	s7 =	rddreg [dreg:$0x5];
	[sflag:s4] =	ssyncset.done $0x0  }
0x8c: {  	s19 =	rddreg [dreg:$0x4];
	[sflag:s4] =	ssyncadd.s32 $0xFFFFC180;
	s7 =	sadd.s32 @!p3 $0x0, s7  }
0x8d: {  	[tilespmem:s28], [sflag:$0x3] =	stream.linear.gather @!p3 [hbm4b:s7+s26], $0x80, $0x38;
	[tilespmem:$0x1BC80] =	vst v63  }
0x8e: {  	s7 =	sadd.s32 @!p3 $0x0, s19;
	s19 =	simm.s32 @!p3 $0x300  }
0x8f: {  	[tilespmem:s19], [sflag:$0x7] =	stream.linear.gather @!p3 [hbm4b:s7+s26], $0x80, $0x38;
	[tilespmem:$0x1BC80] =	vst v63  }
0x90: {  	s7 =	simm.s32 @!p3 $0x1  }
0x91: {  	_ =	swait.ge @!p3 [sflag:s7], $0x80  }
0x92: {  	[sflag:s7] =	ssyncset.done @!p3 $0x0  }
0x93: {  	[sflag:s7] =	ssyncadd.s32 @!p3 $0xFFFFFF80;
	s7 =	simm.s32 @!p3 $0x5  }
0x94: {  	_ =	swait.ge @!p3 [sflag:s7], $0x80  }
0x95: {  	[sflag:s7] =	ssyncset.done @!p3 $0x0  }
0x96: {  	s19 =	simm.s32 @!p3 $0x400;
	[sflag:s7] =	ssyncadd.s32 @!p3 $0xFFFFFF80;
	s7 =	simm.s32 @!p3 $0x7D  }
0x97: {  	[tilespmem:s19], [sflag:$0x9] =	stream.indirect.gather @!p3 [hbm4b:s3+s7], $0x80, s26, s7, $0xb8;
	[tilespmem:$0x1BC80] =	vst v63  }
0x98: {  	p4 =	por $0x0, $0x0;
	_ =	swait.ge [sflag:s12], $0x3E80  }
0x99: {  	s19 =	simm.s32 $0x40;
	s7 =	simm.s32 $0x80;
	[sflag:s12] =	ssyncset.done $0x0  }
.LBB2_6:
0x9a: {  	s28 =	simm.s32 @!p4 $0xC;
	[sflag:s12] =	ssyncadd.s32 $0xFFFFC180  }
0x9b: {  	[spmem:s1] =	stream.indirect.scatter.add.f32 [tilespmem:s8], [sflag:$0xC], $0x80, s0, s29, $0xb8;
	[tilespmem:$0x1BC80] =	vst v63  }
0x9c: {  	_ =	swait.ge @!p4 [sflag:s28], $0x3E80  }
0x9d: {  	[sflag:s28] =	ssyncset.done @!p4 $0x0;
	s18 =	rddreg [dreg:$0xb]  }
0x9e: {  	s20 =	rddreg [dreg:$0xa];
	[sflag:s28] =	ssyncadd.s32 @!p4 $0xFFFFC180;
	s18 =	sadd.s32 s19, s18  }
0x9f: {  	[tilespmem:s31], [sflag:$0x4] =	stream.linear.gather [hbm4b:s18+s2], $0x80, $0x38;
	[tilespmem:$0x1BC80] =	vst v63  }
0xa0: {  	s28 =	sadd.s32 s19, s20  }
0xa1: {  	[tilespmem:s0], [sflag:$0x8] =	stream.linear.gather [hbm4b:s28+s2], $0x80, $0x38;
	[tilespmem:$0x1BC80] =	vst v63  }
0xa2: {  	_ =	swait.ge [sflag:s6], $0x80  }
0xa3: {  	[sflag:s6] =	ssyncset.done $0x0  }
0xa4: {  	[sflag:s6] =	ssyncadd.s32 $0xFFFFFF80  }
0xa5: {  	_ =	swait.ge [sflag:s9], $0x80  }
0xa6: {  	[sflag:s9] =	ssyncset.done $0x0  }
0xa7: {  	[sflag:s9] =	ssyncadd.s32 $0xFFFFFF80  }
0xa8: {  	[tilespmem:s8], [sflag:$0xA] =	stream.indirect.gather [hbm4b:s3+s29], $0x80, s22, s29, $0xb8;
	[tilespmem:$0x1BC80] =	vst v63  }
0xa9: {  	_ =	swait.ge [sflag:s10], $0x3E80  }
0xaa: {  	[sflag:s10] =	ssyncset.done $0x0  }
0xab: {  	[sflag:s10] =	ssyncadd.s32 $0xFFFFC180  }
0xac: {  	[spmem:s1] =	stream.indirect.scatter.add.f32 [tilespmem:s30], [sflag:$0xB], $0x80, s21, s29, $0xb8;
	[tilespmem:$0x1BC80] =	vst v63  }
0xad: {  	p4 =	seq.s32 s19, $0x4C0;
	_ =	swait.ge [sflag:s4], $0x3E80  }
0xae: {  	s28 =	simm.s32 @!p4 $0x0;
	s18 =	rddreg [dreg:$0x9];
	[sflag:s4] =	ssyncset.done $0x0  }
0xaf: {  	s20 =	rddreg [dreg:$0x8];
	[sflag:s4] =	ssyncadd.s32 $0xFFFFC180;
	s18 =	sadd.s32 @!p4 s19, s18  }
0xb0: {  	[tilespmem:s28], [sflag:$0x1] =	stream.linear.gather @!p4 [hbm4b:s18+s28], $0x80, $0x38;
	[tilespmem:$0x1BC80] =	vst v63  }
0xb1: {  	s18 =	sadd.s32 @!p4 s19, s20;
	s20 =	simm.s32 @!p4 $0x200  }
0xb2: {  	[tilespmem:s20], [sflag:$0x5] =	stream.linear.gather @!p4 [hbm4b:s18+s28], $0x80, $0x38;
	[tilespmem:$0x1BC80] =	vst v63  }
0xb3: {  	_ =	swait.ge [sflag:s5], $0x80  }
0xb4: {  	[sflag:s5] =	ssyncset.done $0x0  }
0xb5: {  	[sflag:s5] =	ssyncadd.s32 $0xFFFFFF80  }
0xb6: {  	_ =	swait.ge [sflag:s11], $0x80  }
0xb7: {  	[sflag:s11] =	ssyncset.done $0x0  }
0xb8: {  	[sflag:s11] =	ssyncadd.s32 $0xFFFFFF80  }
0xb9: {  	[tilespmem:s30], [sflag:$0x9] =	stream.indirect.gather [hbm4b:s3+s29], $0x80, s24, s29, $0xb8;
	[tilespmem:$0x1BC80] =	vst v63  }
0xba: {  	_ =	swait.ge [sflag:s12], $0x3E80  }
0xbb: {  	[sflag:s12] =	ssyncset.done $0x0  }
0xbc: {  	[sflag:s12] =	ssyncadd.s32 $0xFFFFC180  }
0xbd: {  	[spmem:s1] =	stream.indirect.scatter.add.f32 [tilespmem:s8], [sflag:$0xC], $0x80, s23, s29, $0xb8;
	[tilespmem:$0x1BC80] =	vst v63  }
0xbe: {  	_ =	swait.ge [sflag:s13], $0x3E80  }
0xbf: {  	s17 =	simm.s32 @!p4 $0x80;
	s18 =	rddreg [dreg:$0x7];
	[sflag:s13] =	ssyncset.done $0x0  }
0xc0: {  	s20 =	rddreg [dreg:$0x6];
	[sflag:s13] =	ssyncadd.s32 $0xFFFFC180;
	s18 =	sadd.s32 @!p4 s19, s18  }
0xc1: {  	[tilespmem:s17], [sflag:$0x2] =	stream.linear.gather @!p4 [hbm4b:s18+s28], $0x80, $0x38;
	[tilespmem:$0x1BC80] =	vst v63  }
0xc2: {  	s17 =	sadd.s32 @!p4 s19, s20;
	s18 =	simm.s32 @!p4 $0x280  }
0xc3: {  	[tilespmem:s18], [sflag:$0x6] =	stream.linear.gather @!p4 [hbm4b:s17+s28], $0x80, $0x38;
	[tilespmem:$0x1BC80] =	vst v63  }
0xc4: {  	_ =	swait.ge [sflag:s14], $0x80  }
0xc5: {  	[sflag:s14] =	ssyncset.done $0x0  }
0xc6: {  	[sflag:s14] =	ssyncadd.s32 $0xFFFFFF80  }
0xc7: {  	_ =	swait.ge [sflag:s15], $0x80  }
0xc8: {  	[sflag:s15] =	ssyncset.done $0x0  }
0xc9: {  	[sflag:s15] =	ssyncadd.s32 $0xFFFFFF80  }
0xca: {  	[tilespmem:s8], [sflag:$0xA] =	stream.indirect.gather [hbm4b:s3+s29], $0x80, s31, s29, $0xb8;
	[tilespmem:$0x1BC80] =	vst v63  }
0xcb: {  	_ =	swait.ge [sflag:s10], $0x3E80  }
0xcc: {  	[sflag:s10] =	ssyncset.done $0x0  }
0xcd: {  	[sflag:s10] =	ssyncadd.s32 $0xFFFFC180  }
0xce: {  	[spmem:s1] =	stream.indirect.scatter.add.f32 [tilespmem:s30], [sflag:$0xB], $0x80, s25, s29, $0xb8;
	[tilespmem:$0x1BC80] =	vst v63  }
0xcf: {  	_ =	swait.ge [sflag:s4], $0x3E80  }
0xd0: {  	s20 =	simm.s32 @!p4 $0x100;
	s17 =	rddreg [dreg:$0x5];
	[sflag:s4] =	ssyncset.done $0x0  }
0xd1: {  	s18 =	rddreg [dreg:$0x4];
	[sflag:s4] =	ssyncadd.s32 $0xFFFFC180;
	s17 =	sadd.s32 @!p4 s19, s17  }
0xd2: {  	[tilespmem:s20], [sflag:$0x3] =	stream.linear.gather @!p4 [hbm4b:s17+s28], $0x80, $0x38;
	[tilespmem:$0x1BC80] =	vst v63  }
0xd3: {  	s17 =	sadd.s32 @!p4 s19, s18;
	s18 =	simm.s32 @!p4 $0x300;
	s20 =	simm.s32 @!p4 $0x1  }
0xd4: {  	[tilespmem:s18], [sflag:$0x7] =	stream.linear.gather @!p4 [hbm4b:s17+s28], $0x80, $0x38;
	[tilespmem:$0x1BC80] =	vst v63  }
0xd5: {  	_ =	swait.ge @!p4 [sflag:s20], $0x80  }
0xd6: {  	s26 =	smov.u32 s7;
	[sflag:s20] =	ssyncset.done @!p4 $0x0  }
0xd7: {  	s7 =	sadd.s32 $0x40, s7;
	s17 =	simm.s32 @!p4 $0x5;
	[sflag:s20] =	ssyncadd.s32 @!p4 $0xFFFFFF80  }
0xd8: {  	p3 =	sne.s32 s7, $0x500;
	_ =	swait.ge @!p4 [sflag:s17], $0x80  }
.Ltmp4:
0xd9: {  	[sflag:s17] =	ssyncset.done @!p4 $0x0;
	(pc) =	sbr.rel @p3 .LBB2_6-.Ltmp4, $4  }
0xda: {  	s18 =	simm.s32 @!p4 $0x400;
	[sflag:s17] =	ssyncadd.s32 @!p4 $0xFFFFFF80;
	s17 =	simm.s32 @!p4 $0x7D  }
0xdb: {  	[tilespmem:s18], [sflag:$0x9] =	stream.indirect.gather @!p4 [hbm4b:s3+s17], $0x80, s28, s17, $0xb8;
	[tilespmem:$0x1BC80] =	vst v63  }
0xdc: {  	s19 =	smov.u32 s26;
	_ =	swait.ge [sflag:s12], $0x3E80  }
0xdd: {  	p4 =	seq.s32 s19, $0x0;
	[sflag:s12] =	ssyncset.done $0x0  }
0xde: {  	s7 =	simm.s32 @!p4 $0xC;
	[sflag:s12] =	ssyncadd.s32 $0xFFFFC180  }
0xdf: {  	[spmem:s1] =	stream.indirect.scatter.add.f32 [tilespmem:s8], [sflag:$0xC], $0x80, s0, s29, $0xb8;
	[tilespmem:$0x1BC80] =	vst v63  }
0xe0: {  	_ =	swait.ge @!p4 [sflag:s7], $0x3E80  }
0xe1: {  	s17 =	rddreg [dreg:$0xb];
	[sflag:s7] =	ssyncset.done @!p4 $0x0  }
0xe2: {  	s18 =	rddreg [dreg:$0xa];
	[sflag:s7] =	ssyncadd.s32 @!p4 $0xFFFFC180;
	s17 =	sadd.s32 s19, s17  }
0xe3: {  	[tilespmem:s31], [sflag:$0x4] =	stream.linear.gather [hbm4b:s17+s2], $0x80, $0x38;
	[tilespmem:$0x1BC80] =	vst v63  }
0xe4: {  	s18 =	sadd.s32 s19, s18  }
0xe5: {  	[tilespmem:s0], [sflag:$0x8] =	stream.linear.gather [hbm4b:s18+s2], $0x80, $0x38;
	[tilespmem:$0x1BC80] =	vst v63  }
0xe6: {  	_ =	swait.ge [sflag:s6], $0x80  }
0xe7: {  	[sflag:s6] =	ssyncset.done $0x0  }
0xe8: {  	[sflag:s6] =	ssyncadd.s32 $0xFFFFFF80  }
0xe9: {  	_ =	swait.ge [sflag:s9], $0x80  }
0xea: {  	[sflag:s9] =	ssyncset.done $0x0  }
0xeb: {  	[sflag:s9] =	ssyncadd.s32 $0xFFFFFF80  }
0xec: {  	[tilespmem:s8], [sflag:$0xA] =	stream.indirect.gather [hbm4b:s3+s29], $0x80, s22, s29, $0xb8;
	[tilespmem:$0x1BC80] =	vst v63  }
0xed: {  	_ =	swait.ge [sflag:s10], $0x3E80  }
0xee: {  	[sflag:s10] =	ssyncset.done $0x0  }
0xef: {  	[sflag:s10] =	ssyncadd.s32 $0xFFFFC180  }
0xf0: {  	[spmem:s1] =	stream.indirect.scatter.add.f32 [tilespmem:s30], [sflag:$0xB], $0x80, s21, s29, $0xb8;
	[tilespmem:$0x1BC80] =	vst v63  }
0xf1: {  	p3 =	seq.s32 s19, $0x4C0;
	_ =	swait.ge [sflag:s4], $0x3E80  }
0xf2: {  	s18 =	simm.s32 @!p3 $0x0;
	s7 =	rddreg [dreg:$0x9];
	[sflag:s4] =	ssyncset.done $0x0  }
0xf3: {  	s17 =	rddreg [dreg:$0x8];
	[sflag:s4] =	ssyncadd.s32 $0xFFFFC180;
	s7 =	sadd.s32 @!p3 s19, s7  }
0xf4: {  	[tilespmem:s18], [sflag:$0x1] =	stream.linear.gather @!p3 [hbm4b:s7+s18], $0x80, $0x38;
	[tilespmem:$0x1BC80] =	vst v63  }
0xf5: {  	s7 =	sadd.s32 @!p3 s19, s17;
	s17 =	simm.s32 @!p3 $0x200  }
0xf6: {  	[tilespmem:s17], [sflag:$0x5] =	stream.linear.gather @!p3 [hbm4b:s7+s18], $0x80, $0x38;
	[tilespmem:$0x1BC80] =	vst v63  }
0xf7: {  	_ =	swait.ge [sflag:s5], $0x80  }
0xf8: {  	[sflag:s5] =	ssyncset.done $0x0  }
0xf9: {  	[sflag:s5] =	ssyncadd.s32 $0xFFFFFF80  }
0xfa: {  	_ =	swait.ge [sflag:s11], $0x80  }
0xfb: {  	[sflag:s11] =	ssyncset.done $0x0  }
0xfc: {  	[sflag:s11] =	ssyncadd.s32 $0xFFFFFF80  }
0xfd: {  	[tilespmem:s30], [sflag:$0x9] =	stream.indirect.gather [hbm4b:s3+s29], $0x80, s24, s29, $0xb8;
	[tilespmem:$0x1BC80] =	vst v63  }
0xfe: {  	_ =	swait.ge [sflag:s12], $0x3E80  }
0xff: {  	[sflag:s12] =	ssyncset.done $0x0  }
0x100: {  	[sflag:s12] =	ssyncadd.s32 $0xFFFFC180  }
0x101: {  	[spmem:s1] =	stream.indirect.scatter.add.f32 [tilespmem:s8], [sflag:$0xC], $0x80, s23, s29, $0xb8;
	[tilespmem:$0x1BC80] =	vst v63  }
0x102: {  	_ =	swait.ge [sflag:s13], $0x3E80  }
0x103: {  	s20 =	simm.s32 @!p3 $0x80;
	s7 =	rddreg [dreg:$0x7];
	[sflag:s13] =	ssyncset.done $0x0  }
0x104: {  	s17 =	rddreg [dreg:$0x6];
	[sflag:s13] =	ssyncadd.s32 $0xFFFFC180;
	s7 =	sadd.s32 @!p3 s19, s7  }
0x105: {  	[tilespmem:s20], [sflag:$0x2] =	stream.linear.gather @!p3 [hbm4b:s7+s18], $0x80, $0x38;
	[tilespmem:$0x1BC80] =	vst v63  }
0x106: {  	s7 =	sadd.s32 @!p3 s19, s17;
	s17 =	simm.s32 @!p3 $0x280  }
0x107: {  	[tilespmem:s17], [sflag:$0x6] =	stream.linear.gather @!p3 [hbm4b:s7+s18], $0x80, $0x38;
	[tilespmem:$0x1BC80] =	vst v63  }
0x108: {  	_ =	swait.ge [sflag:s14], $0x80  }
0x109: {  	[sflag:s14] =	ssyncset.done $0x0  }
0x10a: {  	[sflag:s14] =	ssyncadd.s32 $0xFFFFFF80  }
0x10b: {  	_ =	swait.ge [sflag:s15], $0x80  }
0x10c: {  	[sflag:s15] =	ssyncset.done $0x0  }
0x10d: {  	[sflag:s15] =	ssyncadd.s32 $0xFFFFFF80  }
0x10e: {  	[tilespmem:s8], [sflag:$0xA] =	stream.indirect.gather [hbm4b:s3+s29], $0x80, s31, s29, $0xb8;
	[tilespmem:$0x1BC80] =	vst v63  }
0x10f: {  	_ =	swait.ge [sflag:s10], $0x3E80  }
0x110: {  	[sflag:s10] =	ssyncset.done $0x0  }
0x111: {  	[sflag:s10] =	ssyncadd.s32 $0xFFFFC180  }
0x112: {  	[spmem:s1] =	stream.indirect.scatter.add.f32 [tilespmem:s30], [sflag:$0xB], $0x80, s25, s29, $0xb8;
	[tilespmem:$0x1BC80] =	vst v63  }
0x113: {  	_ =	swait.ge [sflag:s4], $0x3E80  }
0x114: {  	s20 =	simm.s32 @!p3 $0x100;
	s7 =	rddreg [dreg:$0x5];
	[sflag:s4] =	ssyncset.done $0x0  }
0x115: {  	s17 =	rddreg [dreg:$0x4];
	[sflag:s4] =	ssyncadd.s32 $0xFFFFC180;
	s7 =	sadd.s32 @!p3 s19, s7  }
0x116: {  	[tilespmem:s20], [sflag:$0x3] =	stream.linear.gather @!p3 [hbm4b:s7+s18], $0x80, $0x38;
	[tilespmem:$0x1BC80] =	vst v63  }
0x117: {  	s7 =	sadd.s32 @!p3 s19, s17;
	s17 =	simm.s32 @!p3 $0x300  }
0x118: {  	[tilespmem:s17], [sflag:$0x7] =	stream.linear.gather @!p3 [hbm4b:s7+s18], $0x80, $0x38;
	[tilespmem:$0x1BC80] =	vst v63  }
0x119: {  	s7 =	simm.s32 @!p3 $0x1  }
0x11a: {  	_ =	swait.ge @!p3 [sflag:s7], $0x80  }
0x11b: {  	[sflag:s7] =	ssyncset.done @!p3 $0x0  }
0x11c: {  	[sflag:s7] =	ssyncadd.s32 @!p3 $0xFFFFFF80;
	s7 =	simm.s32 @!p3 $0x5  }
0x11d: {  	_ =	swait.ge @!p3 [sflag:s7], $0x80  }
0x11e: {  	[sflag:s7] =	ssyncset.done @!p3 $0x0  }
0x11f: {  	s17 =	simm.s32 @!p3 $0x400;
	[sflag:s7] =	ssyncadd.s32 @!p3 $0xFFFFFF80;
	s7 =	simm.s32 @!p3 $0x7D  }
0x120: {  	[tilespmem:s17], [sflag:$0x9] =	stream.indirect.gather @!p3 [hbm4b:s3+s7], $0x80, s18, s7, $0xb8;
	[tilespmem:$0x1BC80] =	vst v63  }
0x121: {  	_ =	swait.ge [sflag:s12], $0x3E80  }
0x122: {  	[sflag:s12] =	ssyncset.done $0x0  }
0x123: {  	[sflag:s12] =	ssyncadd.s32 $0xFFFFC180  }
0x124: {  	[spmem:s1] =	stream.indirect.scatter.add.f32 [tilespmem:s8], [sflag:$0xC], $0x80, s0, s29, $0xb8;
	[tilespmem:$0x1BC80] =	vst v63  }
0x125: {  	_ =	swait.ge [sflag:s13], $0x3E80  }
0x126: {  	[sflag:s13] =	ssyncset.done $0x0  }
0x127: {  	[sflag:s13] =	ssyncadd.s32 $0xFFFFC180  }
0x128: {  	[bflag:$0x0] =	sbarrier.arrive $0xFFFF  }
0x129: {  	s19 =	rddreg [dreg:$0x1b]  }
0x12a: {  	s20 =	rddreg [dreg:$0x18]  }
0x12b: {  	s26 =	rddreg [dreg:$0x1c];
	s7 =	sor.u32 $0x1C0D, s19  }
0x12c: {  	[hbm:s20], [sflag:s7] =	dma.local [spmem:s26], $0x2700  }
0x12d: {  	s20 =	simm.s32 $0xD  }
0x12e: {  	_ =	swait.ge [sflag:s20], $0x2700  }
0x12f: {  	[sflag:s20] =	ssyncset.done $0x0;
	s17 =	rddreg [dreg:$0xe]  }
0x130: {  	s18 =	rddreg [dreg:$0x19];
	[sflag:s20] =	ssyncadd.s32 $0xFFFFD900;
	s17 =	sshrl.u32 @!p2 s17, $0x3  }
0x131: {  	[hbm:s18], [sflag:s7] =	dma.local @!p2 [spmem:s17], $0x100  }
0x132: {  	s7 =	simm.s32 @!p2 $0xD  }
0x133: {  	_ =	swait.ge @!p2 [sflag:s7], $0x100  }
0x134: {  	s16 =	sadd.s32 $0x1, s16;
	s28 =	rddreg [dreg:$0x1a]  }
0x135: {  	p3 =	sne.s32 s16, s28  }
.Ltmp5:
0x136: {  	_ = 	snop;
	(pc) =	sbr.rel @p3 .LBB2_1-.Ltmp5, $3  }
0x137: {  	_ =	sdelay $0x1  }
0x138: {  	[sflag:s7] =	ssyncset.done @!p2 $0x0  }
0x139: {  	[sflag:s7] =	ssyncadd.s32 @!p2 $0xFFFFFF00  }
0x13a: {  	_ =	sfence.sel $0x180000  }
0x13b: {  	[bflag:$0x0] =	sbarrier.arrive $0xFFFF  }
0x13c: {  	_ =	strace $0x90000047  }
0x13d: {  	[bflag:$0x2] =	sbarrier.arrive $0xFFFF  }
0x13e: {  	s0 =	rddreg [dreg:$0x3]  }
0x13f: {  	s0 =	sadd.s32 @!p2 $0x100000, s0  }
0x140: {  	[sflag:s0] =	ssyncadd.tile.s32 @!p2 $0x1;
	_ =	shalt  }
.Lfunc_end2:
_tile_overlayer_lowered:
.L_overlay_start_2:
0x141: {  	(tag) =	ssettag $0x2  }
0x142: {  	s0 =	rddreg [dreg:$0x0];
	s2 =	stileid.u32  }
0x143: {  	s1 =	rddreg [dreg:$0x1];
	p0 =	sne.s32 s2, $0x0  }
0x144: {  	s3 =	rddreg [dreg:$0x2];
	[bflag:$0x3] =	sbarrier.arrive $0xFFFF;
	s2 =	simm.s32 @!p0 $0x1C0D  }
0x145: {  	[timem:s3], [sflag:s2] =	dma.local @!p0 [hbm:s0], s1  }
0x146: {  	s0 =	simm.s32 @!p0 $0xD  }
0x147: {  	_ =	swait.ge @!p0 [sflag:s0], s1  }
0x148: {  	s1 =	ssub.s32 @!p0 $0x0, s1;
	[sflag:s0] =	ssyncset.done @!p0 $0x0  }
0x149: {  	[sflag:s0] =	ssyncadd.s32 @!p0 s1  }
0x14a: {  	[bflag:$0x3] =	sbarrier.arrive $0xFFFF  }
0x14b: {  	_ =	shalt  }

</sc_bundles>
